<compile_context>
chip_gen: v7x
topology: tpu7x:2x2x1
jax: 0.10.2.dev20260603
libtpu: 0.0.44.dev20260713+nightly
codegen_flags: <defaults>
</compile_context>

<pallas_src>
import functools

import jax
import jax.numpy as jnp
from jax import lax
from jax.experimental import pallas as pl
from jax.experimental.pallas import tpu as pltpu
from jax.experimental.pallas import tpu_sc as plsc

BINSIZE = 200
FS_WIDTH = 1024.0
N_ROI = 64
N_CLUSTERS = 8
BINWIDTH = 500
TABLE_WORDS = N_ROI * N_CLUSTERS * BINWIDTH
N_FRAG = 1_000_000
NW = 32
CHUNK = 1488
GROUPS = CHUNK // 16
NCHUNK = 21
PER_TILE = CHUNK * NCHUNK
TAIL_BASE = PER_TILE * NW
TAIL = N_FRAG - TAIL_BASE
LABEL_WORDS = 1250

_LOG2_C = (-2.7868055642987652, 5.046852935527453, -3.4924660425540925,
           1.5938845482669501, -0.40486230941537504, 0.04342836333154978)
_LN2 = 0.6931471805599453


def _table_body(roi_ref, base_ref, delta_ref, out_ref):
    u = base_ref[0] + delta_ref[0]
    m = jnp.max(u, axis=-1, keepdims=True)
    lse = m + jnp.log(jnp.sum(jnp.exp(u - m), axis=-1, keepdims=True))
    out_ref[0] = u - lse


def _build_table(regions_oi, baseline_weight, delta_logit_weight):
    n_regions = baseline_weight.shape[0]
    table = pl.pallas_call(
        _table_body,
        grid_spec=pltpu.PrefetchScalarGridSpec(
            num_scalar_prefetch=1,
            grid=(N_ROI,),
            in_specs=[
                pl.BlockSpec((1, 1, BINWIDTH), lambda i, roi: (roi[i], 0, 0)),
                pl.BlockSpec((1, N_CLUSTERS, BINWIDTH),
                             lambda i, roi: (roi[i], 0, 0)),
            ],
            out_specs=pl.BlockSpec((1, N_CLUSTERS, BINWIDTH),
                                   lambda i, roi: (i, 0, 0)),
        ),
        out_shape=jax.ShapeDtypeStruct((N_ROI, N_CLUSTERS, BINWIDTH),
                                       jnp.float32),
    )(regions_oi, baseline_weight.reshape(n_regions, 1, BINWIDTH),
      delta_logit_weight)
    return table.reshape(-1)


def _emit_idx_lad(jb, in1_b, in2_b, idx_b, out_b, labels_v, g_v, lpi, cout,
                  iota16):
    sl = pl.ds(jb, 16)
    w1 = in1_b[sl]
    w2 = in2_b[sl]
    coord = w1 & 0x1FFFF
    fs = lax.shift_right_logical(w1, 17)
    cell = w2 & 0x3FFF
    region = lax.shift_right_logical(w2, 14)
    lw = plsc.load_gather(labels_v, [lax.shift_right_logical(cell, 3)])
    cl = lax.shift_right_logical(lw, lax.shift_left(cell & 7, 2)) & 7
    bin_ = lax.div(coord, BINSIZE)
    idx_b[sl] = (region * N_CLUSTERS + cl) * BINWIDTH + bin_
    fsf = fs.astype(jnp.float32)
    xb = jnp.clip(fsf * (1.0 / FS_WIDTH), 0.0, 1.0) * 4.0
    b = jnp.minimum(xb.astype(jnp.int32), 3)
    alpha = xb - b.astype(jnp.float32)
    gb = plsc.load_gather(g_v, [b])
    gb1 = plsc.load_gather(g_v, [b + 1])
    dens = gb + alpha * (gb1 - gb) + 1e-12
    ib = plsc.bitcast(dens, jnp.int32)
    e = (lax.shift_right_logical(ib, 23) & 0xFF) - 127
    m = plsc.bitcast((ib & 0x7FFFFF) | 0x3F800000, jnp.float32)
    p = jnp.float32(_LOG2_C[5])
    for k in (4, 3, 2, 1, 0):
        p = p * m + jnp.float32(_LOG2_C[k])
    ln = (e.astype(jnp.float32) + p) * _LN2
    lad = jnp.where(fsf > FS_WIDTH, cout, ln + lpi)
    plsc.store_scatter(out_b, [jb + iota16, iota16 * 0 + 1], lad)


def _sc_body(table_hbm, labels_hbm, w1_hbm, w2_hbm, consts_hbm, out_hbm,
             labels_v, g_v, in1_v0, in1_v1, in2_v0, in2_v1,
             idx_v0, idx_v1, gath_v0, gath_v1, out_v0, out_v1,
             s10, s11, s20, s21, so0, so1, sg0, sg1):
    in1_bufs = (in1_v0, in1_v1)
    in2_bufs = (in2_v0, in2_v1)
    out_bufs = (out_v0, out_v1)
    in1_sems = (s10, s11)
    in2_sems = (s20, s21)
    out_sems = (so0, so1)
    idx_bufs = (idx_v0, idx_v1)
    gath_bufs = (gath_v0, gath_v1)
    g_sems = (sg0, sg1)
    wid = lax.axis_index("s") * 2 + lax.axis_index("c")
    tile_base = wid * PER_TILE
    pltpu.sync_copy(labels_hbm, labels_v)
    pltpu.sync_copy(consts_hbm, g_v)
    iota16 = lax.iota(jnp.int32, 16)
    c5 = iota16 * 0 + 5
    lpi = plsc.load_gather(g_v, [c5])
    cout = plsc.load_gather(g_v, [c5 + 1])

    def in1_copy(g, b):
        base = tile_base + g * CHUNK
        return pltpu.make_async_copy(
            w1_hbm.at[pl.ds(base, CHUNK)], in1_bufs[b], in1_sems[b])

    def in2_copy(g, b):
        base = tile_base + g * CHUNK
        return pltpu.make_async_copy(
            w2_hbm.at[pl.ds(base, CHUNK)], in2_bufs[b], in2_sems[b])

    def in_start(g, b):
        in1_copy(g, b).start()
        in2_copy(g, b).start()

    def in_wait(g, b):
        in1_copy(g, b).wait()
        in2_copy(g, b).wait()

    def out_copy(g, b):
        base = tile_base + g * CHUNK
        return pltpu.make_async_copy(
            out_bufs[b], out_hbm.at[pl.ds(base, CHUNK)], out_sems[b])

    def scatter_lp0(out_b, jb, lp0):
        plsc.store_scatter(out_b, [jb + iota16, iota16 * 0], lp0)

    def gather_copy(b):
        return pltpu.make_async_copy(table_hbm.at[idx_bufs[b]], gath_bufs[b],
                                     g_sems[b])

    def pass1(b):
        def blk1(t, carry):
            for jj in range(3):
                _emit_idx_lad(t * 48 + jj * 16, in1_bufs[b], in2_bufs[b],
                              idx_bufs[b], out_bufs[b], labels_v, g_v, lpi,
                              cout, iota16)
            return carry

        lax.fori_loop(0, GROUPS // 3, blk1, 0)

    def pass2(b):
        def blk2(t, carry):
            for jj in range(3):
                jb = t * 48 + jj * 16
                scatter_lp0(out_bufs[b], jb, gath_bufs[b][pl.ds(jb, 16)])
            return carry

        lax.fori_loop(0, GROUPS // 3, blk2, 0)

    def compute(b):
        pass1(b)
        gather_copy(b).start()
        gather_copy(b).wait()
        pass2(b)

    in_start(0, 0)
    in_start(1, 1)
    in_wait(0, 0)
    pass1(0)
    gather_copy(0).start()

    def pipe_body(i, carry):
        for off, b in ((0, 1), (1, 0)):
            g = 1 + 2 * i + off

            @pl.when(g + 1 < NCHUNK)
            def _():
                in_start(g + 1, 1 - b)

            in_wait(g, b)

            @pl.when(g >= 2)
            def _():
                out_copy(g - 2, b).wait()

            pass1(b)
            gather_copy(b).start()
            gather_copy(1 - b).wait()
            pass2(1 - b)
            out_copy(g - 1, 1 - b).start()
        return carry

    lax.fori_loop(0, (NCHUNK - 1) // 2, pipe_body, 0)
    gather_copy(0).wait()
    pass2(0)
    out_copy(NCHUNK - 1, 0).start()
    out_copy(NCHUNK - 2, 1).wait()
    out_copy(NCHUNK - 1, 0).wait()

    @pl.when(wid == 0)
    def _tail():
        pltpu.sync_copy(w1_hbm.at[pl.ds(TAIL_BASE, TAIL)],
                        in1_v0.at[pl.ds(0, TAIL)])
        pltpu.sync_copy(w2_hbm.at[pl.ds(TAIL_BASE, TAIL)],
                        in2_v0.at[pl.ds(0, TAIL)])
        for j in range(TAIL // 16):
            _emit_idx_lad(j * 16, in1_v0, in2_v0, idx_v0, out_v0,
                          labels_v, g_v, lpi, cout, iota16)
        pltpu.async_copy(table_hbm.at[idx_v0.at[pl.ds(0, TAIL)]],
                         gath_v0.at[pl.ds(0, TAIL)], sg0).wait()
        for j in range(TAIL // 16):
            scatter_lp0(out_v0, j * 16, gath_v0[pl.ds(j * 16, 16)])
        pltpu.sync_copy(out_v0.at[pl.ds(0, TAIL)],
                        out_hbm.at[pl.ds(TAIL_BASE, TAIL)])


@functools.cache
def _sc_call():
    return pl.kernel(
        _sc_body,
        out_type=jax.ShapeDtypeStruct((N_FRAG, 2), jnp.float32),
        mesh=plsc.VectorSubcoreMesh(core_axis_name="c", subcore_axis_name="s",
                                    num_cores=2, num_subcores=16),
        compiler_params=pltpu.CompilerParams(needs_layout_passes=False,
                                             use_tc_tiling_on_sc=False),
        scratch_types=[
            pltpu.VMEM((LABEL_WORDS,), jnp.int32),
            pltpu.VMEM((128,), jnp.float32),
            pltpu.VMEM((CHUNK,), jnp.int32),
            pltpu.VMEM((CHUNK,), jnp.int32),
            pltpu.VMEM((CHUNK,), jnp.int32),
            pltpu.VMEM((CHUNK,), jnp.int32),
            pltpu.VMEM((CHUNK,), jnp.int32),
            pltpu.VMEM((CHUNK,), jnp.int32),
            pltpu.VMEM((CHUNK,), jnp.float32),
            pltpu.VMEM((CHUNK,), jnp.float32),
            pltpu.VMEM((CHUNK, 2), jnp.float32),
            pltpu.VMEM((CHUNK, 2), jnp.float32),
            pltpu.SemaphoreType.DMA,
            pltpu.SemaphoreType.DMA,
            pltpu.SemaphoreType.DMA,
            pltpu.SemaphoreType.DMA,
            pltpu.SemaphoreType.DMA,
            pltpu.SemaphoreType.DMA,
            pltpu.SemaphoreType.DMA,
            pltpu.SemaphoreType.DMA,
        ],
    )


def kernel(coord_left, fragment_size, regions_oi, local_region_ix,
           local_cell_ix, labels, baseline_weight, delta_logit_weight,
           spline_unnorm_heights, logprob_inside, spline_widths,
           spline_bin_locations):
    table = _build_table(regions_oi, baseline_weight, delta_logit_weight)
    lw = labels.astype(jnp.int32).reshape(LABEL_WORDS, 8)
    shifts = (jnp.arange(8, dtype=jnp.int32) * 4)[None, :]
    labels_words = jnp.sum(lw << shifts, axis=1, dtype=jnp.int32)
    w1 = coord_left.astype(jnp.int32) | (fragment_size.astype(jnp.int32) << 17)
    w2 = local_cell_ix.astype(jnp.int32) | (local_region_ix.astype(jnp.int32) << 14)
    h = jnp.exp(spline_unnorm_heights)
    norm = jnp.sum((h[:-1] + h[1:]) * 0.5 * spline_widths)
    g = (h / norm).astype(jnp.float32)
    lpi = logprob_inside.astype(jnp.float32)
    cout = jnp.log(1.0 - jnp.exp(lpi)) + lpi
    consts = jnp.concatenate(
        [g, lpi[None], cout[None], jnp.zeros((121,), jnp.float32)])
    return _sc_call()(table, labels_words, w1, w2, consts)

# --- scband reference (transcript-rebuilt; emitter-appended) ---
"""Pipeline reference for scband-fragment-position-distribution3-64802466562899 (READ-ONLY COPY).

The authoritative reference and input builder live on the scoring server;
editing this copy changes nothing except your own understanding.
"""

import jax, jax.numpy as jnp
import numpy as np

BINSIZE = 200
WINDOW0 = 0
REGION_WIDTH = 100000
BINWIDTH = REGION_WIDTH // BINSIZE  # 500
N_REGIONS = 10000
N_CLUSTERS = 8
N_CELLS = 10000
N_FRAGMENTS = 1000000
N_REGIONS_OI = 64
FS_WIDTH = 1024.0
N_SPLINE_BINS = 4


def _spline_logabsdet(x, widths, bin_locations, unnorm_heights):
    # quadratic spline on [0,1]: piecewise-linear density defined by edge heights
    h = jnp.exp(unnorm_heights)  # [n_bins+1] heights at bin edges
    norm = jnp.sum((h[:-1] + h[1:]) * 0.5 * widths)
    edges_left = jnp.concatenate([jnp.zeros((1,), dtype=widths.dtype), bin_locations[:-1]])
    b = jnp.clip(jnp.searchsorted(bin_locations, x, side='right'), 0, widths.shape[0] - 1)
    alpha = (x - edges_left[b]) / widths[b]
    dens = (h[b] * (1.0 - alpha) + h[b + 1] * alpha) / norm
    return jnp.log(dens + 1e-12)


def setup_inputs(seed: int = 0):
    key = jax.random.key(seed)
    ks = jax.random.split(key, 10)
    coord_left = jax.random.randint(ks[0], (N_FRAGMENTS,), 0, 97999)
    fragment_size = jax.random.randint(ks[1], (N_FRAGMENTS,), 0, 1500)
    regions_oi = jax.random.randint(ks[2], (N_REGIONS_OI,), 0, N_REGIONS)
    local_region_ix = jax.random.randint(ks[3], (N_FRAGMENTS,), 0, N_REGIONS_OI)
    local_cell_ix = jax.random.randint(ks[4], (N_FRAGMENTS,), 0, N_CELLS)
    labels = jax.random.randint(ks[5], (N_CELLS,), 0, N_CLUSTERS)
    baseline_weight = jax.random.normal(ks[6], (N_REGIONS, BINWIDTH), dtype=jnp.float32) * 0.02
    delta_logit_weight = jax.random.normal(ks[7], (N_REGIONS, N_CLUSTERS, BINWIDTH), dtype=jnp.float32) * 0.01
    spline_unnorm_heights = jax.random.normal(ks[8], (N_SPLINE_BINS + 1,), dtype=jnp.float32) * 0.1
    logprob_inside = jnp.array(np.log(0.1), dtype=jnp.float32)
    spline_widths = jnp.full((N_SPLINE_BINS,), 1.0 / N_SPLINE_BINS, dtype=jnp.float32)
    spline_bin_locations = jnp.cumsum(spline_widths)
    return {
        'coord_left': coord_left,
        'fragment_size': fragment_size,
        'regions_oi': regions_oi,
        'local_region_ix': local_region_ix,
        'local_cell_ix': local_cell_ix,
        'labels': labels,
        'baseline_weight': baseline_weight,
        'delta_logit_weight': delta_logit_weight,
        'spline_unnorm_heights': spline_unnorm_heights,
        'logprob_inside': logprob_inside,
        'spline_widths': spline_widths,
        'spline_bin_locations': spline_bin_locations,
    }


def reference(coord_left, fragment_size, regions_oi, local_region_ix, local_cell_ix, labels,
              baseline_weight, delta_logit_weight, spline_unnorm_heights, logprob_inside,
              spline_widths, spline_bin_locations):
    # embedding lookups for regions of interest
    baseline_oi = baseline_weight[regions_oi]                      # [R_oi, BW]
    delta_oi = delta_logit_weight[regions_oi]                      # [R_oi, C, BW]
    unnormalized_heights = baseline_oi[:, None, :] + delta_oi      # [R_oi, C, BW]
    heights_left = jax.nn.log_softmax(unnormalized_heights, axis=-1)
    bin_ixs_left = (coord_left - WINDOW0) // BINSIZE               # [N]
    cluster_ix = labels[local_cell_ix]                             # [N]
    lp0 = heights_left[local_region_ix, cluster_ix, bin_ixs_left]  # [N] per-fragment gather
    # fragment-size distribution (quadratic spline)
    xs = jnp.clip(fragment_size.astype(jnp.float32) / FS_WIDTH, 0.0, 1.0)
    lad = _spline_logabsdet(xs, spline_widths, spline_bin_locations, spline_unnorm_heights)
    outside = fragment_size.astype(jnp.float32) > FS_WIDTH
    lad = jnp.where(outside, jnp.log(1.0 - jnp.exp(logprob_inside)), lad)
    lad = lad + logprob_inside
    return jnp.stack([lp0, lad], axis=1)                           # [N, 2]


if False:  # reference __main__ guard neutralized (emitter)
    out = reference(**setup_inputs())
    print(out.shape, out.dtype)

if __name__ == "__main__":
    import jax
    _d = setup_inputs()
    print(jax.jit(kernel)(*tuple(_d.values())))

</pallas_src>

<mosaic_0001>
#map = affine_map<(d0, d1) -> (0)>
#map1 = affine_map<(d0, d1) -> (0, 0)>
module attributes {stable_mosaic.version = 14 : i64} {
  func.func @_sc_body(%arg0: i32, %arg1: i32, %arg2: memref<256000xf32, #tpu.memory_space<hbm>>, %arg3: memref<1250xi32, #tpu.memory_space<hbm>>, %arg4: memref<1000000xi32, #tpu.memory_space<hbm>>, %arg5: memref<1000000xi32, #tpu.memory_space<hbm>>, %arg6: memref<128xf32, #tpu.memory_space<hbm>>, %arg7: memref<1000000x2xf32, #tpu.memory_space<hbm>>, %arg8: memref<1250xi32, #tpu.memory_space<vmem>>, %arg9: memref<128xf32, #tpu.memory_space<vmem>>, %arg10: memref<1488xi32, #tpu.memory_space<vmem>>, %arg11: memref<1488xi32, #tpu.memory_space<vmem>>, %arg12: memref<1488xi32, #tpu.memory_space<vmem>>, %arg13: memref<1488xi32, #tpu.memory_space<vmem>>, %arg14: memref<1488xi32, #tpu.memory_space<vmem>>, %arg15: memref<1488xi32, #tpu.memory_space<vmem>>, %arg16: memref<1488xf32, #tpu.memory_space<vmem>>, %arg17: memref<1488xf32, #tpu.memory_space<vmem>>, %arg18: memref<1488x2xf32, #tpu.memory_space<vmem>>, %arg19: memref<1488x2xf32, #tpu.memory_space<vmem>>, %arg20: memref<!tpu.dma_semaphore, #tpu.memory_space<semaphore_mem>>, %arg21: memref<!tpu.dma_semaphore, #tpu.memory_space<semaphore_mem>>, %arg22: memref<!tpu.dma_semaphore, #tpu.memory_space<semaphore_mem>>, %arg23: memref<!tpu.dma_semaphore, #tpu.memory_space<semaphore_mem>>, %arg24: memref<!tpu.dma_semaphore, #tpu.memory_space<semaphore_mem>>, %arg25: memref<!tpu.dma_semaphore, #tpu.memory_space<semaphore_mem>>, %arg26: memref<!tpu.dma_semaphore, #tpu.memory_space<semaphore_mem>>, %arg27: memref<!tpu.dma_semaphore, #tpu.memory_space<semaphore_mem>>) attributes {dimension_semantics = [#tpu.dimension_semantics<core_parallel>, #tpu.dimension_semantics<subcore_parallel>], iteration_bounds = array<i64: 2, 16>, scalar_prefetch = 0 : i64, scratch_operands = 20 : i64, tpu.core_type = #tpu.core_type<sc_vector_subcore>, window_params = [{transform_indices = #map}, {transform_indices = #map}, {transform_indices = #map}, {transform_indices = #map}, {transform_indices = #map}, {transform_indices = #map1}]} {
    %mul3A = arith.constant 2 : i32
    %mul3A_0 = arith.muli %arg1, %mul3A : i32
    %add3A = arith.addi %mul3A_0, %arg0 : i32
    %mul3A_1 = arith.constant 31248 : i32
    %mul3A_2 = arith.muli %add3A, %mul3A_1 : i32
    "tpu.region"() ({
      %run_scoped3A = tpu.sem_alloc : memref<!tpu.dma_semaphore, #tpu.memory_space<semaphore_mem>>
      tpu.enqueue_dma source(%arg3 : memref<1250xi32, #tpu.memory_space<hbm>>) target(%arg8 : memref<1250xi32, #tpu.memory_space<vmem>>) target_semaphore(%run_scoped3A : memref<!tpu.dma_semaphore, #tpu.memory_space<semaphore_mem>>)
      tpu.wait_dma2 semaphore(%run_scoped3A : memref<!tpu.dma_semaphore, #tpu.memory_space<semaphore_mem>>) src(%arg3 : memref<1250xi32, #tpu.memory_space<hbm>>) dst(%arg8 : memref<1250xi32, #tpu.memory_space<vmem>>)
      tpu.yield
    }) : () -> ()
    "tpu.region"() ({
      %run_scoped3A = tpu.sem_alloc : memref<!tpu.dma_semaphore, #tpu.memory_space<semaphore_mem>>
      tpu.enqueue_dma source(%arg6 : memref<128xf32, #tpu.memory_space<hbm>>) target(%arg9 : memref<128xf32, #tpu.memory_space<vmem>>) target_semaphore(%run_scoped3A : memref<!tpu.dma_semaphore, #tpu.memory_space<semaphore_mem>>)
      tpu.wait_dma2 semaphore(%run_scoped3A : memref<!tpu.dma_semaphore, #tpu.memory_space<semaphore_mem>>) src(%arg6 : memref<128xf32, #tpu.memory_space<hbm>>) dst(%arg9 : memref<128xf32, #tpu.memory_space<vmem>>)
      tpu.yield
    }) : () -> ()
    %iota3A = tpu.iota {dimensions = array<i32: 0>} : vector<16xi32>
    %mul3A_3 = arith.constant 0 : i32
    %mul3A_4 = vector.broadcast %mul3A_3 : i32 to vector<16xi32>
    %mul3A_5 = arith.muli %iota3A, %mul3A_4 : vector<16xi32>
    %add3A_6 = arith.constant 5 : i32
    %add3A_7 = vector.broadcast %add3A_6 : i32 to vector<16xi32>
    %add3A_8 = arith.addi %mul3A_5, %add3A_7 : vector<16xi32>
    %gather3A = tpu.vector_load_idx %arg9[%add3A_8] : memref<128xf32, #tpu.memory_space<vmem>>[vector<16xi32>], vector<16xf32>,
    %add3A_9 = arith.constant 1 : i32
    %add3A_10 = vector.broadcast %add3A_9 : i32 to vector<16xi32>
    %add3A_11 = arith.addi %add3A_8, %add3A_10 : vector<16xi32>
    %gather3A_12 = tpu.vector_load_idx %arg9[%add3A_11] : memref<128xf32, #tpu.memory_space<vmem>>[vector<16xi32>], vector<16xf32>,
    %add3A_13 = arith.constant 0 : i32
    %add3A_14 = arith.addi %mul3A_2, %add3A_13 : i32
    %dma_start3A = tpu.memref_slice %arg4[%add3A_14] : memref<1000000xi32, #tpu.memory_space<hbm>> -> memref<1488xi32, #tpu.memory_space<hbm>>
    %dma_start3A_15 = tpu.memref_slice %arg4[%add3A_14] : memref<1000000xi32, #tpu.memory_space<hbm>> -> memref<1488xi32, #tpu.memory_space<hbm>>
    tpu.enqueue_dma source(%dma_start3A_15 : memref<1488xi32, #tpu.memory_space<hbm>>) target(%arg10 : memref<1488xi32, #tpu.memory_space<vmem>>) target_semaphore(%arg20 : memref<!tpu.dma_semaphore, #tpu.memory_space<semaphore_mem>>)
    %add3A_16 = arith.constant 0 : i32
    %add3A_17 = arith.addi %mul3A_2, %add3A_16 : i32
    %dma_start3A_18 = tpu.memref_slice %arg5[%add3A_17] : memref<1000000xi32, #tpu.memory_space<hbm>> -> memref<1488xi32, #tpu.memory_space<hbm>>
    %dma_start3A_19 = tpu.memref_slice %arg5[%add3A_17] : memref<1000000xi32, #tpu.memory_space<hbm>> -> memref<1488xi32, #tpu.memory_space<hbm>>
    tpu.enqueue_dma source(%dma_start3A_19 : memref<1488xi32, #tpu.memory_space<hbm>>) target(%arg12 : memref<1488xi32, #tpu.memory_space<vmem>>) target_semaphore(%arg22 : memref<!tpu.dma_semaphore, #tpu.memory_space<semaphore_mem>>)
    %add3A_20 = arith.constant 1488 : i32
    %add3A_21 = arith.addi %mul3A_2, %add3A_20 : i32
    %dma_start3A_22 = tpu.memref_slice %arg4[%add3A_21] : memref<1000000xi32, #tpu.memory_space<hbm>> -> memref<1488xi32, #tpu.memory_space<hbm>>
    %dma_start3A_23 = tpu.memref_slice %arg4[%add3A_21] : memref<1000000xi32, #tpu.memory_space<hbm>> -> memref<1488xi32, #tpu.memory_space<hbm>>
    tpu.enqueue_dma source(%dma_start3A_23 : memref<1488xi32, #tpu.memory_space<hbm>>) target(%arg11 : memref<1488xi32, #tpu.memory_space<vmem>>) target_semaphore(%arg21 : memref<!tpu.dma_semaphore, #tpu.memory_space<semaphore_mem>>)
    %add3A_24 = arith.constant 1488 : i32
    %add3A_25 = arith.addi %mul3A_2, %add3A_24 : i32
    %dma_start3A_26 = tpu.memref_slice %arg5[%add3A_25] : memref<1000000xi32, #tpu.memory_space<hbm>> -> memref<1488xi32, #tpu.memory_space<hbm>>
    %dma_start3A_27 = tpu.memref_slice %arg5[%add3A_25] : memref<1000000xi32, #tpu.memory_space<hbm>> -> memref<1488xi32, #tpu.memory_space<hbm>>
    tpu.enqueue_dma source(%dma_start3A_27 : memref<1488xi32, #tpu.memory_space<hbm>>) target(%arg13 : memref<1488xi32, #tpu.memory_space<vmem>>) target_semaphore(%arg23 : memref<!tpu.dma_semaphore, #tpu.memory_space<semaphore_mem>>)
    %add3A_28 = arith.constant 0 : i32
    %add3A_29 = arith.addi %mul3A_2, %add3A_28 : i32
    %dma_wait3A = tpu.memref_slice %arg4[%add3A_29] : memref<1000000xi32, #tpu.memory_space<hbm>> -> memref<1488xi32, #tpu.memory_space<hbm>>
    %dma_wait3A_30 = tpu.memref_slice %arg4[%add3A_29] : memref<1000000xi32, #tpu.memory_space<hbm>> -> memref<1488xi32, #tpu.memory_space<hbm>>
    tpu.wait_dma2 semaphore(%arg20 : memref<!tpu.dma_semaphore, #tpu.memory_space<semaphore_mem>>) src(%dma_wait3A_30 : memref<1488xi32, #tpu.memory_space<hbm>>) dst(%arg10 : memref<1488xi32, #tpu.memory_space<vmem>>)
    %add3A_31 = arith.constant 0 : i32
    %add3A_32 = arith.addi %mul3A_2, %add3A_31 : i32
    %dma_wait3A_33 = tpu.memref_slice %arg5[%add3A_32] : memref<1000000xi32, #tpu.memory_space<hbm>> -> memref<1488xi32, #tpu.memory_space<hbm>>
    %dma_wait3A_34 = tpu.memref_slice %arg5[%add3A_32] : memref<1000000xi32, #tpu.memory_space<hbm>> -> memref<1488xi32, #tpu.memory_space<hbm>>
    tpu.wait_dma2 semaphore(%arg22 : memref<!tpu.dma_semaphore, #tpu.memory_space<semaphore_mem>>) src(%dma_wait3A_34 : memref<1488xi32, #tpu.memory_space<hbm>>) dst(%arg12 : memref<1488xi32, #tpu.memory_space<vmem>>)
    %scan3A = arith.constant 0 : i32
    %scan3A_35 = arith.constant 0 : i32
    %scan3A_36 = arith.constant 31 : i32
    %scan3A_37 = arith.addi %scan3A_35, %scan3A_36 : i32
    %scan3A_38 = arith.constant 1 : i32
    scf.for %scan3A_76 = %scan3A_35 to %scan3A_37 step %scan3A_38  : i32 {
      %mul3A_77 = arith.constant 48 : i32
      %mul3A_78 = arith.muli %scan3A_76, %mul3A_77 : i32
      %add3A_79 = arith.constant 0 : i32
      %add3A_80 = arith.addi %mul3A_78, %add3A_79 : i32
      %get3A = arith.index_cast %add3A_80 : i32 to index
      %get3A_81 = tpu.vector_load %arg10[%get3A] {strides = array<i32>} : memref<1488xi32, #tpu.memory_space<vmem>>, vector<16xi32>,
      %get3A_82 = arith.index_cast %add3A_80 : i32 to index
      %get3A_83 = tpu.vector_load %arg12[%get3A_82] {strides = array<i32>} : memref<1488xi32, #tpu.memory_space<vmem>>, vector<16xi32>,
      %and3A = arith.constant 131071 : i32
      %and3A_84 = vector.broadcast %and3A : i32 to vector<16xi32>
      %and3A_85 = arith.andi %get3A_81, %and3A_84 : vector<16xi32>
      %shift_right_logical3A = arith.constant 17 : i32
      %shift_right_logical3A_86 = vector.broadcast %shift_right_logical3A : i32 to vector<16xi32>
      %shift_right_logical3A_87 = arith.shrui %get3A_81, %shift_right_logical3A_86 : vector<16xi32>
      %and3A_88 = arith.constant 16383 : i32
      %and3A_89 = vector.broadcast %and3A_88 : i32 to vector<16xi32>
      %and3A_90 = arith.andi %get3A_83, %and3A_89 : vector<16xi32>
      %shift_right_logical3A_91 = arith.constant 14 : i32
      %shift_right_logical3A_92 = vector.broadcast %shift_right_logical3A_91 : i32 to vector<16xi32>
      %shift_right_logical3A_93 = arith.shrui %get3A_83, %shift_right_logical3A_92 : vector<16xi32>
      %shift_right_logical3A_94 = arith.constant 3 : i32
      %shift_right_logical3A_95 = vector.broadcast %shift_right_logical3A_94 : i32 to vector<16xi32>
      %shift_right_logical3A_96 = arith.shrui %and3A_90, %shift_right_logical3A_95 : vector<16xi32>
      %gather3A_97 = tpu.vector_load_idx %arg8[%shift_right_logical3A_96] : memref<1250xi32, #tpu.memory_space<vmem>>[vector<16xi32>], vector<16xi32>,
      %and3A_98 = arith.constant 7 : i32
      %and3A_99 = vector.broadcast %and3A_98 : i32 to vector<16xi32>
      %and3A_100 = arith.andi %and3A_90, %and3A_99 : vector<16xi32>
      %shift_left3A = arith.constant 2 : i32
      %shift_left3A_101 = vector.broadcast %shift_left3A : i32 to vector<16xi32>
      %shift_left3A_102 = arith.shli %and3A_100, %shift_left3A_101 : vector<16xi32>
      %shift_right_logical3A_103 = arith.shrui %gather3A_97, %shift_left3A_102 : vector<16xi32>
      %and3A_104 = arith.constant 7 : i32
      %and3A_105 = vector.broadcast %and3A_104 : i32 to vector<16xi32>
      %and3A_106 = arith.andi %shift_right_logical3A_103, %and3A_105 : vector<16xi32>
      %div3A = arith.constant 200 : i32
      %div3A_107 = vector.broadcast %div3A : i32 to vector<16xi32>
      %div3A_108 = arith.divsi %and3A_85, %div3A_107 : vector<16xi32>
      %mul3A_109 = arith.constant 8 : i32
      %mul3A_110 = vector.broadcast %mul3A_109 : i32 to vector<16xi32>
      %mul3A_111 = arith.muli %shift_right_logical3A_93, %mul3A_110 : vector<16xi32>
      %add3A_112 = arith.addi %mul3A_111, %and3A_106 : vector<16xi32>
      %mul3A_113 = arith.constant 500 : i32
      %mul3A_114 = vector.broadcast %mul3A_113 : i32 to vector<16xi32>
      %mul3A_115 = arith.muli %add3A_112, %mul3A_114 : vector<16xi32>
      %add3A_116 = arith.addi %mul3A_115, %div3A_108 : vector<16xi32>
      %swap3A = arith.index_cast %add3A_80 : i32 to index
      %swap3A_117 = tpu.vector_load %arg14[%swap3A] {strides = array<i32>} : memref<1488xi32, #tpu.memory_space<vmem>>, vector<16xi32>,
      tpu.vector_store %arg14[%swap3A], %add3A_116 {strides = array<i32>} : memref<1488xi32, #tpu.memory_space<vmem>>, vector<16xi32>,
      %convert_element_type3A_118 = arith.sitofp %shift_right_logical3A_87 : vector<16xi32> to vector<16xf32>
      %mul3A_119 = arith.constant 9.765625E-4 : f32
      %mul3A_120 = vector.broadcast %mul3A_119 : f32 to vector<16xf32>
      %mul3A_121 = arith.mulf %convert_element_type3A_118, %mul3A_120 : vector<16xf32>
      %jit3A = arith.constant 0.000000e+00 : f32
      %jit3A_122 = arith.constant 1.000000e+00 : f32
      %max3A = vector.broadcast %jit3A : f32 to vector<16xf32>
      %max3A_123 = arith.maximumf %max3A, %mul3A_121 : vector<16xf32>
      %min3A = vector.broadcast %jit3A_122 : f32 to vector<16xf32>
      %min3A_124 = arith.minimumf %min3A, %max3A_123 : vector<16xf32>
      %mul3A_125 = arith.constant 4.000000e+00 : f32
      %mul3A_126 = vector.broadcast %mul3A_125 : f32 to vector<16xf32>
      %mul3A_127 = arith.mulf %min3A_124, %mul3A_126 : vector<16xf32>
      %convert_element_type3A_128 = arith.fptosi %mul3A_127 : vector<16xf32> to vector<16xi32>
      %min3A_129 = arith.constant 3 : i32
      %min3A_130 = vector.broadcast %min3A_129 : i32 to vector<16xi32>
      %min3A_131 = arith.minsi %convert_element_type3A_128, %min3A_130 : vector<16xi32>
      %convert_element_type3A_132 = arith.sitofp %min3A_131 : vector<16xi32> to vector<16xf32>
      %sub3A = arith.subf %mul3A_127, %convert_element_type3A_132 : vector<16xf32>
      %gather3A_133 = tpu.vector_load_idx %arg9[%min3A_131] : memref<128xf32, #tpu.memory_space<vmem>>[vector<16xi32>], vector<16xf32>,
      %add3A_134 = arith.constant 1 : i32
      %add3A_135 = vector.broadcast %add3A_134 : i32 to vector<16xi32>
      %add3A_136 = arith.addi %min3A_131, %add3A_135 : vector<16xi32>
      %gather3A_137 = tpu.vector_load_idx %arg9[%add3A_136] : memref<128xf32, #tpu.memory_space<vmem>>[vector<16xi32>], vector<16xf32>,
      %sub3A_138 = arith.subf %gather3A_137, %gather3A_133 : vector<16xf32>
      %mul3A_139 = arith.mulf %sub3A, %sub3A_138 : vector<16xf32>
      %add3A_140 = arith.addf %gather3A_133, %mul3A_139 : vector<16xf32>
      %add3A_141 = arith.constant 9.99999996E-13 : f32
      %add3A_142 = vector.broadcast %add3A_141 : f32 to vector<16xf32>
      %add3A_143 = arith.addf %add3A_140, %add3A_142 : vector<16xf32>
      %bitcast3A = vector.bitcast %add3A_143 : vector<16xf32> to vector<16xi32>
      %shift_right_logical3A_144 = arith.constant 23 : i32
      %shift_right_logical3A_145 = vector.broadcast %shift_right_logical3A_144 : i32 to vector<16xi32>
      %shift_right_logical3A_146 = arith.shrui %bitcast3A, %shift_right_logical3A_145 : vector<16xi32>
      %and3A_147 = arith.constant 255 : i32
      %and3A_148 = vector.broadcast %and3A_147 : i32 to vector<16xi32>
      %and3A_149 = arith.andi %shift_right_logical3A_146, %and3A_148 : vector<16xi32>
      %sub3A_150 = arith.constant 127 : i32
      %sub3A_151 = vector.broadcast %sub3A_150 : i32 to vector<16xi32>
      %sub3A_152 = arith.subi %and3A_149, %sub3A_151 : vector<16xi32>
      %and3A_153 = arith.constant 8388607 : i32
      %and3A_154 = vector.broadcast %and3A_153 : i32 to vector<16xi32>
      %and3A_155 = arith.andi %bitcast3A, %and3A_154 : vector<16xi32>
      %or3A = arith.constant 1065353216 : i32
      %or3A_156 = vector.broadcast %or3A : i32 to vector<16xi32>
      %or3A_157 = arith.ori %and3A_155, %or3A_156 : vector<16xi32>
      %bitcast3A_158 = vector.bitcast %or3A_157 : vector<16xi32> to vector<16xf32>
      %mul3A_159 = arith.constant 0.0434283651 : f32
      %mul3A_160 = vector.broadcast %mul3A_159 : f32 to vector<16xf32>
      %mul3A_161 = arith.mulf %mul3A_160, %bitcast3A_158 : vector<16xf32>
      %add3A_162 = arith.constant -0.404862314 : f32
      %add3A_163 = vector.broadcast %add3A_162 : f32 to vector<16xf32>
      %add3A_164 = arith.addf %mul3A_161, %add3A_163 : vector<16xf32>
      %mul3A_165 = arith.mulf %add3A_164, %bitcast3A_158 : vector<16xf32>
      %add3A_166 = arith.constant 1.59388459 : f32
      %add3A_167 = vector.broadcast %add3A_166 : f32 to vector<16xf32>
      %add3A_168 = arith.addf %mul3A_165, %add3A_167 : vector<16xf32>
      %mul3A_169 = arith.mulf %add3A_168, %bitcast3A_158 : vector<16xf32>
      %add3A_170 = arith.constant -3.49246597 : f32
      %add3A_171 = vector.broadcast %add3A_170 : f32 to vector<16xf32>
      %add3A_172 = arith.addf %mul3A_169, %add3A_171 : vector<16xf32>
      %mul3A_173 = arith.mulf %add3A_172, %bitcast3A_158 : vector<16xf32>
      %add3A_174 = arith.constant 5.04685307 : f32
      %add3A_175 = vector.broadcast %add3A_174 : f32 to vector<16xf32>
      %add3A_176 = arith.addf %mul3A_173, %add3A_175 : vector<16xf32>
      %mul3A_177 = arith.mulf %add3A_176, %bitcast3A_158 : vector<16xf32>
      %add3A_178 = arith.constant -2.78680563 : f32
      %add3A_179 = vector.broadcast %add3A_178 : f32 to vector<16xf32>
      %add3A_180 = arith.addf %mul3A_177, %add3A_179 : vector<16xf32>
      %convert_element_type3A_181 = arith.sitofp %sub3A_152 : vector<16xi32> to vector<16xf32>
      %add3A_182 = arith.addf %convert_element_type3A_181, %add3A_180 : vector<16xf32>
      %mul3A_183 = arith.constant 0.693147182 : f32
      %mul3A_184 = vector.broadcast %mul3A_183 : f32 to vector<16xf32>
      %mul3A_185 = arith.mulf %add3A_182, %mul3A_184 : vector<16xf32>
      %gt3A = arith.constant 1.024000e+03 : f32
      %gt3A_186 = vector.broadcast %gt3A : f32 to vector<16xf32>
      %gt3A_187 = arith.cmpf ogt, %convert_element_type3A_118, %gt3A_186 : vector<16xf32>
      %add3A_188 = arith.addf %mul3A_185, %gather3A : vector<16xf32>
      %select_n3A = arith.select %gt3A_187, %gather3A_12, %add3A_188 : vector<16xi1>, vector<16xf32>
      %add3A_189 = vector.broadcast %add3A_80 : i32 to vector<16xi32>
      %add3A_190 = arith.addi %add3A_189, %iota3A : vector<16xi32>
      %mul3A_191 = arith.constant 0 : i32
      %mul3A_192 = vector.broadcast %mul3A_191 : i32 to vector<16xi32>
      %mul3A_193 = arith.muli %iota3A, %mul3A_192 : vector<16xi32>
      %add3A_194 = arith.constant 1 : i32
      %add3A_195 = vector.broadcast %add3A_194 : i32 to vector<16xi32>
      %add3A_196 = arith.addi %mul3A_193, %add3A_195 : vector<16xi32>
      tpu.vector_store_idx %arg18[%add3A_190, %add3A_196], %select_n3A : memref<1488x2xf32, #tpu.memory_space<vmem>>[vector<16xi32>, vector<16xi32>], vector<16xf32>,
      %mul3A_197 = arith.constant 48 : i32
      %mul3A_198 = arith.muli %scan3A_76, %mul3A_197 : i32
      %add3A_199 = arith.constant 16 : i32
      %add3A_200 = arith.addi %mul3A_198, %add3A_199 : i32
      %get3A_201 = arith.index_cast %add3A_200 : i32 to index
      %get3A_202 = tpu.vector_load %arg10[%get3A_201] {strides = array<i32>} : memref<1488xi32, #tpu.memory_space<vmem>>, vector<16xi32>,
      %get3A_203 = arith.index_cast %add3A_200 : i32 to index
      %get3A_204 = tpu.vector_load %arg12[%get3A_203] {strides = array<i32>} : memref<1488xi32, #tpu.memory_space<vmem>>, vector<16xi32>,
      %and3A_205 = arith.constant 131071 : i32
      %and3A_206 = vector.broadcast %and3A_205 : i32 to vector<16xi32>
      %and3A_207 = arith.andi %get3A_202, %and3A_206 : vector<16xi32>
      %shift_right_logical3A_208 = arith.constant 17 : i32
      %shift_right_logical3A_209 = vector.broadcast %shift_right_logical3A_208 : i32 to vector<16xi32>
      %shift_right_logical3A_210 = arith.shrui %get3A_202, %shift_right_logical3A_209 : vector<16xi32>
      %and3A_211 = arith.constant 16383 : i32
      %and3A_212 = vector.broadcast %and3A_211 : i32 to vector<16xi32>
      %and3A_213 = arith.andi %get3A_204, %and3A_212 : vector<16xi32>
      %shift_right_logical3A_214 = arith.constant 14 : i32
      %shift_right_logical3A_215 = vector.broadcast %shift_right_logical3A_214 : i32 to vector<16xi32>
      %shift_right_logical3A_216 = arith.shrui %get3A_204, %shift_right_logical3A_215 : vector<16xi32>
      %shift_right_logical3A_217 = arith.constant 3 : i32
      %shift_right_logical3A_218 = vector.broadcast %shift_right_logical3A_217 : i32 to vector<16xi32>
      %shift_right_logical3A_219 = arith.shrui %and3A_213, %shift_right_logical3A_218 : vector<16xi32>
      %gather3A_220 = tpu.vector_load_idx %arg8[%shift_right_logical3A_219] : memref<1250xi32, #tpu.memory_space<vmem>>[vector<16xi32>], vector<16xi32>,
      %and3A_221 = arith.constant 7 : i32
      %and3A_222 = vector.broadcast %and3A_221 : i32 to vector<16xi32>
      %and3A_223 = arith.andi %and3A_213, %and3A_222 : vector<16xi32>
      %shift_left3A_224 = arith.constant 2 : i32
      %shift_left3A_225 = vector.broadcast %shift_left3A_224 : i32 to vector<16xi32>
      %shift_left3A_226 = arith.shli %and3A_223, %shift_left3A_225 : vector<16xi32>
      %shift_right_logical3A_227 = arith.shrui %gather3A_220, %shift_left3A_226 : vector<16xi32>
      %and3A_228 = arith.constant 7 : i32
      %and3A_229 = vector.broadcast %and3A_228 : i32 to vector<16xi32>
      %and3A_230 = arith.andi %shift_right_logical3A_227, %and3A_229 : vector<16xi32>
      %div3A_231 = arith.constant 200 : i32
      %div3A_232 = vector.broadcast %div3A_231 : i32 to vector<16xi32>
      %div3A_233 = arith.divsi %and3A_207, %div3A_232 : vector<16xi32>
      %mul3A_234 = arith.constant 8 : i32
      %mul3A_235 = vector.broadcast %mul3A_234 : i32 to vector<16xi32>
      %mul3A_236 = arith.muli %shift_right_logical3A_216, %mul3A_235 : vector<16xi32>
      %add3A_237 = arith.addi %mul3A_236, %and3A_230 : vector<16xi32>
      %mul3A_238 = arith.constant 500 : i32
      %mul3A_239 = vector.broadcast %mul3A_238 : i32 to vector<16xi32>
      %mul3A_240 = arith.muli %add3A_237, %mul3A_239 : vector<16xi32>
      %add3A_241 = arith.addi %mul3A_240, %div3A_233 : vector<16xi32>
      %swap3A_242 = arith.index_cast %add3A_200 : i32 to index
      %swap3A_243 = tpu.vector_load %arg14[%swap3A_242] {strides = array<i32>} : memref<1488xi32, #tpu.memory_space<vmem>>, vector<16xi32>,
      tpu.vector_store %arg14[%swap3A_242], %add3A_241 {strides = array<i32>} : memref<1488xi32, #tpu.memory_space<vmem>>, vector<16xi32>,
      %convert_element_type3A_244 = arith.sitofp %shift_right_logical3A_210 : vector<16xi32> to vector<16xf32>
      %mul3A_245 = arith.constant 9.765625E-4 : f32
      %mul3A_246 = vector.broadcast %mul3A_245 : f32 to vector<16xf32>
      %mul3A_247 = arith.mulf %convert_element_type3A_244, %mul3A_246 : vector<16xf32>
      %jit3A_248 = arith.constant 0.000000e+00 : f32
      %jit3A_249 = arith.constant 1.000000e+00 : f32
      %max3A_250 = vector.broadcast %jit3A_248 : f32 to vector<16xf32>
      %max3A_251 = arith.maximumf %max3A_250, %mul3A_247 : vector<16xf32>
      %min3A_252 = vector.broadcast %jit3A_249 : f32 to vector<16xf32>
      %min3A_253 = arith.minimumf %min3A_252, %max3A_251 : vector<16xf32>
      %mul3A_254 = arith.constant 4.000000e+00 : f32
      %mul3A_255 = vector.broadcast %mul3A_254 : f32 to vector<16xf32>
      %mul3A_256 = arith.mulf %min3A_253, %mul3A_255 : vector<16xf32>
      %convert_element_type3A_257 = arith.fptosi %mul3A_256 : vector<16xf32> to vector<16xi32>
      %min3A_258 = arith.constant 3 : i32
      %min3A_259 = vector.broadcast %min3A_258 : i32 to vector<16xi32>
      %min3A_260 = arith.minsi %convert_element_type3A_257, %min3A_259 : vector<16xi32>
      %convert_element_type3A_261 = arith.sitofp %min3A_260 : vector<16xi32> to vector<16xf32>
      %sub3A_262 = arith.subf %mul3A_256, %convert_element_type3A_261 : vector<16xf32>
      %gather3A_263 = tpu.vector_load_idx %arg9[%min3A_260] : memref<128xf32, #tpu.memory_space<vmem>>[vector<16xi32>], vector<16xf32>,
      %add3A_264 = arith.constant 1 : i32
      %add3A_265 = vector.broadcast %add3A_264 : i32 to vector<16xi32>
      %add3A_266 = arith.addi %min3A_260, %add3A_265 : vector<16xi32>
      %gather3A_267 = tpu.vector_load_idx %arg9[%add3A_266] : memref<128xf32, #tpu.memory_space<vmem>>[vector<16xi32>], vector<16xf32>,
      %sub3A_268 = arith.subf %gather3A_267, %gather3A_263 : vector<16xf32>
      %mul3A_269 = arith.mulf %sub3A_262, %sub3A_268 : vector<16xf32>
      %add3A_270 = arith.addf %gather3A_263, %mul3A_269 : vector<16xf32>
      %add3A_271 = arith.constant 9.99999996E-13 : f32
      %add3A_272 = vector.broadcast %add3A_271 : f32 to vector<16xf32>
      %add3A_273 = arith.addf %add3A_270, %add3A_272 : vector<16xf32>
      %bitcast3A_274 = vector.bitcast %add3A_273 : vector<16xf32> to vector<16xi32>
      %shift_right_logical3A_275 = arith.constant 23 : i32
      %shift_right_logical3A_276 = vector.broadcast %shift_right_logical3A_275 : i32 to vector<16xi32>
      %shift_right_logical3A_277 = arith.shrui %bitcast3A_274, %shift_right_logical3A_276 : vector<16xi32>
      %and3A_278 = arith.constant 255 : i32
      %and3A_279 = vector.broadcast %and3A_278 : i32 to vector<16xi32>
      %and3A_280 = arith.andi %shift_right_logical3A_277, %and3A_279 : vector<16xi32>
      %sub3A_281 = arith.constant 127 : i32
      %sub3A_282 = vector.broadcast %sub3A_281 : i32 to vector<16xi32>
      %sub3A_283 = arith.subi %and3A_280, %sub3A_282 : vector<16xi32>
      %and3A_284 = arith.constant 8388607 : i32
      %and3A_285 = vector.broadcast %and3A_284 : i32 to vector<16xi32>
      %and3A_286 = arith.andi %bitcast3A_274, %and3A_285 : vector<16xi32>
      %or3A_287 = arith.constant 1065353216 : i32
      %or3A_288 = vector.broadcast %or3A_287 : i32 to vector<16xi32>
      %or3A_289 = arith.ori %and3A_286, %or3A_288 : vector<16xi32>
      %bitcast3A_290 = vector.bitcast %or3A_289 : vector<16xi32> to vector<16xf32>
      %mul3A_291 = arith.constant 0.0434283651 : f32
      %mul3A_292 = vector.broadcast %mul3A_291 : f32 to vector<16xf32>
      %mul3A_293 = arith.mulf %mul3A_292, %bitcast3A_290 : vector<16xf32>
      %add3A_294 = arith.constant -0.404862314 : f32
      %add3A_295 = vector.broadcast %add3A_294 : f32 to vector<16xf32>
      %add3A_296 = arith.addf %mul3A_293, %add3A_295 : vector<16xf32>
      %mul3A_297 = arith.mulf %add3A_296, %bitcast3A_290 : vector<16xf32>
      %add3A_298 = arith.constant 1.59388459 : f32
      %add3A_299 = vector.broadcast %add3A_298 : f32 to vector<16xf32>
      %add3A_300 = arith.addf %mul3A_297, %add3A_299 : vector<16xf32>
      %mul3A_301 = arith.mulf %add3A_300, %bitcast3A_290 : vector<16xf32>
      %add3A_302 = arith.constant -3.49246597 : f32
      %add3A_303 = vector.broadcast %add3A_302 : f32 to vector<16xf32>
      %add3A_304 = arith.addf %mul3A_301, %add3A_303 : vector<16xf32>
      %mul3A_305 = arith.mulf %add3A_304, %bitcast3A_290 : vector<16xf32>
      %add3A_306 = arith.constant 5.04685307 : f32
      %add3A_307 = vector.broadcast %add3A_306 : f32 to vector<16xf32>
      %add3A_308 = arith.addf %mul3A_305, %add3A_307 : vector<16xf32>
      %mul3A_309 = arith.mulf %add3A_308, %bitcast3A_290 : vector<16xf32>
      %add3A_310 = arith.constant -2.78680563 : f32
      %add3A_311 = vector.broadcast %add3A_310 : f32 to vector<16xf32>
      %add3A_312 = arith.addf %mul3A_309, %add3A_311 : vector<16xf32>
      %convert_element_type3A_313 = arith.sitofp %sub3A_283 : vector<16xi32> to vector<16xf32>
      %add3A_314 = arith.addf %convert_element_type3A_313, %add3A_312 : vector<16xf32>
      %mul3A_315 = arith.constant 0.693147182 : f32
      %mul3A_316 = vector.broadcast %mul3A_315 : f32 to vector<16xf32>
      %mul3A_317 = arith.mulf %add3A_314, %mul3A_316 : vector<16xf32>
      %gt3A_318 = arith.constant 1.024000e+03 : f32
      %gt3A_319 = vector.broadcast %gt3A_318 : f32 to vector<16xf32>
      %gt3A_320 = arith.cmpf ogt, %convert_element_type3A_244, %gt3A_319 : vector<16xf32>
      %add3A_321 = arith.addf %mul3A_317, %gather3A : vector<16xf32>
      %select_n3A_322 = arith.select %gt3A_320, %gather3A_12, %add3A_321 : vector<16xi1>, vector<16xf32>
      %add3A_323 = vector.broadcast %add3A_200 : i32 to vector<16xi32>
      %add3A_324 = arith.addi %add3A_323, %iota3A : vector<16xi32>
      %mul3A_325 = arith.constant 0 : i32
      %mul3A_326 = vector.broadcast %mul3A_325 : i32 to vector<16xi32>
      %mul3A_327 = arith.muli %iota3A, %mul3A_326 : vector<16xi32>
      %add3A_328 = arith.constant 1 : i32
      %add3A_329 = vector.broadcast %add3A_328 : i32 to vector<16xi32>
      %add3A_330 = arith.addi %mul3A_327, %add3A_329 : vector<16xi32>
      tpu.vector_store_idx %arg18[%add3A_324, %add3A_330], %select_n3A_322 : memref<1488x2xf32, #tpu.memory_space<vmem>>[vector<16xi32>, vector<16xi32>], vector<16xf32>,
      %mul3A_331 = arith.constant 48 : i32
      %mul3A_332 = arith.muli %scan3A_76, %mul3A_331 : i32
      %add3A_333 = arith.constant 32 : i32
      %add3A_334 = arith.addi %mul3A_332, %add3A_333 : i32
      %get3A_335 = arith.index_cast %add3A_334 : i32 to index
      %get3A_336 = tpu.vector_load %arg10[%get3A_335] {strides = array<i32>} : memref<1488xi32, #tpu.memory_space<vmem>>, vector<16xi32>,
      %get3A_337 = arith.index_cast %add3A_334 : i32 to index
      %get3A_338 = tpu.vector_load %arg12[%get3A_337] {strides = array<i32>} : memref<1488xi32, #tpu.memory_space<vmem>>, vector<16xi32>,
      %and3A_339 = arith.constant 131071 : i32
      %and3A_340 = vector.broadcast %and3A_339 : i32 to vector<16xi32>
      %and3A_341 = arith.andi %get3A_336, %and3A_340 : vector<16xi32>
      %shift_right_logical3A_342 = arith.constant 17 : i32
      %shift_right_logical3A_343 = vector.broadcast %shift_right_logical3A_342 : i32 to vector<16xi32>
      %shift_right_logical3A_344 = arith.shrui %get3A_336, %shift_right_logical3A_343 : vector<16xi32>
      %and3A_345 = arith.constant 16383 : i32
      %and3A_346 = vector.broadcast %and3A_345 : i32 to vector<16xi32>
      %and3A_347 = arith.andi %get3A_338, %and3A_346 : vector<16xi32>
      %shift_right_logical3A_348 = arith.constant 14 : i32
      %shift_right_logical3A_349 = vector.broadcast %shift_right_logical3A_348 : i32 to vector<16xi32>
      %shift_right_logical3A_350 = arith.shrui %get3A_338, %shift_right_logical3A_349 : vector<16xi32>
      %shift_right_logical3A_351 = arith.constant 3 : i32
      %shift_right_logical3A_352 = vector.broadcast %shift_right_logical3A_351 : i32 to vector<16xi32>
      %shift_right_logical3A_353 = arith.shrui %and3A_347, %shift_right_logical3A_352 : vector<16xi32>
      %gather3A_354 = tpu.vector_load_idx %arg8[%shift_right_logical3A_353] : memref<1250xi32, #tpu.memory_space<vmem>>[vector<16xi32>], vector<16xi32>,
      %and3A_355 = arith.constant 7 : i32
      %and3A_356 = vector.broadcast %and3A_355 : i32 to vector<16xi32>
      %and3A_357 = arith.andi %and3A_347, %and3A_356 : vector<16xi32>
      %shift_left3A_358 = arith.constant 2 : i32
      %shift_left3A_359 = vector.broadcast %shift_left3A_358 : i32 to vector<16xi32>
      %shift_left3A_360 = arith.shli %and3A_357, %shift_left3A_359 : vector<16xi32>
      %shift_right_logical3A_361 = arith.shrui %gather3A_354, %shift_left3A_360 : vector<16xi32>
      %and3A_362 = arith.constant 7 : i32
      %and3A_363 = vector.broadcast %and3A_362 : i32 to vector<16xi32>
      %and3A_364 = arith.andi %shift_right_logical3A_361, %and3A_363 : vector<16xi32>
      %div3A_365 = arith.constant 200 : i32
      %div3A_366 = vector.broadcast %div3A_365 : i32 to vector<16xi32>
      %div3A_367 = arith.divsi %and3A_341, %div3A_366 : vector<16xi32>
      %mul3A_368 = arith.constant 8 : i32
      %mul3A_369 = vector.broadcast %mul3A_368 : i32 to vector<16xi32>
      %mul3A_370 = arith.muli %shift_right_logical3A_350, %mul3A_369 : vector<16xi32>
      %add3A_371 = arith.addi %mul3A_370, %and3A_364 : vector<16xi32>
      %mul3A_372 = arith.constant 500 : i32
      %mul3A_373 = vector.broadcast %mul3A_372 : i32 to vector<16xi32>
      %mul3A_374 = arith.muli %add3A_371, %mul3A_373 : vector<16xi32>
      %add3A_375 = arith.addi %mul3A_374, %div3A_367 : vector<16xi32>
      %swap3A_376 = arith.index_cast %add3A_334 : i32 to index
      %swap3A_377 = tpu.vector_load %arg14[%swap3A_376] {strides = array<i32>} : memref<1488xi32, #tpu.memory_space<vmem>>, vector<16xi32>,
      tpu.vector_store %arg14[%swap3A_376], %add3A_375 {strides = array<i32>} : memref<1488xi32, #tpu.memory_space<vmem>>, vector<16xi32>,
      %convert_element_type3A_378 = arith.sitofp %shift_right_logical3A_344 : vector<16xi32> to vector<16xf32>
      %mul3A_379 = arith.constant 9.765625E-4 : f32
      %mul3A_380 = vector.broadcast %mul3A_379 : f32 to vector<16xf32>
      %mul3A_381 = arith.mulf %convert_element_type3A_378, %mul3A_380 : vector<16xf32>
      %jit3A_382 = arith.constant 0.000000e+00 : f32
      %jit3A_383 = arith.constant 1.000000e+00 : f32
      %max3A_384 = vector.broadcast %jit3A_382 : f32 to vector<16xf32>
      %max3A_385 = arith.maximumf %max3A_384, %mul3A_381 : vector<16xf32>
      %min3A_386 = vector.broadcast %jit3A_383 : f32 to vector<16xf32>
      %min3A_387 = arith.minimumf %min3A_386, %max3A_385 : vector<16xf32>
      %mul3A_388 = arith.constant 4.000000e+00 : f32
      %mul3A_389 = vector.broadcast %mul3A_388 : f32 to vector<16xf32>
      %mul3A_390 = arith.mulf %min3A_387, %mul3A_389 : vector<16xf32>
      %convert_element_type3A_391 = arith.fptosi %mul3A_390 : vector<16xf32> to vector<16xi32>
      %min3A_392 = arith.constant 3 : i32
      %min3A_393 = vector.broadcast %min3A_392 : i32 to vector<16xi32>
      %min3A_394 = arith.minsi %convert_element_type3A_391, %min3A_393 : vector<16xi32>
      %convert_element_type3A_395 = arith.sitofp %min3A_394 : vector<16xi32> to vector<16xf32>
      %sub3A_396 = arith.subf %mul3A_390, %convert_element_type3A_395 : vector<16xf32>
      %gather3A_397 = tpu.vector_load_idx %arg9[%min3A_394] : memref<128xf32, #tpu.memory_space<vmem>>[vector<16xi32>], vector<16xf32>,
      %add3A_398 = arith.constant 1 : i32
      %add3A_399 = vector.broadcast %add3A_398 : i32 to vector<16xi32>
      %add3A_400 = arith.addi %min3A_394, %add3A_399 : vector<16xi32>
      %gather3A_401 = tpu.vector_load_idx %arg9[%add3A_400] : memref<128xf32, #tpu.memory_space<vmem>>[vector<16xi32>], vector<16xf32>,
      %sub3A_402 = arith.subf %gather3A_401, %gather3A_397 : vector<16xf32>
      %mul3A_403 = arith.mulf %sub3A_396, %sub3A_402 : vector<16xf32>
      %add3A_404 = arith.addf %gather3A_397, %mul3A_403 : vector<16xf32>
      %add3A_405 = arith.constant 9.99999996E-13 : f32
      %add3A_406 = vector.broadcast %add3A_405 : f32 to vector<16xf32>
      %add3A_407 = arith.addf %add3A_404, %add3A_406 : vector<16xf32>
      %bitcast3A_408 = vector.bitcast %add3A_407 : vector<16xf32> to vector<16xi32>
      %shift_right_logical3A_409 = arith.constant 23 : i32
      %shift_right_logical3A_410 = vector.broadcast %shift_right_logical3A_409 : i32 to vector<16xi32>
      %shift_right_logical3A_411 = arith.shrui %bitcast3A_408, %shift_right_logical3A_410 : vector<16xi32>
      %and3A_412 = arith.constant 255 : i32
      %and3A_413 = vector.broadcast %and3A_412 : i32 to vector<16xi32>
      %and3A_414 = arith.andi %shift_right_logical3A_411, %and3A_413 : vector<16xi32>
      %sub3A_415 = arith.constant 127 : i32
      %sub3A_416 = vector.broadcast %sub3A_415 : i32 to vector<16xi32>
      %sub3A_417 = arith.subi %and3A_414, %sub3A_416 : vector<16xi32>
      %and3A_418 = arith.constant 8388607 : i32
      %and3A_419 = vector.broadcast %and3A_418 : i32 to vector<16xi32>
      %and3A_420 = arith.andi %bitcast3A_408, %and3A_419 : vector<16xi32>
      %or3A_421 = arith.constant 1065353216 : i32
      %or3A_422 = vector.broadcast %or3A_421 : i32 to vector<16xi32>
      %or3A_423 = arith.ori %and3A_420, %or3A_422 : vector<16xi32>
      %bitcast3A_424 = vector.bitcast %or3A_423 : vector<16xi32> to vector<16xf32>
      %mul3A_425 = arith.constant 0.0434283651 : f32
      %mul3A_426 = vector.broadcast %mul3A_425 : f32 to vector<16xf32>
      %mul3A_427 = arith.mulf %mul3A_426, %bitcast3A_424 : vector<16xf32>
      %add3A_428 = arith.constant -0.404862314 : f32
      %add3A_429 = vector.broadcast %add3A_428 : f32 to vector<16xf32>
      %add3A_430 = arith.addf %mul3A_427, %add3A_429 : vector<16xf32>
      %mul3A_431 = arith.mulf %add3A_430, %bitcast3A_424 : vector<16xf32>
      %add3A_432 = arith.constant 1.59388459 : f32
      %add3A_433 = vector.broadcast %add3A_432 : f32 to vector<16xf32>
      %add3A_434 = arith.addf %mul3A_431, %add3A_433 : vector<16xf32>
      %mul3A_435 = arith.mulf %add3A_434, %bitcast3A_424 : vector<16xf32>
      %add3A_436 = arith.constant -3.49246597 : f32
      %add3A_437 = vector.broadcast %add3A_436 : f32 to vector<16xf32>
      %add3A_438 = arith.addf %mul3A_435, %add3A_437 : vector<16xf32>
      %mul3A_439 = arith.mulf %add3A_438, %bitcast3A_424 : vector<16xf32>
      %add3A_440 = arith.constant 5.04685307 : f32
      %add3A_441 = vector.broadcast %add3A_440 : f32 to vector<16xf32>
      %add3A_442 = arith.addf %mul3A_439, %add3A_441 : vector<16xf32>
      %mul3A_443 = arith.mulf %add3A_442, %bitcast3A_424 : vector<16xf32>
      %add3A_444 = arith.constant -2.78680563 : f32
      %add3A_445 = vector.broadcast %add3A_444 : f32 to vector<16xf32>
      %add3A_446 = arith.addf %mul3A_443, %add3A_445 : vector<16xf32>
      %convert_element_type3A_447 = arith.sitofp %sub3A_417 : vector<16xi32> to vector<16xf32>
      %add3A_448 = arith.addf %convert_element_type3A_447, %add3A_446 : vector<16xf32>
      %mul3A_449 = arith.constant 0.693147182 : f32
      %mul3A_450 = vector.broadcast %mul3A_449 : f32 to vector<16xf32>
      %mul3A_451 = arith.mulf %add3A_448, %mul3A_450 : vector<16xf32>
      %gt3A_452 = arith.constant 1.024000e+03 : f32
      %gt3A_453 = vector.broadcast %gt3A_452 : f32 to vector<16xf32>
      %gt3A_454 = arith.cmpf ogt, %convert_element_type3A_378, %gt3A_453 : vector<16xf32>
      %add3A_455 = arith.addf %mul3A_451, %gather3A : vector<16xf32>
      %select_n3A_456 = arith.select %gt3A_454, %gather3A_12, %add3A_455 : vector<16xi1>, vector<16xf32>
      %add3A_457 = vector.broadcast %add3A_334 : i32 to vector<16xi32>
      %add3A_458 = arith.addi %add3A_457, %iota3A : vector<16xi32>
      %mul3A_459 = arith.constant 0 : i32
      %mul3A_460 = vector.broadcast %mul3A_459 : i32 to vector<16xi32>
      %mul3A_461 = arith.muli %iota3A, %mul3A_460 : vector<16xi32>
      %add3A_462 = arith.constant 1 : i32
      %add3A_463 = vector.broadcast %add3A_462 : i32 to vector<16xi32>
      %add3A_464 = arith.addi %mul3A_461, %add3A_463 : vector<16xi32>
      tpu.vector_store_idx %arg18[%add3A_458, %add3A_464], %select_n3A_456 : memref<1488x2xf32, #tpu.memory_space<vmem>>[vector<16xi32>, vector<16xi32>], vector<16xf32>,
    }
    %scan3A_39 = arith.constant 31 : i32
    %dma_start3A_40 = arith.constant 0 : i32
    %dma_start3A_41 = tpu.memref_slice %arg2[%dma_start3A_40] : memref<256000xf32, #tpu.memory_space<hbm>> -> memref<256000xf32, #tpu.memory_space<hbm>>
    tpu.enqueue_indirect_dma source(%dma_start3A_41 : memref<256000xf32, #tpu.memory_space<hbm>>) target(%arg16 : memref<1488xf32, #tpu.memory_space<vmem>>) offsets(%arg14 : memref<1488xi32, #tpu.memory_space<vmem>>) semaphore(%arg26 : memref<!tpu.dma_semaphore, #tpu.memory_space<semaphore_mem>>)
    %scan3A_42 = arith.constant 0 : i32
    %scan3A_43 = arith.constant 0 : i32
    %scan3A_44 = arith.constant 10 : i32
    %scan3A_45 = arith.addi %scan3A_43, %scan3A_44 : i32
    %scan3A_46 = arith.constant 1 : i32
    scf.for %scan3A_76 = %scan3A_43 to %scan3A_45 step %scan3A_46  : i32 {
      %mul3A_77 = arith.constant 2 : i32
      %mul3A_78 = arith.muli %mul3A_77, %scan3A_76 : i32
      %add3A_79 = arith.constant 1 : i32
      %add3A_80 = arith.addi %add3A_79, %mul3A_78 : i32
      %add3A_81 = arith.constant 0 : i32
      %add3A_82 = arith.addi %add3A_80, %add3A_81 : i32
      %add3A_83 = arith.constant 1 : i32
      %add3A_84 = arith.addi %add3A_82, %add3A_83 : i32
      %lt3A = arith.constant 21 : i32
      %lt3A_85 = arith.cmpi slt, %add3A_84, %lt3A : i32
      %convert_element_type3A_86 = arith.extui %lt3A_85 : i1 to i32
      %cond3A_87 = arith.constant 0 : i32
      %cond3A_88 = arith.cmpi ne, %convert_element_type3A_86, %cond3A_87 : i32
      scf.if %cond3A_88 {
        %add3A_180 = arith.constant 1 : i32
        %add3A_181 = arith.addi %add3A_82, %add3A_180 : i32
        %mul3A_182 = arith.constant 1488 : i32
        %mul3A_183 = arith.muli %add3A_181, %mul3A_182 : i32
        %add3A_184 = arith.addi %mul3A_2, %mul3A_183 : i32
        %dma_start3A_185 = tpu.memref_slice %arg4[%add3A_184] : memref<1000000xi32, #tpu.memory_space<hbm>> -> memref<1488xi32, #tpu.memory_space<hbm>>
        %dma_start3A_186 = tpu.memref_slice %arg4[%add3A_184] : memref<1000000xi32, #tpu.memory_space<hbm>> -> memref<1488xi32, #tpu.memory_space<hbm>>
        tpu.enqueue_dma source(%dma_start3A_186 : memref<1488xi32, #tpu.memory_space<hbm>>) target(%arg10 : memref<1488xi32, #tpu.memory_space<vmem>>) target_semaphore(%arg20 : memref<!tpu.dma_semaphore, #tpu.memory_space<semaphore_mem>>)
        %mul3A_187 = arith.constant 1488 : i32
        %mul3A_188 = arith.muli %add3A_181, %mul3A_187 : i32
        %add3A_189 = arith.addi %mul3A_2, %mul3A_188 : i32
        %dma_start3A_190 = tpu.memref_slice %arg5[%add3A_189] : memref<1000000xi32, #tpu.memory_space<hbm>> -> memref<1488xi32, #tpu.memory_space<hbm>>
        %dma_start3A_191 = tpu.memref_slice %arg5[%add3A_189] : memref<1000000xi32, #tpu.memory_space<hbm>> -> memref<1488xi32, #tpu.memory_space<hbm>>
        tpu.enqueue_dma source(%dma_start3A_191 : memref<1488xi32, #tpu.memory_space<hbm>>) target(%arg12 : memref<1488xi32, #tpu.memory_space<vmem>>) target_semaphore(%arg22 : memref<!tpu.dma_semaphore, #tpu.memory_space<semaphore_mem>>)
      } else {
      }
      %mul3A_89 = arith.constant 1488 : i32
      %mul3A_90 = arith.muli %add3A_82, %mul3A_89 : i32
      %add3A_91 = arith.addi %mul3A_2, %mul3A_90 : i32
      %dma_wait3A_92 = tpu.memref_slice %arg4[%add3A_91] : memref<1000000xi32, #tpu.memory_space<hbm>> -> memref<1488xi32, #tpu.memory_space<hbm>>
      %dma_wait3A_93 = tpu.memref_slice %arg4[%add3A_91] : memref<1000000xi32, #tpu.memory_space<hbm>> -> memref<1488xi32, #tpu.memory_space<hbm>>
      tpu.wait_dma2 semaphore(%arg21 : memref<!tpu.dma_semaphore, #tpu.memory_space<semaphore_mem>>) src(%dma_wait3A_93 : memref<1488xi32, #tpu.memory_space<hbm>>) dst(%arg11 : memref<1488xi32, #tpu.memory_space<vmem>>)
      %mul3A_94 = arith.constant 1488 : i32
      %mul3A_95 = arith.muli %add3A_82, %mul3A_94 : i32
      %add3A_96 = arith.addi %mul3A_2, %mul3A_95 : i32
      %dma_wait3A_97 = tpu.memref_slice %arg5[%add3A_96] : memref<1000000xi32, #tpu.memory_space<hbm>> -> memref<1488xi32, #tpu.memory_space<hbm>>
      %dma_wait3A_98 = tpu.memref_slice %arg5[%add3A_96] : memref<1000000xi32, #tpu.memory_space<hbm>> -> memref<1488xi32, #tpu.memory_space<hbm>>
      tpu.wait_dma2 semaphore(%arg23 : memref<!tpu.dma_semaphore, #tpu.memory_space<semaphore_mem>>) src(%dma_wait3A_98 : memref<1488xi32, #tpu.memory_space<hbm>>) dst(%arg13 : memref<1488xi32, #tpu.memory_space<vmem>>)
      %ge3A = arith.constant 2 : i32
      %ge3A_99 = arith.cmpi sge, %add3A_82, %ge3A : i32
      %convert_element_type3A_100 = arith.extui %ge3A_99 : i1 to i32
      %cond3A_101 = arith.constant 0 : i32
      %cond3A_102 = arith.cmpi ne, %convert_element_type3A_100, %cond3A_101 : i32
      scf.if %cond3A_102 {
        %sub3A_180 = arith.constant 2 : i32
        %sub3A_181 = arith.subi %add3A_82, %sub3A_180 : i32
        %mul3A_182 = arith.constant 1488 : i32
        %mul3A_183 = arith.muli %sub3A_181, %mul3A_182 : i32
        %add3A_184 = arith.addi %mul3A_2, %mul3A_183 : i32
        %dma_wait3A_185 = arith.constant 0 : i32
        %dma_wait3A_186 = tpu.memref_slice %arg7[%add3A_184, %dma_wait3A_185] : memref<1000000x2xf32, #tpu.memory_space<hbm>> -> memref<1488x2xf32, #tpu.memory_space<hbm>>
        %dma_wait3A_187 = arith.constant 0 : i32
        %dma_wait3A_188 = tpu.memref_slice %arg7[%add3A_184, %dma_wait3A_187] : memref<1000000x2xf32, #tpu.memory_space<hbm>> -> memref<1488x2xf32, #tpu.memory_space<hbm>>
        tpu.wait_dma2 semaphore(%arg25 : memref<!tpu.dma_semaphore, #tpu.memory_space<semaphore_mem>>) src(%arg19 : memref<1488x2xf32, #tpu.memory_space<vmem>>) dst(%dma_wait3A_188 : memref<1488x2xf32, #tpu.memory_space<hbm>>)
      } else {
      }
      %scan3A_103 = arith.constant 0 : i32
      %scan3A_104 = arith.constant 0 : i32
      %scan3A_105 = arith.constant 31 : i32
      %scan3A_106 = arith.addi %scan3A_104, %scan3A_105 : i32
      %scan3A_107 = arith.constant 1 : i32
      scf.for %scan3A_180 = %scan3A_104 to %scan3A_106 step %scan3A_107  : i32 {
        %mul3A_181 = arith.constant 48 : i32
        %mul3A_182 = arith.muli %scan3A_180, %mul3A_181 : i32
        %add3A_183 = arith.constant 0 : i32
        %add3A_184 = arith.addi %mul3A_182, %add3A_183 : i32
        %get3A = arith.index_cast %add3A_184 : i32 to index
        %get3A_185 = tpu.vector_load %arg11[%get3A] {strides = array<i32>} : memref<1488xi32, #tpu.memory_space<vmem>>, vector<16xi32>,
        %get3A_186 = arith.index_cast %add3A_184 : i32 to index
        %get3A_187 = tpu.vector_load %arg13[%get3A_186] {strides = array<i32>} : memref<1488xi32, #tpu.memory_space<vmem>>, vector<16xi32>,
        %and3A = arith.constant 131071 : i32
        %and3A_188 = vector.broadcast %and3A : i32 to vector<16xi32>
        %and3A_189 = arith.andi %get3A_185, %and3A_188 : vector<16xi32>
        %shift_right_logical3A = arith.constant 17 : i32
        %shift_right_logical3A_190 = vector.broadcast %shift_right_logical3A : i32 to vector<16xi32>
        %shift_right_logical3A_191 = arith.shrui %get3A_185, %shift_right_logical3A_190 : vector<16xi32>
        %and3A_192 = arith.constant 16383 : i32
        %and3A_193 = vector.broadcast %and3A_192 : i32 to vector<16xi32>
        %and3A_194 = arith.andi %get3A_187, %and3A_193 : vector<16xi32>
        %shift_right_logical3A_195 = arith.constant 14 : i32
        %shift_right_logical3A_196 = vector.broadcast %shift_right_logical3A_195 : i32 to vector<16xi32>
        %shift_right_logical3A_197 = arith.shrui %get3A_187, %shift_right_logical3A_196 : vector<16xi32>
        %shift_right_logical3A_198 = arith.constant 3 : i32
        %shift_right_logical3A_199 = vector.broadcast %shift_right_logical3A_198 : i32 to vector<16xi32>
        %shift_right_logical3A_200 = arith.shrui %and3A_194, %shift_right_logical3A_199 : vector<16xi32>
        %gather3A_201 = tpu.vector_load_idx %arg8[%shift_right_logical3A_200] : memref<1250xi32, #tpu.memory_space<vmem>>[vector<16xi32>], vector<16xi32>,
        %and3A_202 = arith.constant 7 : i32
        %and3A_203 = vector.broadcast %and3A_202 : i32 to vector<16xi32>
        %and3A_204 = arith.andi %and3A_194, %and3A_203 : vector<16xi32>
        %shift_left3A = arith.constant 2 : i32
        %shift_left3A_205 = vector.broadcast %shift_left3A : i32 to vector<16xi32>
        %shift_left3A_206 = arith.shli %and3A_204, %shift_left3A_205 : vector<16xi32>
        %shift_right_logical3A_207 = arith.shrui %gather3A_201, %shift_left3A_206 : vector<16xi32>
        %and3A_208 = arith.constant 7 : i32
        %and3A_209 = vector.broadcast %and3A_208 : i32 to vector<16xi32>
        %and3A_210 = arith.andi %shift_right_logical3A_207, %and3A_209 : vector<16xi32>
        %div3A = arith.constant 200 : i32
        %div3A_211 = vector.broadcast %div3A : i32 to vector<16xi32>
        %div3A_212 = arith.divsi %and3A_189, %div3A_211 : vector<16xi32>
        %mul3A_213 = arith.constant 8 : i32
        %mul3A_214 = vector.broadcast %mul3A_213 : i32 to vector<16xi32>
        %mul3A_215 = arith.muli %shift_right_logical3A_197, %mul3A_214 : vector<16xi32>
        %add3A_216 = arith.addi %mul3A_215, %and3A_210 : vector<16xi32>
        %mul3A_217 = arith.constant 500 : i32
        %mul3A_218 = vector.broadcast %mul3A_217 : i32 to vector<16xi32>
        %mul3A_219 = arith.muli %add3A_216, %mul3A_218 : vector<16xi32>
        %add3A_220 = arith.addi %mul3A_219, %div3A_212 : vector<16xi32>
        %swap3A = arith.index_cast %add3A_184 : i32 to index
        %swap3A_221 = tpu.vector_load %arg15[%swap3A] {strides = array<i32>} : memref<1488xi32, #tpu.memory_space<vmem>>, vector<16xi32>,
        tpu.vector_store %arg15[%swap3A], %add3A_220 {strides = array<i32>} : memref<1488xi32, #tpu.memory_space<vmem>>, vector<16xi32>,
        %convert_element_type3A_222 = arith.sitofp %shift_right_logical3A_191 : vector<16xi32> to vector<16xf32>
        %mul3A_223 = arith.constant 9.765625E-4 : f32
        %mul3A_224 = vector.broadcast %mul3A_223 : f32 to vector<16xf32>
        %mul3A_225 = arith.mulf %convert_element_type3A_222, %mul3A_224 : vector<16xf32>
        %jit3A = arith.constant 0.000000e+00 : f32
        %jit3A_226 = arith.constant 1.000000e+00 : f32
        %max3A = vector.broadcast %jit3A : f32 to vector<16xf32>
        %max3A_227 = arith.maximumf %max3A, %mul3A_225 : vector<16xf32>
        %min3A = vector.broadcast %jit3A_226 : f32 to vector<16xf32>
        %min3A_228 = arith.minimumf %min3A, %max3A_227 : vector<16xf32>
        %mul3A_229 = arith.constant 4.000000e+00 : f32
        %mul3A_230 = vector.broadcast %mul3A_229 : f32 to vector<16xf32>
        %mul3A_231 = arith.mulf %min3A_228, %mul3A_230 : vector<16xf32>
        %convert_element_type3A_232 = arith.fptosi %mul3A_231 : vector<16xf32> to vector<16xi32>
        %min3A_233 = arith.constant 3 : i32
        %min3A_234 = vector.broadcast %min3A_233 : i32 to vector<16xi32>
        %min3A_235 = arith.minsi %convert_element_type3A_232, %min3A_234 : vector<16xi32>
        %convert_element_type3A_236 = arith.sitofp %min3A_235 : vector<16xi32> to vector<16xf32>
        %sub3A_237 = arith.subf %mul3A_231, %convert_element_type3A_236 : vector<16xf32>
        %gather3A_238 = tpu.vector_load_idx %arg9[%min3A_235] : memref<128xf32, #tpu.memory_space<vmem>>[vector<16xi32>], vector<16xf32>,
        %add3A_239 = arith.constant 1 : i32
        %add3A_240 = vector.broadcast %add3A_239 : i32 to vector<16xi32>
        %add3A_241 = arith.addi %min3A_235, %add3A_240 : vector<16xi32>
        %gather3A_242 = tpu.vector_load_idx %arg9[%add3A_241] : memref<128xf32, #tpu.memory_space<vmem>>[vector<16xi32>], vector<16xf32>,
        %sub3A_243 = arith.subf %gather3A_242, %gather3A_238 : vector<16xf32>
        %mul3A_244 = arith.mulf %sub3A_237, %sub3A_243 : vector<16xf32>
        %add3A_245 = arith.addf %gather3A_238, %mul3A_244 : vector<16xf32>
        %add3A_246 = arith.constant 9.99999996E-13 : f32
        %add3A_247 = vector.broadcast %add3A_246 : f32 to vector<16xf32>
        %add3A_248 = arith.addf %add3A_245, %add3A_247 : vector<16xf32>
        %bitcast3A = vector.bitcast %add3A_248 : vector<16xf32> to vector<16xi32>
        %shift_right_logical3A_249 = arith.constant 23 : i32
        %shift_right_logical3A_250 = vector.broadcast %shift_right_logical3A_249 : i32 to vector<16xi32>
        %shift_right_logical3A_251 = arith.shrui %bitcast3A, %shift_right_logical3A_250 : vector<16xi32>
        %and3A_252 = arith.constant 255 : i32
        %and3A_253 = vector.broadcast %and3A_252 : i32 to vector<16xi32>
        %and3A_254 = arith.andi %shift_right_logical3A_251, %and3A_253 : vector<16xi32>
        %sub3A_255 = arith.constant 127 : i32
        %sub3A_256 = vector.broadcast %sub3A_255 : i32 to vector<16xi32>
        %sub3A_257 = arith.subi %and3A_254, %sub3A_256 : vector<16xi32>
        %and3A_258 = arith.constant 8388607 : i32
        %and3A_259 = vector.broadcast %and3A_258 : i32 to vector<16xi32>
        %and3A_260 = arith.andi %bitcast3A, %and3A_259 : vector<16xi32>
        %or3A = arith.constant 1065353216 : i32
        %or3A_261 = vector.broadcast %or3A : i32 to vector<16xi32>
        %or3A_262 = arith.ori %and3A_260, %or3A_261 : vector<16xi32>
        %bitcast3A_263 = vector.bitcast %or3A_262 : vector<16xi32> to vector<16xf32>
        %mul3A_264 = arith.constant 0.0434283651 : f32
        %mul3A_265 = vector.broadcast %mul3A_264 : f32 to vector<16xf32>
        %mul3A_266 = arith.mulf %mul3A_265, %bitcast3A_263 : vector<16xf32>
        %add3A_267 = arith.constant -0.404862314 : f32
        %add3A_268 = vector.broadcast %add3A_267 : f32 to vector<16xf32>
        %add3A_269 = arith.addf %mul3A_266, %add3A_268 : vector<16xf32>
        %mul3A_270 = arith.mulf %add3A_269, %bitcast3A_263 : vector<16xf32>
        %add3A_271 = arith.constant 1.59388459 : f32
        %add3A_272 = vector.broadcast %add3A_271 : f32 to vector<16xf32>
        %add3A_273 = arith.addf %mul3A_270, %add3A_272 : vector<16xf32>
        %mul3A_274 = arith.mulf %add3A_273, %bitcast3A_263 : vector<16xf32>
        %add3A_275 = arith.constant -3.49246597 : f32
        %add3A_276 = vector.broadcast %add3A_275 : f32 to vector<16xf32>
        %add3A_277 = arith.addf %mul3A_274, %add3A_276 : vector<16xf32>
        %mul3A_278 = arith.mulf %add3A_277, %bitcast3A_263 : vector<16xf32>
        %add3A_279 = arith.constant 5.04685307 : f32
        %add3A_280 = vector.broadcast %add3A_279 : f32 to vector<16xf32>
        %add3A_281 = arith.addf %mul3A_278, %add3A_280 : vector<16xf32>
        %mul3A_282 = arith.mulf %add3A_281, %bitcast3A_263 : vector<16xf32>
        %add3A_283 = arith.constant -2.78680563 : f32
        %add3A_284 = vector.broadcast %add3A_283 : f32 to vector<16xf32>
        %add3A_285 = arith.addf %mul3A_282, %add3A_284 : vector<16xf32>
        %convert_element_type3A_286 = arith.sitofp %sub3A_257 : vector<16xi32> to vector<16xf32>
        %add3A_287 = arith.addf %convert_element_type3A_286, %add3A_285 : vector<16xf32>
        %mul3A_288 = arith.constant 0.693147182 : f32
        %mul3A_289 = vector.broadcast %mul3A_288 : f32 to vector<16xf32>
        %mul3A_290 = arith.mulf %add3A_287, %mul3A_289 : vector<16xf32>
        %gt3A = arith.constant 1.024000e+03 : f32
        %gt3A_291 = vector.broadcast %gt3A : f32 to vector<16xf32>
        %gt3A_292 = arith.cmpf ogt, %convert_element_type3A_222, %gt3A_291 : vector<16xf32>
        %add3A_293 = arith.addf %mul3A_290, %gather3A : vector<16xf32>
        %select_n3A = arith.select %gt3A_292, %gather3A_12, %add3A_293 : vector<16xi1>, vector<16xf32>
        %add3A_294 = vector.broadcast %add3A_184 : i32 to vector<16xi32>
        %add3A_295 = arith.addi %add3A_294, %iota3A : vector<16xi32>
        %mul3A_296 = arith.constant 0 : i32
        %mul3A_297 = vector.broadcast %mul3A_296 : i32 to vector<16xi32>
        %mul3A_298 = arith.muli %iota3A, %mul3A_297 : vector<16xi32>
        %add3A_299 = arith.constant 1 : i32
        %add3A_300 = vector.broadcast %add3A_299 : i32 to vector<16xi32>
        %add3A_301 = arith.addi %mul3A_298, %add3A_300 : vector<16xi32>
        tpu.vector_store_idx %arg19[%add3A_295, %add3A_301], %select_n3A : memref<1488x2xf32, #tpu.memory_space<vmem>>[vector<16xi32>, vector<16xi32>], vector<16xf32>,
        %mul3A_302 = arith.constant 48 : i32
        %mul3A_303 = arith.muli %scan3A_180, %mul3A_302 : i32
        %add3A_304 = arith.constant 16 : i32
        %add3A_305 = arith.addi %mul3A_303, %add3A_304 : i32
        %get3A_306 = arith.index_cast %add3A_305 : i32 to index
        %get3A_307 = tpu.vector_load %arg11[%get3A_306] {strides = array<i32>} : memref<1488xi32, #tpu.memory_space<vmem>>, vector<16xi32>,
        %get3A_308 = arith.index_cast %add3A_305 : i32 to index
        %get3A_309 = tpu.vector_load %arg13[%get3A_308] {strides = array<i32>} : memref<1488xi32, #tpu.memory_space<vmem>>, vector<16xi32>,
        %and3A_310 = arith.constant 131071 : i32
        %and3A_311 = vector.broadcast %and3A_310 : i32 to vector<16xi32>
        %and3A_312 = arith.andi %get3A_307, %and3A_311 : vector<16xi32>
        %shift_right_logical3A_313 = arith.constant 17 : i32
        %shift_right_logical3A_314 = vector.broadcast %shift_right_logical3A_313 : i32 to vector<16xi32>
        %shift_right_logical3A_315 = arith.shrui %get3A_307, %shift_right_logical3A_314 : vector<16xi32>
        %and3A_316 = arith.constant 16383 : i32
        %and3A_317 = vector.broadcast %and3A_316 : i32 to vector<16xi32>
        %and3A_318 = arith.andi %get3A_309, %and3A_317 : vector<16xi32>
        %shift_right_logical3A_319 = arith.constant 14 : i32
        %shift_right_logical3A_320 = vector.broadcast %shift_right_logical3A_319 : i32 to vector<16xi32>
        %shift_right_logical3A_321 = arith.shrui %get3A_309, %shift_right_logical3A_320 : vector<16xi32>
        %shift_right_logical3A_322 = arith.constant 3 : i32
        %shift_right_logical3A_323 = vector.broadcast %shift_right_logical3A_322 : i32 to vector<16xi32>
        %shift_right_logical3A_324 = arith.shrui %and3A_318, %shift_right_logical3A_323 : vector<16xi32>
        %gather3A_325 = tpu.vector_load_idx %arg8[%shift_right_logical3A_324] : memref<1250xi32, #tpu.memory_space<vmem>>[vector<16xi32>], vector<16xi32>,
        %and3A_326 = arith.constant 7 : i32
        %and3A_327 = vector.broadcast %and3A_326 : i32 to vector<16xi32>
        %and3A_328 = arith.andi %and3A_318, %and3A_327 : vector<16xi32>
        %shift_left3A_329 = arith.constant 2 : i32
        %shift_left3A_330 = vector.broadcast %shift_left3A_329 : i32 to vector<16xi32>
        %shift_left3A_331 = arith.shli %and3A_328, %shift_left3A_330 : vector<16xi32>
        %shift_right_logical3A_332 = arith.shrui %gather3A_325, %shift_left3A_331 : vector<16xi32>
        %and3A_333 = arith.constant 7 : i32
        %and3A_334 = vector.broadcast %and3A_333 : i32 to vector<16xi32>
        %and3A_335 = arith.andi %shift_right_logical3A_332, %and3A_334 : vector<16xi32>
        %div3A_336 = arith.constant 200 : i32
        %div3A_337 = vector.broadcast %div3A_336 : i32 to vector<16xi32>
        %div3A_338 = arith.divsi %and3A_312, %div3A_337 : vector<16xi32>
        %mul3A_339 = arith.constant 8 : i32
        %mul3A_340 = vector.broadcast %mul3A_339 : i32 to vector<16xi32>
        %mul3A_341 = arith.muli %shift_right_logical3A_321, %mul3A_340 : vector<16xi32>
        %add3A_342 = arith.addi %mul3A_341, %and3A_335 : vector<16xi32>
        %mul3A_343 = arith.constant 500 : i32
        %mul3A_344 = vector.broadcast %mul3A_343 : i32 to vector<16xi32>
        %mul3A_345 = arith.muli %add3A_342, %mul3A_344 : vector<16xi32>
        %add3A_346 = arith.addi %mul3A_345, %div3A_338 : vector<16xi32>
        %swap3A_347 = arith.index_cast %add3A_305 : i32 to index
        %swap3A_348 = tpu.vector_load %arg15[%swap3A_347] {strides = array<i32>} : memref<1488xi32, #tpu.memory_space<vmem>>, vector<16xi32>,
        tpu.vector_store %arg15[%swap3A_347], %add3A_346 {strides = array<i32>} : memref<1488xi32, #tpu.memory_space<vmem>>, vector<16xi32>,
        %convert_element_type3A_349 = arith.sitofp %shift_right_logical3A_315 : vector<16xi32> to vector<16xf32>
        %mul3A_350 = arith.constant 9.765625E-4 : f32
        %mul3A_351 = vector.broadcast %mul3A_350 : f32 to vector<16xf32>
        %mul3A_352 = arith.mulf %convert_element_type3A_349, %mul3A_351 : vector<16xf32>
        %jit3A_353 = arith.constant 0.000000e+00 : f32
        %jit3A_354 = arith.constant 1.000000e+00 : f32
        %max3A_355 = vector.broadcast %jit3A_353 : f32 to vector<16xf32>
        %max3A_356 = arith.maximumf %max3A_355, %mul3A_352 : vector<16xf32>
        %min3A_357 = vector.broadcast %jit3A_354 : f32 to vector<16xf32>
        %min3A_358 = arith.minimumf %min3A_357, %max3A_356 : vector<16xf32>
        %mul3A_359 = arith.constant 4.000000e+00 : f32
        %mul3A_360 = vector.broadcast %mul3A_359 : f32 to vector<16xf32>
        %mul3A_361 = arith.mulf %min3A_358, %mul3A_360 : vector<16xf32>
        %convert_element_type3A_362 = arith.fptosi %mul3A_361 : vector<16xf32> to vector<16xi32>
        %min3A_363 = arith.constant 3 : i32
        %min3A_364 = vector.broadcast %min3A_363 : i32 to vector<16xi32>
        %min3A_365 = arith.minsi %convert_element_type3A_362, %min3A_364 : vector<16xi32>
        %convert_element_type3A_366 = arith.sitofp %min3A_365 : vector<16xi32> to vector<16xf32>
        %sub3A_367 = arith.subf %mul3A_361, %convert_element_type3A_366 : vector<16xf32>
        %gather3A_368 = tpu.vector_load_idx %arg9[%min3A_365] : memref<128xf32, #tpu.memory_space<vmem>>[vector<16xi32>], vector<16xf32>,
        %add3A_369 = arith.constant 1 : i32
        %add3A_370 = vector.broadcast %add3A_369 : i32 to vector<16xi32>
        %add3A_371 = arith.addi %min3A_365, %add3A_370 : vector<16xi32>
        %gather3A_372 = tpu.vector_load_idx %arg9[%add3A_371] : memref<128xf32, #tpu.memory_space<vmem>>[vector<16xi32>], vector<16xf32>,
        %sub3A_373 = arith.subf %gather3A_372, %gather3A_368 : vector<16xf32>
        %mul3A_374 = arith.mulf %sub3A_367, %sub3A_373 : vector<16xf32>
        %add3A_375 = arith.addf %gather3A_368, %mul3A_374 : vector<16xf32>
        %add3A_376 = arith.constant 9.99999996E-13 : f32
        %add3A_377 = vector.broadcast %add3A_376 : f32 to vector<16xf32>
        %add3A_378 = arith.addf %add3A_375, %add3A_377 : vector<16xf32>
        %bitcast3A_379 = vector.bitcast %add3A_378 : vector<16xf32> to vector<16xi32>
        %shift_right_logical3A_380 = arith.constant 23 : i32
        %shift_right_logical3A_381 = vector.broadcast %shift_right_logical3A_380 : i32 to vector<16xi32>
        %shift_right_logical3A_382 = arith.shrui %bitcast3A_379, %shift_right_logical3A_381 : vector<16xi32>
        %and3A_383 = arith.constant 255 : i32
        %and3A_384 = vector.broadcast %and3A_383 : i32 to vector<16xi32>
        %and3A_385 = arith.andi %shift_right_logical3A_382, %and3A_384 : vector<16xi32>
        %sub3A_386 = arith.constant 127 : i32
        %sub3A_387 = vector.broadcast %sub3A_386 : i32 to vector<16xi32>
        %sub3A_388 = arith.subi %and3A_385, %sub3A_387 : vector<16xi32>
        %and3A_389 = arith.constant 8388607 : i32
        %and3A_390 = vector.broadcast %and3A_389 : i32 to vector<16xi32>
        %and3A_391 = arith.andi %bitcast3A_379, %and3A_390 : vector<16xi32>
        %or3A_392 = arith.constant 1065353216 : i32
        %or3A_393 = vector.broadcast %or3A_392 : i32 to vector<16xi32>
        %or3A_394 = arith.ori %and3A_391, %or3A_393 : vector<16xi32>
        %bitcast3A_395 = vector.bitcast %or3A_394 : vector<16xi32> to vector<16xf32>
        %mul3A_396 = arith.constant 0.0434283651 : f32
        %mul3A_397 = vector.broadcast %mul3A_396 : f32 to vector<16xf32>
        %mul3A_398 = arith.mulf %mul3A_397, %bitcast3A_395 : vector<16xf32>
        %add3A_399 = arith.constant -0.404862314 : f32
        %add3A_400 = vector.broadcast %add3A_399 : f32 to vector<16xf32>
        %add3A_401 = arith.addf %mul3A_398, %add3A_400 : vector<16xf32>
        %mul3A_402 = arith.mulf %add3A_401, %bitcast3A_395 : vector<16xf32>
        %add3A_403 = arith.constant 1.59388459 : f32
        %add3A_404 = vector.broadcast %add3A_403 : f32 to vector<16xf32>
        %add3A_405 = arith.addf %mul3A_402, %add3A_404 : vector<16xf32>
        %mul3A_406 = arith.mulf %add3A_405, %bitcast3A_395 : vector<16xf32>
        %add3A_407 = arith.constant -3.49246597 : f32
        %add3A_408 = vector.broadcast %add3A_407 : f32 to vector<16xf32>
        %add3A_409 = arith.addf %mul3A_406, %add3A_408 : vector<16xf32>
        %mul3A_410 = arith.mulf %add3A_409, %bitcast3A_395 : vector<16xf32>
        %add3A_411 = arith.constant 5.04685307 : f32
        %add3A_412 = vector.broadcast %add3A_411 : f32 to vector<16xf32>
        %add3A_413 = arith.addf %mul3A_410, %add3A_412 : vector<16xf32>
        %mul3A_414 = arith.mulf %add3A_413, %bitcast3A_395 : vector<16xf32>
        %add3A_415 = arith.constant -2.78680563 : f32
        %add3A_416 = vector.broadcast %add3A_415 : f32 to vector<16xf32>
        %add3A_417 = arith.addf %mul3A_414, %add3A_416 : vector<16xf32>
        %convert_element_type3A_418 = arith.sitofp %sub3A_388 : vector<16xi32> to vector<16xf32>
        %add3A_419 = arith.addf %convert_element_type3A_418, %add3A_417 : vector<16xf32>
        %mul3A_420 = arith.constant 0.693147182 : f32
        %mul3A_421 = vector.broadcast %mul3A_420 : f32 to vector<16xf32>
        %mul3A_422 = arith.mulf %add3A_419, %mul3A_421 : vector<16xf32>
        %gt3A_423 = arith.constant 1.024000e+03 : f32
        %gt3A_424 = vector.broadcast %gt3A_423 : f32 to vector<16xf32>
        %gt3A_425 = arith.cmpf ogt, %convert_element_type3A_349, %gt3A_424 : vector<16xf32>
        %add3A_426 = arith.addf %mul3A_422, %gather3A : vector<16xf32>
        %select_n3A_427 = arith.select %gt3A_425, %gather3A_12, %add3A_426 : vector<16xi1>, vector<16xf32>
        %add3A_428 = vector.broadcast %add3A_305 : i32 to vector<16xi32>
        %add3A_429 = arith.addi %add3A_428, %iota3A : vector<16xi32>
        %mul3A_430 = arith.constant 0 : i32
        %mul3A_431 = vector.broadcast %mul3A_430 : i32 to vector<16xi32>
        %mul3A_432 = arith.muli %iota3A, %mul3A_431 : vector<16xi32>
        %add3A_433 = arith.constant 1 : i32
        %add3A_434 = vector.broadcast %add3A_433 : i32 to vector<16xi32>
        %add3A_435 = arith.addi %mul3A_432, %add3A_434 : vector<16xi32>
        tpu.vector_store_idx %arg19[%add3A_429, %add3A_435], %select_n3A_427 : memref<1488x2xf32, #tpu.memory_space<vmem>>[vector<16xi32>, vector<16xi32>], vector<16xf32>,
        %mul3A_436 = arith.constant 48 : i32
        %mul3A_437 = arith.muli %scan3A_180, %mul3A_436 : i32
        %add3A_438 = arith.constant 32 : i32
        %add3A_439 = arith.addi %mul3A_437, %add3A_438 : i32
        %get3A_440 = arith.index_cast %add3A_439 : i32 to index
        %get3A_441 = tpu.vector_load %arg11[%get3A_440] {strides = array<i32>} : memref<1488xi32, #tpu.memory_space<vmem>>, vector<16xi32>,
        %get3A_442 = arith.index_cast %add3A_439 : i32 to index
        %get3A_443 = tpu.vector_load %arg13[%get3A_442] {strides = array<i32>} : memref<1488xi32, #tpu.memory_space<vmem>>, vector<16xi32>,
        %and3A_444 = arith.constant 131071 : i32
        %and3A_445 = vector.broadcast %and3A_444 : i32 to vector<16xi32>
        %and3A_446 = arith.andi %get3A_441, %and3A_445 : vector<16xi32>
        %shift_right_logical3A_447 = arith.constant 17 : i32
        %shift_right_logical3A_448 = vector.broadcast %shift_right_logical3A_447 : i32 to vector<16xi32>
        %shift_right_logical3A_449 = arith.shrui %get3A_441, %shift_right_logical3A_448 : vector<16xi32>
        %and3A_450 = arith.constant 16383 : i32
        %and3A_451 = vector.broadcast %and3A_450 : i32 to vector<16xi32>
        %and3A_452 = arith.andi %get3A_443, %and3A_451 : vector<16xi32>
        %shift_right_logical3A_453 = arith.constant 14 : i32
        %shift_right_logical3A_454 = vector.broadcast %shift_right_logical3A_453 : i32 to vector<16xi32>
        %shift_right_logical3A_455 = arith.shrui %get3A_443, %shift_right_logical3A_454 : vector<16xi32>
        %shift_right_logical3A_456 = arith.constant 3 : i32
        %shift_right_logical3A_457 = vector.broadcast %shift_right_logical3A_456 : i32 to vector<16xi32>
        %shift_right_logical3A_458 = arith.shrui %and3A_452, %shift_right_logical3A_457 : vector<16xi32>
        %gather3A_459 = tpu.vector_load_idx %arg8[%shift_right_logical3A_458] : memref<1250xi32, #tpu.memory_space<vmem>>[vector<16xi32>], vector<16xi32>,
        %and3A_460 = arith.constant 7 : i32
        %and3A_461 = vector.broadcast %and3A_460 : i32 to vector<16xi32>
        %and3A_462 = arith.andi %and3A_452, %and3A_461 : vector<16xi32>
        %shift_left3A_463 = arith.constant 2 : i32
        %shift_left3A_464 = vector.broadcast %shift_left3A_463 : i32 to vector<16xi32>
        %shift_left3A_465 = arith.shli %and3A_462, %shift_left3A_464 : vector<16xi32>
        %shift_right_logical3A_466 = arith.shrui %gather3A_459, %shift_left3A_465 : vector<16xi32>
        %and3A_467 = arith.constant 7 : i32
        %and3A_468 = vector.broadcast %and3A_467 : i32 to vector<16xi32>
        %and3A_469 = arith.andi %shift_right_logical3A_466, %and3A_468 : vector<16xi32>
        %div3A_470 = arith.constant 200 : i32
        %div3A_471 = vector.broadcast %div3A_470 : i32 to vector<16xi32>
        %div3A_472 = arith.divsi %and3A_446, %div3A_471 : vector<16xi32>
        %mul3A_473 = arith.constant 8 : i32
        %mul3A_474 = vector.broadcast %mul3A_473 : i32 to vector<16xi32>
        %mul3A_475 = arith.muli %shift_right_logical3A_455, %mul3A_474 : vector<16xi32>
        %add3A_476 = arith.addi %mul3A_475, %and3A_469 : vector<16xi32>
        %mul3A_477 = arith.constant 500 : i32
        %mul3A_478 = vector.broadcast %mul3A_477 : i32 to vector<16xi32>
        %mul3A_479 = arith.muli %add3A_476, %mul3A_478 : vector<16xi32>
        %add3A_480 = arith.addi %mul3A_479, %div3A_472 : vector<16xi32>
        %swap3A_481 = arith.index_cast %add3A_439 : i32 to index
        %swap3A_482 = tpu.vector_load %arg15[%swap3A_481] {strides = array<i32>} : memref<1488xi32, #tpu.memory_space<vmem>>, vector<16xi32>,
        tpu.vector_store %arg15[%swap3A_481], %add3A_480 {strides = array<i32>} : memref<1488xi32, #tpu.memory_space<vmem>>, vector<16xi32>,
        %convert_element_type3A_483 = arith.sitofp %shift_right_logical3A_449 : vector<16xi32> to vector<16xf32>
        %mul3A_484 = arith.constant 9.765625E-4 : f32
        %mul3A_485 = vector.broadcast %mul3A_484 : f32 to vector<16xf32>
        %mul3A_486 = arith.mulf %convert_element_type3A_483, %mul3A_485 : vector<16xf32>
        %jit3A_487 = arith.constant 0.000000e+00 : f32
        %jit3A_488 = arith.constant 1.000000e+00 : f32
        %max3A_489 = vector.broadcast %jit3A_487 : f32 to vector<16xf32>
        %max3A_490 = arith.maximumf %max3A_489, %mul3A_486 : vector<16xf32>
        %min3A_491 = vector.broadcast %jit3A_488 : f32 to vector<16xf32>
        %min3A_492 = arith.minimumf %min3A_491, %max3A_490 : vector<16xf32>
        %mul3A_493 = arith.constant 4.000000e+00 : f32
        %mul3A_494 = vector.broadcast %mul3A_493 : f32 to vector<16xf32>
        %mul3A_495 = arith.mulf %min3A_492, %mul3A_494 : vector<16xf32>
        %convert_element_type3A_496 = arith.fptosi %mul3A_495 : vector<16xf32> to vector<16xi32>
        %min3A_497 = arith.constant 3 : i32
        %min3A_498 = vector.broadcast %min3A_497 : i32 to vector<16xi32>
        %min3A_499 = arith.minsi %convert_element_type3A_496, %min3A_498 : vector<16xi32>
        %convert_element_type3A_500 = arith.sitofp %min3A_499 : vector<16xi32> to vector<16xf32>
        %sub3A_501 = arith.subf %mul3A_495, %convert_element_type3A_500 : vector<16xf32>
        %gather3A_502 = tpu.vector_load_idx %arg9[%min3A_499] : memref<128xf32, #tpu.memory_space<vmem>>[vector<16xi32>], vector<16xf32>,
        %add3A_503 = arith.constant 1 : i32
        %add3A_504 = vector.broadcast %add3A_503 : i32 to vector<16xi32>
        %add3A_505 = arith.addi %min3A_499, %add3A_504 : vector<16xi32>
        %gather3A_506 = tpu.vector_load_idx %arg9[%add3A_505] : memref<128xf32, #tpu.memory_space<vmem>>[vector<16xi32>], vector<16xf32>,
        %sub3A_507 = arith.subf %gather3A_506, %gather3A_502 : vector<16xf32>
        %mul3A_508 = arith.mulf %sub3A_501, %sub3A_507 : vector<16xf32>
        %add3A_509 = arith.addf %gather3A_502, %mul3A_508 : vector<16xf32>
        %add3A_510 = arith.constant 9.99999996E-13 : f32
        %add3A_511 = vector.broadcast %add3A_510 : f32 to vector<16xf32>
        %add3A_512 = arith.addf %add3A_509, %add3A_511 : vector<16xf32>
        %bitcast3A_513 = vector.bitcast %add3A_512 : vector<16xf32> to vector<16xi32>
        %shift_right_logical3A_514 = arith.constant 23 : i32
        %shift_right_logical3A_515 = vector.broadcast %shift_right_logical3A_514 : i32 to vector<16xi32>
        %shift_right_logical3A_516 = arith.shrui %bitcast3A_513, %shift_right_logical3A_515 : vector<16xi32>
        %and3A_517 = arith.constant 255 : i32
        %and3A_518 = vector.broadcast %and3A_517 : i32 to vector<16xi32>
        %and3A_519 = arith.andi %shift_right_logical3A_516, %and3A_518 : vector<16xi32>
        %sub3A_520 = arith.constant 127 : i32
        %sub3A_521 = vector.broadcast %sub3A_520 : i32 to vector<16xi32>
        %sub3A_522 = arith.subi %and3A_519, %sub3A_521 : vector<16xi32>
        %and3A_523 = arith.constant 8388607 : i32
        %and3A_524 = vector.broadcast %and3A_523 : i32 to vector<16xi32>
        %and3A_525 = arith.andi %bitcast3A_513, %and3A_524 : vector<16xi32>
        %or3A_526 = arith.constant 1065353216 : i32
        %or3A_527 = vector.broadcast %or3A_526 : i32 to vector<16xi32>
        %or3A_528 = arith.ori %and3A_525, %or3A_527 : vector<16xi32>
        %bitcast3A_529 = vector.bitcast %or3A_528 : vector<16xi32> to vector<16xf32>
        %mul3A_530 = arith.constant 0.0434283651 : f32
        %mul3A_531 = vector.broadcast %mul3A_530 : f32 to vector<16xf32>
        %mul3A_532 = arith.mulf %mul3A_531, %bitcast3A_529 : vector<16xf32>
        %add3A_533 = arith.constant -0.404862314 : f32
        %add3A_534 = vector.broadcast %add3A_533 : f32 to vector<16xf32>
        %add3A_535 = arith.addf %mul3A_532, %add3A_534 : vector<16xf32>
        %mul3A_536 = arith.mulf %add3A_535, %bitcast3A_529 : vector<16xf32>
        %add3A_537 = arith.constant 1.59388459 : f32
        %add3A_538 = vector.broadcast %add3A_537 : f32 to vector<16xf32>
        %add3A_539 = arith.addf %mul3A_536, %add3A_538 : vector<16xf32>
        %mul3A_540 = arith.mulf %add3A_539, %bitcast3A_529 : vector<16xf32>
        %add3A_541 = arith.constant -3.49246597 : f32
        %add3A_542 = vector.broadcast %add3A_541 : f32 to vector<16xf32>
        %add3A_543 = arith.addf %mul3A_540, %add3A_542 : vector<16xf32>
        %mul3A_544 = arith.mulf %add3A_543, %bitcast3A_529 : vector<16xf32>
        %add3A_545 = arith.constant 5.04685307 : f32
        %add3A_546 = vector.broadcast %add3A_545 : f32 to vector<16xf32>
        %add3A_547 = arith.addf %mul3A_544, %add3A_546 : vector<16xf32>
        %mul3A_548 = arith.mulf %add3A_547, %bitcast3A_529 : vector<16xf32>
        %add3A_549 = arith.constant -2.78680563 : f32
        %add3A_550 = vector.broadcast %add3A_549 : f32 to vector<16xf32>
        %add3A_551 = arith.addf %mul3A_548, %add3A_550 : vector<16xf32>
        %convert_element_type3A_552 = arith.sitofp %sub3A_522 : vector<16xi32> to vector<16xf32>
        %add3A_553 = arith.addf %convert_element_type3A_552, %add3A_551 : vector<16xf32>
        %mul3A_554 = arith.constant 0.693147182 : f32
        %mul3A_555 = vector.broadcast %mul3A_554 : f32 to vector<16xf32>
        %mul3A_556 = arith.mulf %add3A_553, %mul3A_555 : vector<16xf32>
        %gt3A_557 = arith.constant 1.024000e+03 : f32
        %gt3A_558 = vector.broadcast %gt3A_557 : f32 to vector<16xf32>
        %gt3A_559 = arith.cmpf ogt, %convert_element_type3A_483, %gt3A_558 : vector<16xf32>
        %add3A_560 = arith.addf %mul3A_556, %gather3A : vector<16xf32>
        %select_n3A_561 = arith.select %gt3A_559, %gather3A_12, %add3A_560 : vector<16xi1>, vector<16xf32>
        %add3A_562 = vector.broadcast %add3A_439 : i32 to vector<16xi32>
        %add3A_563 = arith.addi %add3A_562, %iota3A : vector<16xi32>
        %mul3A_564 = arith.constant 0 : i32
        %mul3A_565 = vector.broadcast %mul3A_564 : i32 to vector<16xi32>
        %mul3A_566 = arith.muli %iota3A, %mul3A_565 : vector<16xi32>
        %add3A_567 = arith.constant 1 : i32
        %add3A_568 = vector.broadcast %add3A_567 : i32 to vector<16xi32>
        %add3A_569 = arith.addi %mul3A_566, %add3A_568 : vector<16xi32>
        tpu.vector_store_idx %arg19[%add3A_563, %add3A_569], %select_n3A_561 : memref<1488x2xf32, #tpu.memory_space<vmem>>[vector<16xi32>, vector<16xi32>], vector<16xf32>,
      }
      %scan3A_108 = arith.constant 31 : i32
      %dma_start3A_109 = arith.constant 0 : i32
      %dma_start3A_110 = tpu.memref_slice %arg2[%dma_start3A_109] : memref<256000xf32, #tpu.memory_space<hbm>> -> memref<256000xf32, #tpu.memory_space<hbm>>
      tpu.enqueue_indirect_dma source(%dma_start3A_110 : memref<256000xf32, #tpu.memory_space<hbm>>) target(%arg17 : memref<1488xf32, #tpu.memory_space<vmem>>) offsets(%arg15 : memref<1488xi32, #tpu.memory_space<vmem>>) semaphore(%arg27 : memref<!tpu.dma_semaphore, #tpu.memory_space<semaphore_mem>>)
      %dma_wait3A_111 = arith.constant 0 : i32
      %dma_wait3A_112 = tpu.memref_slice %arg2[%dma_wait3A_111] : memref<256000xf32, #tpu.memory_space<hbm>> -> memref<256000xf32, #tpu.memory_space<hbm>>
      tpu.wait_indirect_dma semaphore(%arg26 : memref<!tpu.dma_semaphore, #tpu.memory_space<semaphore_mem>>) src(%dma_wait3A_112 : memref<256000xf32, #tpu.memory_space<hbm>>) dst(%arg16 : memref<1488xf32, #tpu.memory_space<vmem>>)
      %scan3A_113 = arith.constant 0 : i32
      %scan3A_114 = arith.constant 0 : i32
      %scan3A_115 = arith.constant 31 : i32
      %scan3A_116 = arith.addi %scan3A_114, %scan3A_115 : i32
      %scan3A_117 = arith.constant 1 : i32
      scf.for %scan3A_180 = %scan3A_114 to %scan3A_116 step %scan3A_117  : i32 {
        %mul3A_181 = arith.constant 48 : i32
        %mul3A_182 = arith.muli %scan3A_180, %mul3A_181 : i32
        %add3A_183 = arith.constant 0 : i32
        %add3A_184 = arith.addi %mul3A_182, %add3A_183 : i32
        %get3A = arith.index_cast %add3A_184 : i32 to index
        %get3A_185 = tpu.vector_load %arg16[%get3A] {strides = array<i32>} : memref<1488xf32, #tpu.memory_space<vmem>>, vector<16xf32>,
        %add3A_186 = vector.broadcast %add3A_184 : i32 to vector<16xi32>
        %add3A_187 = arith.addi %add3A_186, %iota3A : vector<16xi32>
        %mul3A_188 = arith.constant 0 : i32
        %mul3A_189 = vector.broadcast %mul3A_188 : i32 to vector<16xi32>
        %mul3A_190 = arith.muli %iota3A, %mul3A_189 : vector<16xi32>
        tpu.vector_store_idx %arg18[%add3A_187, %mul3A_190], %get3A_185 : memref<1488x2xf32, #tpu.memory_space<vmem>>[vector<16xi32>, vector<16xi32>], vector<16xf32>,
        %mul3A_191 = arith.constant 48 : i32
        %mul3A_192 = arith.muli %scan3A_180, %mul3A_191 : i32
        %add3A_193 = arith.constant 16 : i32
        %add3A_194 = arith.addi %mul3A_192, %add3A_193 : i32
        %get3A_195 = arith.index_cast %add3A_194 : i32 to index
        %get3A_196 = tpu.vector_load %arg16[%get3A_195] {strides = array<i32>} : memref<1488xf32, #tpu.memory_space<vmem>>, vector<16xf32>,
        %add3A_197 = vector.broadcast %add3A_194 : i32 to vector<16xi32>
        %add3A_198 = arith.addi %add3A_197, %iota3A : vector<16xi32>
        %mul3A_199 = arith.constant 0 : i32
        %mul3A_200 = vector.broadcast %mul3A_199 : i32 to vector<16xi32>
        %mul3A_201 = arith.muli %iota3A, %mul3A_200 : vector<16xi32>
        tpu.vector_store_idx %arg18[%add3A_198, %mul3A_201], %get3A_196 : memref<1488x2xf32, #tpu.memory_space<vmem>>[vector<16xi32>, vector<16xi32>], vector<16xf32>,
        %mul3A_202 = arith.constant 48 : i32
        %mul3A_203 = arith.muli %scan3A_180, %mul3A_202 : i32
        %add3A_204 = arith.constant 32 : i32
        %add3A_205 = arith.addi %mul3A_203, %add3A_204 : i32
        %get3A_206 = arith.index_cast %add3A_205 : i32 to index
        %get3A_207 = tpu.vector_load %arg16[%get3A_206] {strides = array<i32>} : memref<1488xf32, #tpu.memory_space<vmem>>, vector<16xf32>,
        %add3A_208 = vector.broadcast %add3A_205 : i32 to vector<16xi32>
        %add3A_209 = arith.addi %add3A_208, %iota3A : vector<16xi32>
        %mul3A_210 = arith.constant 0 : i32
        %mul3A_211 = vector.broadcast %mul3A_210 : i32 to vector<16xi32>
        %mul3A_212 = arith.muli %iota3A, %mul3A_211 : vector<16xi32>
        tpu.vector_store_idx %arg18[%add3A_209, %mul3A_212], %get3A_207 : memref<1488x2xf32, #tpu.memory_space<vmem>>[vector<16xi32>, vector<16xi32>], vector<16xf32>,
      }
      %scan3A_118 = arith.constant 31 : i32
      %sub3A = arith.constant 1 : i32
      %sub3A_119 = arith.subi %add3A_82, %sub3A : i32
      %mul3A_120 = arith.constant 1488 : i32
      %mul3A_121 = arith.muli %sub3A_119, %mul3A_120 : i32
      %add3A_122 = arith.addi %mul3A_2, %mul3A_121 : i32
      %dma_start3A_123 = arith.constant 0 : i32
      %dma_start3A_124 = tpu.memref_slice %arg7[%add3A_122, %dma_start3A_123] : memref<1000000x2xf32, #tpu.memory_space<hbm>> -> memref<1488x2xf32, #tpu.memory_space<hbm>>
      %dma_start3A_125 = arith.constant 0 : i32
      %dma_start3A_126 = tpu.memref_slice %arg7[%add3A_122, %dma_start3A_125] : memref<1000000x2xf32, #tpu.memory_space<hbm>> -> memref<1488x2xf32, #tpu.memory_space<hbm>>
      tpu.enqueue_dma source(%arg18 : memref<1488x2xf32, #tpu.memory_space<vmem>>) target(%dma_start3A_126 : memref<1488x2xf32, #tpu.memory_space<hbm>>) target_semaphore(%arg24 : memref<!tpu.dma_semaphore, #tpu.memory_space<semaphore_mem>>)
      %mul3A_127 = arith.constant 2 : i32
      %mul3A_128 = arith.muli %mul3A_127, %scan3A_76 : i32
      %add3A_129 = arith.constant 1 : i32
      %add3A_130 = arith.addi %add3A_129, %mul3A_128 : i32
      %add3A_131 = arith.constant 1 : i32
      %add3A_132 = arith.addi %add3A_130, %add3A_131 : i32
      %add3A_133 = arith.constant 1 : i32
      %add3A_134 = arith.addi %add3A_132, %add3A_133 : i32
      %lt3A_135 = arith.constant 21 : i32
      %lt3A_136 = arith.cmpi slt, %add3A_134, %lt3A_135 : i32
      %convert_element_type3A_137 = arith.extui %lt3A_136 : i1 to i32
      %cond3A_138 = arith.constant 0 : i32
      %cond3A_139 = arith.cmpi ne, %convert_element_type3A_137, %cond3A_138 : i32
      scf.if %cond3A_139 {
        %add3A_180 = arith.constant 1 : i32
        %add3A_181 = arith.addi %add3A_132, %add3A_180 : i32
        %mul3A_182 = arith.constant 1488 : i32
        %mul3A_183 = arith.muli %add3A_181, %mul3A_182 : i32
        %add3A_184 = arith.addi %mul3A_2, %mul3A_183 : i32
        %dma_start3A_185 = tpu.memref_slice %arg4[%add3A_184] : memref<1000000xi32, #tpu.memory_space<hbm>> -> memref<1488xi32, #tpu.memory_space<hbm>>
        %dma_start3A_186 = tpu.memref_slice %arg4[%add3A_184] : memref<1000000xi32, #tpu.memory_space<hbm>> -> memref<1488xi32, #tpu.memory_space<hbm>>
        tpu.enqueue_dma source(%dma_start3A_186 : memref<1488xi32, #tpu.memory_space<hbm>>) target(%arg11 : memref<1488xi32, #tpu.memory_space<vmem>>) target_semaphore(%arg21 : memref<!tpu.dma_semaphore, #tpu.memory_space<semaphore_mem>>)
        %mul3A_187 = arith.constant 1488 : i32
        %mul3A_188 = arith.muli %add3A_181, %mul3A_187 : i32
        %add3A_189 = arith.addi %mul3A_2, %mul3A_188 : i32
        %dma_start3A_190 = tpu.memref_slice %arg5[%add3A_189] : memref<1000000xi32, #tpu.memory_space<hbm>> -> memref<1488xi32, #tpu.memory_space<hbm>>
        %dma_start3A_191 = tpu.memref_slice %arg5[%add3A_189] : memref<1000000xi32, #tpu.memory_space<hbm>> -> memref<1488xi32, #tpu.memory_space<hbm>>
        tpu.enqueue_dma source(%dma_start3A_191 : memref<1488xi32, #tpu.memory_space<hbm>>) target(%arg13 : memref<1488xi32, #tpu.memory_space<vmem>>) target_semaphore(%arg23 : memref<!tpu.dma_semaphore, #tpu.memory_space<semaphore_mem>>)
      } else {
      }
      %mul3A_140 = arith.constant 1488 : i32
      %mul3A_141 = arith.muli %add3A_132, %mul3A_140 : i32
      %add3A_142 = arith.addi %mul3A_2, %mul3A_141 : i32
      %dma_wait3A_143 = tpu.memref_slice %arg4[%add3A_142] : memref<1000000xi32, #tpu.memory_space<hbm>> -> memref<1488xi32, #tpu.memory_space<hbm>>
      %dma_wait3A_144 = tpu.memref_slice %arg4[%add3A_142] : memref<1000000xi32, #tpu.memory_space<hbm>> -> memref<1488xi32, #tpu.memory_space<hbm>>
      tpu.wait_dma2 semaphore(%arg20 : memref<!tpu.dma_semaphore, #tpu.memory_space<semaphore_mem>>) src(%dma_wait3A_144 : memref<1488xi32, #tpu.memory_space<hbm>>) dst(%arg10 : memref<1488xi32, #tpu.memory_space<vmem>>)
      %mul3A_145 = arith.constant 1488 : i32
      %mul3A_146 = arith.muli %add3A_132, %mul3A_145 : i32
      %add3A_147 = arith.addi %mul3A_2, %mul3A_146 : i32
      %dma_wait3A_148 = tpu.memref_slice %arg5[%add3A_147] : memref<1000000xi32, #tpu.memory_space<hbm>> -> memref<1488xi32, #tpu.memory_space<hbm>>
      %dma_wait3A_149 = tpu.memref_slice %arg5[%add3A_147] : memref<1000000xi32, #tpu.memory_space<hbm>> -> memref<1488xi32, #tpu.memory_space<hbm>>
      tpu.wait_dma2 semaphore(%arg22 : memref<!tpu.dma_semaphore, #tpu.memory_space<semaphore_mem>>) src(%dma_wait3A_149 : memref<1488xi32, #tpu.memory_space<hbm>>) dst(%arg12 : memref<1488xi32, #tpu.memory_space<vmem>>)
      %ge3A_150 = arith.constant 2 : i32
      %ge3A_151 = arith.cmpi sge, %add3A_132, %ge3A_150 : i32
      %convert_element_type3A_152 = arith.extui %ge3A_151 : i1 to i32
      %cond3A_153 = arith.constant 0 : i32
      %cond3A_154 = arith.cmpi ne, %convert_element_type3A_152, %cond3A_153 : i32
      scf.if %cond3A_154 {
        %sub3A_180 = arith.constant 2 : i32
        %sub3A_181 = arith.subi %add3A_132, %sub3A_180 : i32
        %mul3A_182 = arith.constant 1488 : i32
        %mul3A_183 = arith.muli %sub3A_181, %mul3A_182 : i32
        %add3A_184 = arith.addi %mul3A_2, %mul3A_183 : i32
        %dma_wait3A_185 = arith.constant 0 : i32
        %dma_wait3A_186 = tpu.memref_slice %arg7[%add3A_184, %dma_wait3A_185] : memref<1000000x2xf32, #tpu.memory_space<hbm>> -> memref<1488x2xf32, #tpu.memory_space<hbm>>
        %dma_wait3A_187 = arith.constant 0 : i32
        %dma_wait3A_188 = tpu.memref_slice %arg7[%add3A_184, %dma_wait3A_187] : memref<1000000x2xf32, #tpu.memory_space<hbm>> -> memref<1488x2xf32, #tpu.memory_space<hbm>>
        tpu.wait_dma2 semaphore(%arg24 : memref<!tpu.dma_semaphore, #tpu.memory_space<semaphore_mem>>) src(%arg18 : memref<1488x2xf32, #tpu.memory_space<vmem>>) dst(%dma_wait3A_188 : memref<1488x2xf32, #tpu.memory_space<hbm>>)
      } else {
      }
      %scan3A_155 = arith.constant 0 : i32
      %scan3A_156 = arith.constant 0 : i32
      %scan3A_157 = arith.constant 31 : i32
      %scan3A_158 = arith.addi %scan3A_156, %scan3A_157 : i32
      %scan3A_159 = arith.constant 1 : i32
      scf.for %scan3A_180 = %scan3A_156 to %scan3A_158 step %scan3A_159  : i32 {
        %mul3A_181 = arith.constant 48 : i32
        %mul3A_182 = arith.muli %scan3A_180, %mul3A_181 : i32
        %add3A_183 = arith.constant 0 : i32
        %add3A_184 = arith.addi %mul3A_182, %add3A_183 : i32
        %get3A = arith.index_cast %add3A_184 : i32 to index
        %get3A_185 = tpu.vector_load %arg10[%get3A] {strides = array<i32>} : memref<1488xi32, #tpu.memory_space<vmem>>, vector<16xi32>,
        %get3A_186 = arith.index_cast %add3A_184 : i32 to index
        %get3A_187 = tpu.vector_load %arg12[%get3A_186] {strides = array<i32>} : memref<1488xi32, #tpu.memory_space<vmem>>, vector<16xi32>,
        %and3A = arith.constant 131071 : i32
        %and3A_188 = vector.broadcast %and3A : i32 to vector<16xi32>
        %and3A_189 = arith.andi %get3A_185, %and3A_188 : vector<16xi32>
        %shift_right_logical3A = arith.constant 17 : i32
        %shift_right_logical3A_190 = vector.broadcast %shift_right_logical3A : i32 to vector<16xi32>
        %shift_right_logical3A_191 = arith.shrui %get3A_185, %shift_right_logical3A_190 : vector<16xi32>
        %and3A_192 = arith.constant 16383 : i32
        %and3A_193 = vector.broadcast %and3A_192 : i32 to vector<16xi32>
        %and3A_194 = arith.andi %get3A_187, %and3A_193 : vector<16xi32>
        %shift_right_logical3A_195 = arith.constant 14 : i32
        %shift_right_logical3A_196 = vector.broadcast %shift_right_logical3A_195 : i32 to vector<16xi32>
        %shift_right_logical3A_197 = arith.shrui %get3A_187, %shift_right_logical3A_196 : vector<16xi32>
        %shift_right_logical3A_198 = arith.constant 3 : i32
        %shift_right_logical3A_199 = vector.broadcast %shift_right_logical3A_198 : i32 to vector<16xi32>
        %shift_right_logical3A_200 = arith.shrui %and3A_194, %shift_right_logical3A_199 : vector<16xi32>
        %gather3A_201 = tpu.vector_load_idx %arg8[%shift_right_logical3A_200] : memref<1250xi32, #tpu.memory_space<vmem>>[vector<16xi32>], vector<16xi32>,
        %and3A_202 = arith.constant 7 : i32
        %and3A_203 = vector.broadcast %and3A_202 : i32 to vector<16xi32>
        %and3A_204 = arith.andi %and3A_194, %and3A_203 : vector<16xi32>
        %shift_left3A = arith.constant 2 : i32
        %shift_left3A_205 = vector.broadcast %shift_left3A : i32 to vector<16xi32>
        %shift_left3A_206 = arith.shli %and3A_204, %shift_left3A_205 : vector<16xi32>
        %shift_right_logical3A_207 = arith.shrui %gather3A_201, %shift_left3A_206 : vector<16xi32>
        %and3A_208 = arith.constant 7 : i32
        %and3A_209 = vector.broadcast %and3A_208 : i32 to vector<16xi32>
        %and3A_210 = arith.andi %shift_right_logical3A_207, %and3A_209 : vector<16xi32>
        %div3A = arith.constant 200 : i32
        %div3A_211 = vector.broadcast %div3A : i32 to vector<16xi32>
        %div3A_212 = arith.divsi %and3A_189, %div3A_211 : vector<16xi32>
        %mul3A_213 = arith.constant 8 : i32
        %mul3A_214 = vector.broadcast %mul3A_213 : i32 to vector<16xi32>
        %mul3A_215 = arith.muli %shift_right_logical3A_197, %mul3A_214 : vector<16xi32>
        %add3A_216 = arith.addi %mul3A_215, %and3A_210 : vector<16xi32>
        %mul3A_217 = arith.constant 500 : i32
        %mul3A_218 = vector.broadcast %mul3A_217 : i32 to vector<16xi32>
        %mul3A_219 = arith.muli %add3A_216, %mul3A_218 : vector<16xi32>
        %add3A_220 = arith.addi %mul3A_219, %div3A_212 : vector<16xi32>
        %swap3A = arith.index_cast %add3A_184 : i32 to index
        %swap3A_221 = tpu.vector_load %arg14[%swap3A] {strides = array<i32>} : memref<1488xi32, #tpu.memory_space<vmem>>, vector<16xi32>,
        tpu.vector_store %arg14[%swap3A], %add3A_220 {strides = array<i32>} : memref<1488xi32, #tpu.memory_space<vmem>>, vector<16xi32>,
        %convert_element_type3A_222 = arith.sitofp %shift_right_logical3A_191 : vector<16xi32> to vector<16xf32>
        %mul3A_223 = arith.constant 9.765625E-4 : f32
        %mul3A_224 = vector.broadcast %mul3A_223 : f32 to vector<16xf32>
        %mul3A_225 = arith.mulf %convert_element_type3A_222, %mul3A_224 : vector<16xf32>
        %jit3A = arith.constant 0.000000e+00 : f32
        %jit3A_226 = arith.constant 1.000000e+00 : f32
        %max3A = vector.broadcast %jit3A : f32 to vector<16xf32>
        %max3A_227 = arith.maximumf %max3A, %mul3A_225 : vector<16xf32>
        %min3A = vector.broadcast %jit3A_226 : f32 to vector<16xf32>
        %min3A_228 = arith.minimumf %min3A, %max3A_227 : vector<16xf32>
        %mul3A_229 = arith.constant 4.000000e+00 : f32
        %mul3A_230 = vector.broadcast %mul3A_229 : f32 to vector<16xf32>
        %mul3A_231 = arith.mulf %min3A_228, %mul3A_230 : vector<16xf32>
        %convert_element_type3A_232 = arith.fptosi %mul3A_231 : vector<16xf32> to vector<16xi32>
        %min3A_233 = arith.constant 3 : i32
        %min3A_234 = vector.broadcast %min3A_233 : i32 to vector<16xi32>
        %min3A_235 = arith.minsi %convert_element_type3A_232, %min3A_234 : vector<16xi32>
        %convert_element_type3A_236 = arith.sitofp %min3A_235 : vector<16xi32> to vector<16xf32>
        %sub3A_237 = arith.subf %mul3A_231, %convert_element_type3A_236 : vector<16xf32>
        %gather3A_238 = tpu.vector_load_idx %arg9[%min3A_235] : memref<128xf32, #tpu.memory_space<vmem>>[vector<16xi32>], vector<16xf32>,
        %add3A_239 = arith.constant 1 : i32
        %add3A_240 = vector.broadcast %add3A_239 : i32 to vector<16xi32>
        %add3A_241 = arith.addi %min3A_235, %add3A_240 : vector<16xi32>
        %gather3A_242 = tpu.vector_load_idx %arg9[%add3A_241] : memref<128xf32, #tpu.memory_space<vmem>>[vector<16xi32>], vector<16xf32>,
        %sub3A_243 = arith.subf %gather3A_242, %gather3A_238 : vector<16xf32>
        %mul3A_244 = arith.mulf %sub3A_237, %sub3A_243 : vector<16xf32>
        %add3A_245 = arith.addf %gather3A_238, %mul3A_244 : vector<16xf32>
        %add3A_246 = arith.constant 9.99999996E-13 : f32
        %add3A_247 = vector.broadcast %add3A_246 : f32 to vector<16xf32>
        %add3A_248 = arith.addf %add3A_245, %add3A_247 : vector<16xf32>
        %bitcast3A = vector.bitcast %add3A_248 : vector<16xf32> to vector<16xi32>
        %shift_right_logical3A_249 = arith.constant 23 : i32
        %shift_right_logical3A_250 = vector.broadcast %shift_right_logical3A_249 : i32 to vector<16xi32>
        %shift_right_logical3A_251 = arith.shrui %bitcast3A, %shift_right_logical3A_250 : vector<16xi32>
        %and3A_252 = arith.constant 255 : i32
        %and3A_253 = vector.broadcast %and3A_252 : i32 to vector<16xi32>
        %and3A_254 = arith.andi %shift_right_logical3A_251, %and3A_253 : vector<16xi32>
        %sub3A_255 = arith.constant 127 : i32
        %sub3A_256 = vector.broadcast %sub3A_255 : i32 to vector<16xi32>
        %sub3A_257 = arith.subi %and3A_254, %sub3A_256 : vector<16xi32>
        %and3A_258 = arith.constant 8388607 : i32
        %and3A_259 = vector.broadcast %and3A_258 : i32 to vector<16xi32>
        %and3A_260 = arith.andi %bitcast3A, %and3A_259 : vector<16xi32>
        %or3A = arith.constant 1065353216 : i32
        %or3A_261 = vector.broadcast %or3A : i32 to vector<16xi32>
        %or3A_262 = arith.ori %and3A_260, %or3A_261 : vector<16xi32>
        %bitcast3A_263 = vector.bitcast %or3A_262 : vector<16xi32> to vector<16xf32>
        %mul3A_264 = arith.constant 0.0434283651 : f32
        %mul3A_265 = vector.broadcast %mul3A_264 : f32 to vector<16xf32>
        %mul3A_266 = arith.mulf %mul3A_265, %bitcast3A_263 : vector<16xf32>
        %add3A_267 = arith.constant -0.404862314 : f32
        %add3A_268 = vector.broadcast %add3A_267 : f32 to vector<16xf32>
        %add3A_269 = arith.addf %mul3A_266, %add3A_268 : vector<16xf32>
        %mul3A_270 = arith.mulf %add3A_269, %bitcast3A_263 : vector<16xf32>
        %add3A_271 = arith.constant 1.59388459 : f32
        %add3A_272 = vector.broadcast %add3A_271 : f32 to vector<16xf32>
        %add3A_273 = arith.addf %mul3A_270, %add3A_272 : vector<16xf32>
        %mul3A_274 = arith.mulf %add3A_273, %bitcast3A_263 : vector<16xf32>
        %add3A_275 = arith.constant -3.49246597 : f32
        %add3A_276 = vector.broadcast %add3A_275 : f32 to vector<16xf32>
        %add3A_277 = arith.addf %mul3A_274, %add3A_276 : vector<16xf32>
        %mul3A_278 = arith.mulf %add3A_277, %bitcast3A_263 : vector<16xf32>
        %add3A_279 = arith.constant 5.04685307 : f32
        %add3A_280 = vector.broadcast %add3A_279 : f32 to vector<16xf32>
        %add3A_281 = arith.addf %mul3A_278, %add3A_280 : vector<16xf32>
        %mul3A_282 = arith.mulf %add3A_281, %bitcast3A_263 : vector<16xf32>
        %add3A_283 = arith.constant -2.78680563 : f32
        %add3A_284 = vector.broadcast %add3A_283 : f32 to vector<16xf32>
        %add3A_285 = arith.addf %mul3A_282, %add3A_284 : vector<16xf32>
        %convert_element_type3A_286 = arith.sitofp %sub3A_257 : vector<16xi32> to vector<16xf32>
        %add3A_287 = arith.addf %convert_element_type3A_286, %add3A_285 : vector<16xf32>
        %mul3A_288 = arith.constant 0.693147182 : f32
        %mul3A_289 = vector.broadcast %mul3A_288 : f32 to vector<16xf32>
        %mul3A_290 = arith.mulf %add3A_287, %mul3A_289 : vector<16xf32>
        %gt3A = arith.constant 1.024000e+03 : f32
        %gt3A_291 = vector.broadcast %gt3A : f32 to vector<16xf32>
        %gt3A_292 = arith.cmpf ogt, %convert_element_type3A_222, %gt3A_291 : vector<16xf32>
        %add3A_293 = arith.addf %mul3A_290, %gather3A : vector<16xf32>
        %select_n3A = arith.select %gt3A_292, %gather3A_12, %add3A_293 : vector<16xi1>, vector<16xf32>
        %add3A_294 = vector.broadcast %add3A_184 : i32 to vector<16xi32>
        %add3A_295 = arith.addi %add3A_294, %iota3A : vector<16xi32>
        %mul3A_296 = arith.constant 0 : i32
        %mul3A_297 = vector.broadcast %mul3A_296 : i32 to vector<16xi32>
        %mul3A_298 = arith.muli %iota3A, %mul3A_297 : vector<16xi32>
        %add3A_299 = arith.constant 1 : i32
        %add3A_300 = vector.broadcast %add3A_299 : i32 to vector<16xi32>
        %add3A_301 = arith.addi %mul3A_298, %add3A_300 : vector<16xi32>
        tpu.vector_store_idx %arg18[%add3A_295, %add3A_301], %select_n3A : memref<1488x2xf32, #tpu.memory_space<vmem>>[vector<16xi32>, vector<16xi32>], vector<16xf32>,
        %mul3A_302 = arith.constant 48 : i32
        %mul3A_303 = arith.muli %scan3A_180, %mul3A_302 : i32
        %add3A_304 = arith.constant 16 : i32
        %add3A_305 = arith.addi %mul3A_303, %add3A_304 : i32
        %get3A_306 = arith.index_cast %add3A_305 : i32 to index
        %get3A_307 = tpu.vector_load %arg10[%get3A_306] {strides = array<i32>} : memref<1488xi32, #tpu.memory_space<vmem>>, vector<16xi32>,
        %get3A_308 = arith.index_cast %add3A_305 : i32 to index
        %get3A_309 = tpu.vector_load %arg12[%get3A_308] {strides = array<i32>} : memref<1488xi32, #tpu.memory_space<vmem>>, vector<16xi32>,
        %and3A_310 = arith.constant 131071 : i32
        %and3A_311 = vector.broadcast %and3A_310 : i32 to vector<16xi32>
        %and3A_312 = arith.andi %get3A_307, %and3A_311 : vector<16xi32>
        %shift_right_logical3A_313 = arith.constant 17 : i32
        %shift_right_logical3A_314 = vector.broadcast %shift_right_logical3A_313 : i32 to vector<16xi32>
        %shift_right_logical3A_315 = arith.shrui %get3A_307, %shift_right_logical3A_314 : vector<16xi32>
        %and3A_316 = arith.constant 16383 : i32
        %and3A_317 = vector.broadcast %and3A_316 : i32 to vector<16xi32>
        %and3A_318 = arith.andi %get3A_309, %and3A_317 : vector<16xi32>
        %shift_right_logical3A_319 = arith.constant 14 : i32
        %shift_right_logical3A_320 = vector.broadcast %shift_right_logical3A_319 : i32 to vector<16xi32>
        %shift_right_logical3A_321 = arith.shrui %get3A_309, %shift_right_logical3A_320 : vector<16xi32>
        %shift_right_logical3A_322 = arith.constant 3 : i32
        %shift_right_logical3A_323 = vector.broadcast %shift_right_logical3A_322 : i32 to vector<16xi32>
        %shift_right_logical3A_324 = arith.shrui %and3A_318, %shift_right_logical3A_323 : vector<16xi32>
        %gather3A_325 = tpu.vector_load_idx %arg8[%shift_right_logical3A_324] : memref<1250xi32, #tpu.memory_space<vmem>>[vector<16xi32>], vector<16xi32>,
        %and3A_326 = arith.constant 7 : i32
        %and3A_327 = vector.broadcast %and3A_326 : i32 to vector<16xi32>
        %and3A_328 = arith.andi %and3A_318, %and3A_327 : vector<16xi32>
        %shift_left3A_329 = arith.constant 2 : i32
        %shift_left3A_330 = vector.broadcast %shift_left3A_329 : i32 to vector<16xi32>
        %shift_left3A_331 = arith.shli %and3A_328, %shift_left3A_330 : vector<16xi32>
        %shift_right_logical3A_332 = arith.shrui %gather3A_325, %shift_left3A_331 : vector<16xi32>
        %and3A_333 = arith.constant 7 : i32
        %and3A_334 = vector.broadcast %and3A_333 : i32 to vector<16xi32>
        %and3A_335 = arith.andi %shift_right_logical3A_332, %and3A_334 : vector<16xi32>
        %div3A_336 = arith.constant 200 : i32
        %div3A_337 = vector.broadcast %div3A_336 : i32 to vector<16xi32>
        %div3A_338 = arith.divsi %and3A_312, %div3A_337 : vector<16xi32>
        %mul3A_339 = arith.constant 8 : i32
        %mul3A_340 = vector.broadcast %mul3A_339 : i32 to vector<16xi32>
        %mul3A_341 = arith.muli %shift_right_logical3A_321, %mul3A_340 : vector<16xi32>
        %add3A_342 = arith.addi %mul3A_341, %and3A_335 : vector<16xi32>
        %mul3A_343 = arith.constant 500 : i32
        %mul3A_344 = vector.broadcast %mul3A_343 : i32 to vector<16xi32>
        %mul3A_345 = arith.muli %add3A_342, %mul3A_344 : vector<16xi32>
        %add3A_346 = arith.addi %mul3A_345, %div3A_338 : vector<16xi32>
        %swap3A_347 = arith.index_cast %add3A_305 : i32 to index
        %swap3A_348 = tpu.vector_load %arg14[%swap3A_347] {strides = array<i32>} : memref<1488xi32, #tpu.memory_space<vmem>>, vector<16xi32>,
        tpu.vector_store %arg14[%swap3A_347], %add3A_346 {strides = array<i32>} : memref<1488xi32, #tpu.memory_space<vmem>>, vector<16xi32>,
        %convert_element_type3A_349 = arith.sitofp %shift_right_logical3A_315 : vector<16xi32> to vector<16xf32>
        %mul3A_350 = arith.constant 9.765625E-4 : f32
        %mul3A_351 = vector.broadcast %mul3A_350 : f32 to vector<16xf32>
        %mul3A_352 = arith.mulf %convert_element_type3A_349, %mul3A_351 : vector<16xf32>
        %jit3A_353 = arith.constant 0.000000e+00 : f32
        %jit3A_354 = arith.constant 1.000000e+00 : f32
        %max3A_355 = vector.broadcast %jit3A_353 : f32 to vector<16xf32>
        %max3A_356 = arith.maximumf %max3A_355, %mul3A_352 : vector<16xf32>
        %min3A_357 = vector.broadcast %jit3A_354 : f32 to vector<16xf32>
        %min3A_358 = arith.minimumf %min3A_357, %max3A_356 : vector<16xf32>
        %mul3A_359 = arith.constant 4.000000e+00 : f32
        %mul3A_360 = vector.broadcast %mul3A_359 : f32 to vector<16xf32>
        %mul3A_361 = arith.mulf %min3A_358, %mul3A_360 : vector<16xf32>
        %convert_element_type3A_362 = arith.fptosi %mul3A_361 : vector<16xf32> to vector<16xi32>
        %min3A_363 = arith.constant 3 : i32
        %min3A_364 = vector.broadcast %min3A_363 : i32 to vector<16xi32>
        %min3A_365 = arith.minsi %convert_element_type3A_362, %min3A_364 : vector<16xi32>
        %convert_element_type3A_366 = arith.sitofp %min3A_365 : vector<16xi32> to vector<16xf32>
        %sub3A_367 = arith.subf %mul3A_361, %convert_element_type3A_366 : vector<16xf32>
        %gather3A_368 = tpu.vector_load_idx %arg9[%min3A_365] : memref<128xf32, #tpu.memory_space<vmem>>[vector<16xi32>], vector<16xf32>,
        %add3A_369 = arith.constant 1 : i32
        %add3A_370 = vector.broadcast %add3A_369 : i32 to vector<16xi32>
        %add3A_371 = arith.addi %min3A_365, %add3A_370 : vector<16xi32>
        %gather3A_372 = tpu.vector_load_idx %arg9[%add3A_371] : memref<128xf32, #tpu.memory_space<vmem>>[vector<16xi32>], vector<16xf32>,
        %sub3A_373 = arith.subf %gather3A_372, %gather3A_368 : vector<16xf32>
        %mul3A_374 = arith.mulf %sub3A_367, %sub3A_373 : vector<16xf32>
        %add3A_375 = arith.addf %gather3A_368, %mul3A_374 : vector<16xf32>
        %add3A_376 = arith.constant 9.99999996E-13 : f32
        %add3A_377 = vector.broadcast %add3A_376 : f32 to vector<16xf32>
        %add3A_378 = arith.addf %add3A_375, %add3A_377 : vector<16xf32>
        %bitcast3A_379 = vector.bitcast %add3A_378 : vector<16xf32> to vector<16xi32>
        %shift_right_logical3A_380 = arith.constant 23 : i32
        %shift_right_logical3A_381 = vector.broadcast %shift_right_logical3A_380 : i32 to vector<16xi32>
        %shift_right_logical3A_382 = arith.shrui %bitcast3A_379, %shift_right_logical3A_381 : vector<16xi32>
        %and3A_383 = arith.constant 255 : i32
        %and3A_384 = vector.broadcast %and3A_383 : i32 to vector<16xi32>
        %and3A_385 = arith.andi %shift_right_logical3A_382, %and3A_384 : vector<16xi32>
        %sub3A_386 = arith.constant 127 : i32
        %sub3A_387 = vector.broadcast %sub3A_386 : i32 to vector<16xi32>
        %sub3A_388 = arith.subi %and3A_385, %sub3A_387 : vector<16xi32>
        %and3A_389 = arith.constant 8388607 : i32
        %and3A_390 = vector.broadcast %and3A_389 : i32 to vector<16xi32>
        %and3A_391 = arith.andi %bitcast3A_379, %and3A_390 : vector<16xi32>
        %or3A_392 = arith.constant 1065353216 : i32
        %or3A_393 = vector.broadcast %or3A_392 : i32 to vector<16xi32>
        %or3A_394 = arith.ori %and3A_391, %or3A_393 : vector<16xi32>
        %bitcast3A_395 = vector.bitcast %or3A_394 : vector<16xi32> to vector<16xf32>
        %mul3A_396 = arith.constant 0.0434283651 : f32
        %mul3A_397 = vector.broadcast %mul3A_396 : f32 to vector<16xf32>
        %mul3A_398 = arith.mulf %mul3A_397, %bitcast3A_395 : vector<16xf32>
        %add3A_399 = arith.constant -0.404862314 : f32
        %add3A_400 = vector.broadcast %add3A_399 : f32 to vector<16xf32>
        %add3A_401 = arith.addf %mul3A_398, %add3A_400 : vector<16xf32>
        %mul3A_402 = arith.mulf %add3A_401, %bitcast3A_395 : vector<16xf32>
        %add3A_403 = arith.constant 1.59388459 : f32
        %add3A_404 = vector.broadcast %add3A_403 : f32 to vector<16xf32>
        %add3A_405 = arith.addf %mul3A_402, %add3A_404 : vector<16xf32>
        %mul3A_406 = arith.mulf %add3A_405, %bitcast3A_395 : vector<16xf32>
        %add3A_407 = arith.constant -3.49246597 : f32
        %add3A_408 = vector.broadcast %add3A_407 : f32 to vector<16xf32>
        %add3A_409 = arith.addf %mul3A_406, %add3A_408 : vector<16xf32>
        %mul3A_410 = arith.mulf %add3A_409, %bitcast3A_395 : vector<16xf32>
        %add3A_411 = arith.constant 5.04685307 : f32
        %add3A_412 = vector.broadcast %add3A_411 : f32 to vector<16xf32>
        %add3A_413 = arith.addf %mul3A_410, %add3A_412 : vector<16xf32>
        %mul3A_414 = arith.mulf %add3A_413, %bitcast3A_395 : vector<16xf32>
        %add3A_415 = arith.constant -2.78680563 : f32
        %add3A_416 = vector.broadcast %add3A_415 : f32 to vector<16xf32>
        %add3A_417 = arith.addf %mul3A_414, %add3A_416 : vector<16xf32>
        %convert_element_type3A_418 = arith.sitofp %sub3A_388 : vector<16xi32> to vector<16xf32>
        %add3A_419 = arith.addf %convert_element_type3A_418, %add3A_417 : vector<16xf32>
        %mul3A_420 = arith.constant 0.693147182 : f32
        %mul3A_421 = vector.broadcast %mul3A_420 : f32 to vector<16xf32>
        %mul3A_422 = arith.mulf %add3A_419, %mul3A_421 : vector<16xf32>
        %gt3A_423 = arith.constant 1.024000e+03 : f32
        %gt3A_424 = vector.broadcast %gt3A_423 : f32 to vector<16xf32>
        %gt3A_425 = arith.cmpf ogt, %convert_element_type3A_349, %gt3A_424 : vector<16xf32>
        %add3A_426 = arith.addf %mul3A_422, %gather3A : vector<16xf32>
        %select_n3A_427 = arith.select %gt3A_425, %gather3A_12, %add3A_426 : vector<16xi1>, vector<16xf32>
        %add3A_428 = vector.broadcast %add3A_305 : i32 to vector<16xi32>
        %add3A_429 = arith.addi %add3A_428, %iota3A : vector<16xi32>
        %mul3A_430 = arith.constant 0 : i32
        %mul3A_431 = vector.broadcast %mul3A_430 : i32 to vector<16xi32>
        %mul3A_432 = arith.muli %iota3A, %mul3A_431 : vector<16xi32>
        %add3A_433 = arith.constant 1 : i32
        %add3A_434 = vector.broadcast %add3A_433 : i32 to vector<16xi32>
        %add3A_435 = arith.addi %mul3A_432, %add3A_434 : vector<16xi32>
        tpu.vector_store_idx %arg18[%add3A_429, %add3A_435], %select_n3A_427 : memref<1488x2xf32, #tpu.memory_space<vmem>>[vector<16xi32>, vector<16xi32>], vector<16xf32>,
        %mul3A_436 = arith.constant 48 : i32
        %mul3A_437 = arith.muli %scan3A_180, %mul3A_436 : i32
        %add3A_438 = arith.constant 32 : i32
        %add3A_439 = arith.addi %mul3A_437, %add3A_438 : i32
        %get3A_440 = arith.index_cast %add3A_439 : i32 to index
        %get3A_441 = tpu.vector_load %arg10[%get3A_440] {strides = array<i32>} : memref<1488xi32, #tpu.memory_space<vmem>>, vector<16xi32>,
        %get3A_442 = arith.index_cast %add3A_439 : i32 to index
        %get3A_443 = tpu.vector_load %arg12[%get3A_442] {strides = array<i32>} : memref<1488xi32, #tpu.memory_space<vmem>>, vector<16xi32>,
        %and3A_444 = arith.constant 131071 : i32
        %and3A_445 = vector.broadcast %and3A_444 : i32 to vector<16xi32>
        %and3A_446 = arith.andi %get3A_441, %and3A_445 : vector<16xi32>
        %shift_right_logical3A_447 = arith.constant 17 : i32
        %shift_right_logical3A_448 = vector.broadcast %shift_right_logical3A_447 : i32 to vector<16xi32>
        %shift_right_logical3A_449 = arith.shrui %get3A_441, %shift_right_logical3A_448 : vector<16xi32>
        %and3A_450 = arith.constant 16383 : i32
        %and3A_451 = vector.broadcast %and3A_450 : i32 to vector<16xi32>
        %and3A_452 = arith.andi %get3A_443, %and3A_451 : vector<16xi32>
        %shift_right_logical3A_453 = arith.constant 14 : i32
        %shift_right_logical3A_454 = vector.broadcast %shift_right_logical3A_453 : i32 to vector<16xi32>
        %shift_right_logical3A_455 = arith.shrui %get3A_443, %shift_right_logical3A_454 : vector<16xi32>
        %shift_right_logical3A_456 = arith.constant 3 : i32
        %shift_right_logical3A_457 = vector.broadcast %shift_right_logical3A_456 : i32 to vector<16xi32>
        %shift_right_logical3A_458 = arith.shrui %and3A_452, %shift_right_logical3A_457 : vector<16xi32>
        %gather3A_459 = tpu.vector_load_idx %arg8[%shift_right_logical3A_458] : memref<1250xi32, #tpu.memory_space<vmem>>[vector<16xi32>], vector<16xi32>,
        %and3A_460 = arith.constant 7 : i32
        %and3A_461 = vector.broadcast %and3A_460 : i32 to vector<16xi32>
        %and3A_462 = arith.andi %and3A_452, %and3A_461 : vector<16xi32>
        %shift_left3A_463 = arith.constant 2 : i32
        %shift_left3A_464 = vector.broadcast %shift_left3A_463 : i32 to vector<16xi32>
        %shift_left3A_465 = arith.shli %and3A_462, %shift_left3A_464 : vector<16xi32>
        %shift_right_logical3A_466 = arith.shrui %gather3A_459, %shift_left3A_465 : vector<16xi32>
        %and3A_467 = arith.constant 7 : i32
        %and3A_468 = vector.broadcast %and3A_467 : i32 to vector<16xi32>
        %and3A_469 = arith.andi %shift_right_logical3A_466, %and3A_468 : vector<16xi32>
        %div3A_470 = arith.constant 200 : i32
        %div3A_471 = vector.broadcast %div3A_470 : i32 to vector<16xi32>
        %div3A_472 = arith.divsi %and3A_446, %div3A_471 : vector<16xi32>
        %mul3A_473 = arith.constant 8 : i32
        %mul3A_474 = vector.broadcast %mul3A_473 : i32 to vector<16xi32>
        %mul3A_475 = arith.muli %shift_right_logical3A_455, %mul3A_474 : vector<16xi32>
        %add3A_476 = arith.addi %mul3A_475, %and3A_469 : vector<16xi32>
        %mul3A_477 = arith.constant 500 : i32
        %mul3A_478 = vector.broadcast %mul3A_477 : i32 to vector<16xi32>
        %mul3A_479 = arith.muli %add3A_476, %mul3A_478 : vector<16xi32>
        %add3A_480 = arith.addi %mul3A_479, %div3A_472 : vector<16xi32>
        %swap3A_481 = arith.index_cast %add3A_439 : i32 to index
        %swap3A_482 = tpu.vector_load %arg14[%swap3A_481] {strides = array<i32>} : memref<1488xi32, #tpu.memory_space<vmem>>, vector<16xi32>,
        tpu.vector_store %arg14[%swap3A_481], %add3A_480 {strides = array<i32>} : memref<1488xi32, #tpu.memory_space<vmem>>, vector<16xi32>,
        %convert_element_type3A_483 = arith.sitofp %shift_right_logical3A_449 : vector<16xi32> to vector<16xf32>
        %mul3A_484 = arith.constant 9.765625E-4 : f32
        %mul3A_485 = vector.broadcast %mul3A_484 : f32 to vector<16xf32>
        %mul3A_486 = arith.mulf %convert_element_type3A_483, %mul3A_485 : vector<16xf32>
        %jit3A_487 = arith.constant 0.000000e+00 : f32
        %jit3A_488 = arith.constant 1.000000e+00 : f32
        %max3A_489 = vector.broadcast %jit3A_487 : f32 to vector<16xf32>
        %max3A_490 = arith.maximumf %max3A_489, %mul3A_486 : vector<16xf32>
        %min3A_491 = vector.broadcast %jit3A_488 : f32 to vector<16xf32>
        %min3A_492 = arith.minimumf %min3A_491, %max3A_490 : vector<16xf32>
        %mul3A_493 = arith.constant 4.000000e+00 : f32
        %mul3A_494 = vector.broadcast %mul3A_493 : f32 to vector<16xf32>
        %mul3A_495 = arith.mulf %min3A_492, %mul3A_494 : vector<16xf32>
        %convert_element_type3A_496 = arith.fptosi %mul3A_495 : vector<16xf32> to vector<16xi32>
        %min3A_497 = arith.constant 3 : i32
        %min3A_498 = vector.broadcast %min3A_497 : i32 to vector<16xi32>
        %min3A_499 = arith.minsi %convert_element_type3A_496, %min3A_498 : vector<16xi32>
        %convert_element_type3A_500 = arith.sitofp %min3A_499 : vector<16xi32> to vector<16xf32>
        %sub3A_501 = arith.subf %mul3A_495, %convert_element_type3A_500 : vector<16xf32>
        %gather3A_502 = tpu.vector_load_idx %arg9[%min3A_499] : memref<128xf32, #tpu.memory_space<vmem>>[vector<16xi32>], vector<16xf32>,
        %add3A_503 = arith.constant 1 : i32
        %add3A_504 = vector.broadcast %add3A_503 : i32 to vector<16xi32>
        %add3A_505 = arith.addi %min3A_499, %add3A_504 : vector<16xi32>
        %gather3A_506 = tpu.vector_load_idx %arg9[%add3A_505] : memref<128xf32, #tpu.memory_space<vmem>>[vector<16xi32>], vector<16xf32>,
        %sub3A_507 = arith.subf %gather3A_506, %gather3A_502 : vector<16xf32>
        %mul3A_508 = arith.mulf %sub3A_501, %sub3A_507 : vector<16xf32>
        %add3A_509 = arith.addf %gather3A_502, %mul3A_508 : vector<16xf32>
        %add3A_510 = arith.constant 9.99999996E-13 : f32
        %add3A_511 = vector.broadcast %add3A_510 : f32 to vector<16xf32>
        %add3A_512 = arith.addf %add3A_509, %add3A_511 : vector<16xf32>
        %bitcast3A_513 = vector.bitcast %add3A_512 : vector<16xf32> to vector<16xi32>
        %shift_right_logical3A_514 = arith.constant 23 : i32
        %shift_right_logical3A_515 = vector.broadcast %shift_right_logical3A_514 : i32 to vector<16xi32>
        %shift_right_logical3A_516 = arith.shrui %bitcast3A_513, %shift_right_logical3A_515 : vector<16xi32>
        %and3A_517 = arith.constant 255 : i32
        %and3A_518 = vector.broadcast %and3A_517 : i32 to vector<16xi32>
        %and3A_519 = arith.andi %shift_right_logical3A_516, %and3A_518 : vector<16xi32>
        %sub3A_520 = arith.constant 127 : i32
        %sub3A_521 = vector.broadcast %sub3A_520 : i32 to vector<16xi32>
        %sub3A_522 = arith.subi %and3A_519, %sub3A_521 : vector<16xi32>
        %and3A_523 = arith.constant 8388607 : i32
        %and3A_524 = vector.broadcast %and3A_523 : i32 to vector<16xi32>
        %and3A_525 = arith.andi %bitcast3A_513, %and3A_524 : vector<16xi32>
        %or3A_526 = arith.constant 1065353216 : i32
        %or3A_527 = vector.broadcast %or3A_526 : i32 to vector<16xi32>
        %or3A_528 = arith.ori %and3A_525, %or3A_527 : vector<16xi32>
        %bitcast3A_529 = vector.bitcast %or3A_528 : vector<16xi32> to vector<16xf32>
        %mul3A_530 = arith.constant 0.0434283651 : f32
        %mul3A_531 = vector.broadcast %mul3A_530 : f32 to vector<16xf32>
        %mul3A_532 = arith.mulf %mul3A_531, %bitcast3A_529 : vector<16xf32>
        %add3A_533 = arith.constant -0.404862314 : f32
        %add3A_534 = vector.broadcast %add3A_533 : f32 to vector<16xf32>
        %add3A_535 = arith.addf %mul3A_532, %add3A_534 : vector<16xf32>
        %mul3A_536 = arith.mulf %add3A_535, %bitcast3A_529 : vector<16xf32>
        %add3A_537 = arith.constant 1.59388459 : f32
        %add3A_538 = vector.broadcast %add3A_537 : f32 to vector<16xf32>
        %add3A_539 = arith.addf %mul3A_536, %add3A_538 : vector<16xf32>
        %mul3A_540 = arith.mulf %add3A_539, %bitcast3A_529 : vector<16xf32>
        %add3A_541 = arith.constant -3.49246597 : f32
        %add3A_542 = vector.broadcast %add3A_541 : f32 to vector<16xf32>
        %add3A_543 = arith.addf %mul3A_540, %add3A_542 : vector<16xf32>
        %mul3A_544 = arith.mulf %add3A_543, %bitcast3A_529 : vector<16xf32>
        %add3A_545 = arith.constant 5.04685307 : f32
        %add3A_546 = vector.broadcast %add3A_545 : f32 to vector<16xf32>
        %add3A_547 = arith.addf %mul3A_544, %add3A_546 : vector<16xf32>
        %mul3A_548 = arith.mulf %add3A_547, %bitcast3A_529 : vector<16xf32>
        %add3A_549 = arith.constant -2.78680563 : f32
        %add3A_550 = vector.broadcast %add3A_549 : f32 to vector<16xf32>
        %add3A_551 = arith.addf %mul3A_548, %add3A_550 : vector<16xf32>
        %convert_element_type3A_552 = arith.sitofp %sub3A_522 : vector<16xi32> to vector<16xf32>
        %add3A_553 = arith.addf %convert_element_type3A_552, %add3A_551 : vector<16xf32>
        %mul3A_554 = arith.constant 0.693147182 : f32
        %mul3A_555 = vector.broadcast %mul3A_554 : f32 to vector<16xf32>
        %mul3A_556 = arith.mulf %add3A_553, %mul3A_555 : vector<16xf32>
        %gt3A_557 = arith.constant 1.024000e+03 : f32
        %gt3A_558 = vector.broadcast %gt3A_557 : f32 to vector<16xf32>
        %gt3A_559 = arith.cmpf ogt, %convert_element_type3A_483, %gt3A_558 : vector<16xf32>
        %add3A_560 = arith.addf %mul3A_556, %gather3A : vector<16xf32>
        %select_n3A_561 = arith.select %gt3A_559, %gather3A_12, %add3A_560 : vector<16xi1>, vector<16xf32>
        %add3A_562 = vector.broadcast %add3A_439 : i32 to vector<16xi32>
        %add3A_563 = arith.addi %add3A_562, %iota3A : vector<16xi32>
        %mul3A_564 = arith.constant 0 : i32
        %mul3A_565 = vector.broadcast %mul3A_564 : i32 to vector<16xi32>
        %mul3A_566 = arith.muli %iota3A, %mul3A_565 : vector<16xi32>
        %add3A_567 = arith.constant 1 : i32
        %add3A_568 = vector.broadcast %add3A_567 : i32 to vector<16xi32>
        %add3A_569 = arith.addi %mul3A_566, %add3A_568 : vector<16xi32>
        tpu.vector_store_idx %arg18[%add3A_563, %add3A_569], %select_n3A_561 : memref<1488x2xf32, #tpu.memory_space<vmem>>[vector<16xi32>, vector<16xi32>], vector<16xf32>,
      }
      %scan3A_160 = arith.constant 31 : i32
      %dma_start3A_161 = arith.constant 0 : i32
      %dma_start3A_162 = tpu.memref_slice %arg2[%dma_start3A_161] : memref<256000xf32, #tpu.memory_space<hbm>> -> memref<256000xf32, #tpu.memory_space<hbm>>
      tpu.enqueue_indirect_dma source(%dma_start3A_162 : memref<256000xf32, #tpu.memory_space<hbm>>) target(%arg16 : memref<1488xf32, #tpu.memory_space<vmem>>) offsets(%arg14 : memref<1488xi32, #tpu.memory_space<vmem>>) semaphore(%arg26 : memref<!tpu.dma_semaphore, #tpu.memory_space<semaphore_mem>>)
      %dma_wait3A_163 = arith.constant 0 : i32
      %dma_wait3A_164 = tpu.memref_slice %arg2[%dma_wait3A_163] : memref<256000xf32, #tpu.memory_space<hbm>> -> memref<256000xf32, #tpu.memory_space<hbm>>
      tpu.wait_indirect_dma semaphore(%arg27 : memref<!tpu.dma_semaphore, #tpu.memory_space<semaphore_mem>>) src(%dma_wait3A_164 : memref<256000xf32, #tpu.memory_space<hbm>>) dst(%arg17 : memref<1488xf32, #tpu.memory_space<vmem>>)
      %scan3A_165 = arith.constant 0 : i32
      %scan3A_166 = arith.constant 0 : i32
      %scan3A_167 = arith.constant 31 : i32
      %scan3A_168 = arith.addi %scan3A_166, %scan3A_167 : i32
      %scan3A_169 = arith.constant 1 : i32
      scf.for %scan3A_180 = %scan3A_166 to %scan3A_168 step %scan3A_169  : i32 {
        %mul3A_181 = arith.constant 48 : i32
        %mul3A_182 = arith.muli %scan3A_180, %mul3A_181 : i32
        %add3A_183 = arith.constant 0 : i32
        %add3A_184 = arith.addi %mul3A_182, %add3A_183 : i32
        %get3A = arith.index_cast %add3A_184 : i32 to index
        %get3A_185 = tpu.vector_load %arg17[%get3A] {strides = array<i32>} : memref<1488xf32, #tpu.memory_space<vmem>>, vector<16xf32>,
        %add3A_186 = vector.broadcast %add3A_184 : i32 to vector<16xi32>
        %add3A_187 = arith.addi %add3A_186, %iota3A : vector<16xi32>
        %mul3A_188 = arith.constant 0 : i32
        %mul3A_189 = vector.broadcast %mul3A_188 : i32 to vector<16xi32>
        %mul3A_190 = arith.muli %iota3A, %mul3A_189 : vector<16xi32>
        tpu.vector_store_idx %arg19[%add3A_187, %mul3A_190], %get3A_185 : memref<1488x2xf32, #tpu.memory_space<vmem>>[vector<16xi32>, vector<16xi32>], vector<16xf32>,
        %mul3A_191 = arith.constant 48 : i32
        %mul3A_192 = arith.muli %scan3A_180, %mul3A_191 : i32
        %add3A_193 = arith.constant 16 : i32
        %add3A_194 = arith.addi %mul3A_192, %add3A_193 : i32
        %get3A_195 = arith.index_cast %add3A_194 : i32 to index
        %get3A_196 = tpu.vector_load %arg17[%get3A_195] {strides = array<i32>} : memref<1488xf32, #tpu.memory_space<vmem>>, vector<16xf32>,
        %add3A_197 = vector.broadcast %add3A_194 : i32 to vector<16xi32>
        %add3A_198 = arith.addi %add3A_197, %iota3A : vector<16xi32>
        %mul3A_199 = arith.constant 0 : i32
        %mul3A_200 = vector.broadcast %mul3A_199 : i32 to vector<16xi32>
        %mul3A_201 = arith.muli %iota3A, %mul3A_200 : vector<16xi32>
        tpu.vector_store_idx %arg19[%add3A_198, %mul3A_201], %get3A_196 : memref<1488x2xf32, #tpu.memory_space<vmem>>[vector<16xi32>, vector<16xi32>], vector<16xf32>,
        %mul3A_202 = arith.constant 48 : i32
        %mul3A_203 = arith.muli %scan3A_180, %mul3A_202 : i32
        %add3A_204 = arith.constant 32 : i32
        %add3A_205 = arith.addi %mul3A_203, %add3A_204 : i32
        %get3A_206 = arith.index_cast %add3A_205 : i32 to index
        %get3A_207 = tpu.vector_load %arg17[%get3A_206] {strides = array<i32>} : memref<1488xf32, #tpu.memory_space<vmem>>, vector<16xf32>,
        %add3A_208 = vector.broadcast %add3A_205 : i32 to vector<16xi32>
        %add3A_209 = arith.addi %add3A_208, %iota3A : vector<16xi32>
        %mul3A_210 = arith.constant 0 : i32
        %mul3A_211 = vector.broadcast %mul3A_210 : i32 to vector<16xi32>
        %mul3A_212 = arith.muli %iota3A, %mul3A_211 : vector<16xi32>
        tpu.vector_store_idx %arg19[%add3A_209, %mul3A_212], %get3A_207 : memref<1488x2xf32, #tpu.memory_space<vmem>>[vector<16xi32>, vector<16xi32>], vector<16xf32>,
      }
      %scan3A_170 = arith.constant 31 : i32
      %sub3A_171 = arith.constant 1 : i32
      %sub3A_172 = arith.subi %add3A_132, %sub3A_171 : i32
      %mul3A_173 = arith.constant 1488 : i32
      %mul3A_174 = arith.muli %sub3A_172, %mul3A_173 : i32
      %add3A_175 = arith.addi %mul3A_2, %mul3A_174 : i32
      %dma_start3A_176 = arith.constant 0 : i32
      %dma_start3A_177 = tpu.memref_slice %arg7[%add3A_175, %dma_start3A_176] : memref<1000000x2xf32, #tpu.memory_space<hbm>> -> memref<1488x2xf32, #tpu.memory_space<hbm>>
      %dma_start3A_178 = arith.constant 0 : i32
      %dma_start3A_179 = tpu.memref_slice %arg7[%add3A_175, %dma_start3A_178] : memref<1000000x2xf32, #tpu.memory_space<hbm>> -> memref<1488x2xf32, #tpu.memory_space<hbm>>
      tpu.enqueue_dma source(%arg19 : memref<1488x2xf32, #tpu.memory_space<vmem>>) target(%dma_start3A_179 : memref<1488x2xf32, #tpu.memory_space<hbm>>) target_semaphore(%arg25 : memref<!tpu.dma_semaphore, #tpu.memory_space<semaphore_mem>>)
    }
    %scan3A_47 = arith.constant 10 : i32
    %dma_wait3A_48 = arith.constant 0 : i32
    %dma_wait3A_49 = tpu.memref_slice %arg2[%dma_wait3A_48] : memref<256000xf32, #tpu.memory_space<hbm>> -> memref<256000xf32, #tpu.memory_space<hbm>>
    tpu.wait_indirect_dma semaphore(%arg26 : memref<!tpu.dma_semaphore, #tpu.memory_space<semaphore_mem>>) src(%dma_wait3A_49 : memref<256000xf32, #tpu.memory_space<hbm>>) dst(%arg16 : memref<1488xf32, #tpu.memory_space<vmem>>)
    %scan3A_50 = arith.constant 0 : i32
    %scan3A_51 = arith.constant 0 : i32
    %scan3A_52 = arith.constant 31 : i32
    %scan3A_53 = arith.addi %scan3A_51, %scan3A_52 : i32
    %scan3A_54 = arith.constant 1 : i32
    scf.for %scan3A_76 = %scan3A_51 to %scan3A_53 step %scan3A_54  : i32 {
      %mul3A_77 = arith.constant 48 : i32
      %mul3A_78 = arith.muli %scan3A_76, %mul3A_77 : i32
      %add3A_79 = arith.constant 0 : i32
      %add3A_80 = arith.addi %mul3A_78, %add3A_79 : i32
      %get3A = arith.index_cast %add3A_80 : i32 to index
      %get3A_81 = tpu.vector_load %arg16[%get3A] {strides = array<i32>} : memref<1488xf32, #tpu.memory_space<vmem>>, vector<16xf32>,
      %add3A_82 = vector.broadcast %add3A_80 : i32 to vector<16xi32>
      %add3A_83 = arith.addi %add3A_82, %iota3A : vector<16xi32>
      %mul3A_84 = arith.constant 0 : i32
      %mul3A_85 = vector.broadcast %mul3A_84 : i32 to vector<16xi32>
      %mul3A_86 = arith.muli %iota3A, %mul3A_85 : vector<16xi32>
      tpu.vector_store_idx %arg18[%add3A_83, %mul3A_86], %get3A_81 : memref<1488x2xf32, #tpu.memory_space<vmem>>[vector<16xi32>, vector<16xi32>], vector<16xf32>,
      %mul3A_87 = arith.constant 48 : i32
      %mul3A_88 = arith.muli %scan3A_76, %mul3A_87 : i32
      %add3A_89 = arith.constant 16 : i32
      %add3A_90 = arith.addi %mul3A_88, %add3A_89 : i32
      %get3A_91 = arith.index_cast %add3A_90 : i32 to index
      %get3A_92 = tpu.vector_load %arg16[%get3A_91] {strides = array<i32>} : memref<1488xf32, #tpu.memory_space<vmem>>, vector<16xf32>,
      %add3A_93 = vector.broadcast %add3A_90 : i32 to vector<16xi32>
      %add3A_94 = arith.addi %add3A_93, %iota3A : vector<16xi32>
      %mul3A_95 = arith.constant 0 : i32
      %mul3A_96 = vector.broadcast %mul3A_95 : i32 to vector<16xi32>
      %mul3A_97 = arith.muli %iota3A, %mul3A_96 : vector<16xi32>
      tpu.vector_store_idx %arg18[%add3A_94, %mul3A_97], %get3A_92 : memref<1488x2xf32, #tpu.memory_space<vmem>>[vector<16xi32>, vector<16xi32>], vector<16xf32>,
      %mul3A_98 = arith.constant 48 : i32
      %mul3A_99 = arith.muli %scan3A_76, %mul3A_98 : i32
      %add3A_100 = arith.constant 32 : i32
      %add3A_101 = arith.addi %mul3A_99, %add3A_100 : i32
      %get3A_102 = arith.index_cast %add3A_101 : i32 to index
      %get3A_103 = tpu.vector_load %arg16[%get3A_102] {strides = array<i32>} : memref<1488xf32, #tpu.memory_space<vmem>>, vector<16xf32>,
      %add3A_104 = vector.broadcast %add3A_101 : i32 to vector<16xi32>
      %add3A_105 = arith.addi %add3A_104, %iota3A : vector<16xi32>
      %mul3A_106 = arith.constant 0 : i32
      %mul3A_107 = vector.broadcast %mul3A_106 : i32 to vector<16xi32>
      %mul3A_108 = arith.muli %iota3A, %mul3A_107 : vector<16xi32>
      tpu.vector_store_idx %arg18[%add3A_105, %mul3A_108], %get3A_103 : memref<1488x2xf32, #tpu.memory_space<vmem>>[vector<16xi32>, vector<16xi32>], vector<16xf32>,
    }
    %scan3A_55 = arith.constant 31 : i32
    %add3A_56 = arith.constant 29760 : i32
    %add3A_57 = arith.addi %mul3A_2, %add3A_56 : i32
    %dma_start3A_58 = arith.constant 0 : i32
    %dma_start3A_59 = tpu.memref_slice %arg7[%add3A_57, %dma_start3A_58] : memref<1000000x2xf32, #tpu.memory_space<hbm>> -> memref<1488x2xf32, #tpu.memory_space<hbm>>
    %dma_start3A_60 = arith.constant 0 : i32
    %dma_start3A_61 = tpu.memref_slice %arg7[%add3A_57, %dma_start3A_60] : memref<1000000x2xf32, #tpu.memory_space<hbm>> -> memref<1488x2xf32, #tpu.memory_space<hbm>>
    tpu.enqueue_dma source(%arg18 : memref<1488x2xf32, #tpu.memory_space<vmem>>) target(%dma_start3A_61 : memref<1488x2xf32, #tpu.memory_space<hbm>>) target_semaphore(%arg24 : memref<!tpu.dma_semaphore, #tpu.memory_space<semaphore_mem>>)
    %add3A_62 = arith.constant 28272 : i32
    %add3A_63 = arith.addi %mul3A_2, %add3A_62 : i32
    %dma_wait3A_64 = arith.constant 0 : i32
    %dma_wait3A_65 = tpu.memref_slice %arg7[%add3A_63, %dma_wait3A_64] : memref<1000000x2xf32, #tpu.memory_space<hbm>> -> memref<1488x2xf32, #tpu.memory_space<hbm>>
    %dma_wait3A_66 = arith.constant 0 : i32
    %dma_wait3A_67 = tpu.memref_slice %arg7[%add3A_63, %dma_wait3A_66] : memref<1000000x2xf32, #tpu.memory_space<hbm>> -> memref<1488x2xf32, #tpu.memory_space<hbm>>
    tpu.wait_dma2 semaphore(%arg25 : memref<!tpu.dma_semaphore, #tpu.memory_space<semaphore_mem>>) src(%arg19 : memref<1488x2xf32, #tpu.memory_space<vmem>>) dst(%dma_wait3A_67 : memref<1488x2xf32, #tpu.memory_space<hbm>>)
    %add3A_68 = arith.constant 29760 : i32
    %add3A_69 = arith.addi %mul3A_2, %add3A_68 : i32
    %dma_wait3A_70 = arith.constant 0 : i32
    %dma_wait3A_71 = tpu.memref_slice %arg7[%add3A_69, %dma_wait3A_70] : memref<1000000x2xf32, #tpu.memory_space<hbm>> -> memref<1488x2xf32, #tpu.memory_space<hbm>>
    %dma_wait3A_72 = arith.constant 0 : i32
    %dma_wait3A_73 = tpu.memref_slice %arg7[%add3A_69, %dma_wait3A_72] : memref<1000000x2xf32, #tpu.memory_space<hbm>> -> memref<1488x2xf32, #tpu.memory_space<hbm>>
    tpu.wait_dma2 semaphore(%arg24 : memref<!tpu.dma_semaphore, #tpu.memory_space<semaphore_mem>>) src(%arg18 : memref<1488x2xf32, #tpu.memory_space<vmem>>) dst(%dma_wait3A_73 : memref<1488x2xf32, #tpu.memory_space<hbm>>)
    %eq3A = arith.constant 0 : i32
    %eq3A_74 = arith.cmpi eq, %add3A, %eq3A : i32
    %convert_element_type3A = arith.extui %eq3A_74 : i1 to i32
    %cond3A = arith.constant 0 : i32
    %cond3A_75 = arith.cmpi ne, %convert_element_type3A, %cond3A : i32
    scf.if %cond3A_75 {
      "tpu.region"() ({
        %run_scoped3A = tpu.sem_alloc : memref<!tpu.dma_semaphore, #tpu.memory_space<semaphore_mem>>
        %dma_start3A_630 = arith.constant 0 : i32
        %dma_start3A_631 = tpu.memref_slice %arg10[%dma_start3A_630] : memref<1488xi32, #tpu.memory_space<vmem>> -> memref<64xi32, #tpu.memory_space<vmem>>
        %dma_start3A_632 = arith.constant 999936 : i32
        %dma_start3A_633 = tpu.memref_slice %arg4[%dma_start3A_632] : memref<1000000xi32, #tpu.memory_space<hbm>> -> memref<64xi32, #tpu.memory_space<hbm>>
        %dma_start3A_634 = arith.constant 0 : i32
        %dma_start3A_635 = tpu.memref_slice %arg10[%dma_start3A_634] : memref<1488xi32, #tpu.memory_space<vmem>> -> memref<64xi32, #tpu.memory_space<vmem>>
        %dma_start3A_636 = arith.constant 999936 : i32
        %dma_start3A_637 = tpu.memref_slice %arg4[%dma_start3A_636] : memref<1000000xi32, #tpu.memory_space<hbm>> -> memref<64xi32, #tpu.memory_space<hbm>>
        tpu.enqueue_dma source(%dma_start3A_637 : memref<64xi32, #tpu.memory_space<hbm>>) target(%dma_start3A_635 : memref<64xi32, #tpu.memory_space<vmem>>) target_semaphore(%run_scoped3A : memref<!tpu.dma_semaphore, #tpu.memory_space<semaphore_mem>>)
        %dma_wait3A_638 = arith.constant 0 : i32
        %dma_wait3A_639 = tpu.memref_slice %arg10[%dma_wait3A_638] : memref<1488xi32, #tpu.memory_space<vmem>> -> memref<64xi32, #tpu.memory_space<vmem>>
        %dma_wait3A_640 = arith.constant 999936 : i32
        %dma_wait3A_641 = tpu.memref_slice %arg4[%dma_wait3A_640] : memref<1000000xi32, #tpu.memory_space<hbm>> -> memref<64xi32, #tpu.memory_space<hbm>>
        %dma_wait3A_642 = arith.constant 0 : i32
        %dma_wait3A_643 = tpu.memref_slice %arg10[%dma_wait3A_642] : memref<1488xi32, #tpu.memory_space<vmem>> -> memref<64xi32, #tpu.memory_space<vmem>>
        %dma_wait3A_644 = arith.constant 999936 : i32
        %dma_wait3A_645 = tpu.memref_slice %arg4[%dma_wait3A_644] : memref<1000000xi32, #tpu.memory_space<hbm>> -> memref<64xi32, #tpu.memory_space<hbm>>
        tpu.wait_dma2 semaphore(%run_scoped3A : memref<!tpu.dma_semaphore, #tpu.memory_space<semaphore_mem>>) src(%dma_wait3A_645 : memref<64xi32, #tpu.memory_space<hbm>>) dst(%dma_wait3A_643 : memref<64xi32, #tpu.memory_space<vmem>>)
        tpu.yield
      }) : () -> ()
      "tpu.region"() ({
        %run_scoped3A = tpu.sem_alloc : memref<!tpu.dma_semaphore, #tpu.memory_space<semaphore_mem>>
        %dma_start3A_630 = arith.constant 0 : i32
        %dma_start3A_631 = tpu.memref_slice %arg12[%dma_start3A_630] : memref<1488xi32, #tpu.memory_space<vmem>> -> memref<64xi32, #tpu.memory_space<vmem>>
        %dma_start3A_632 = arith.constant 999936 : i32
        %dma_start3A_633 = tpu.memref_slice %arg5[%dma_start3A_632] : memref<1000000xi32, #tpu.memory_space<hbm>> -> memref<64xi32, #tpu.memory_space<hbm>>
        %dma_start3A_634 = arith.constant 0 : i32
        %dma_start3A_635 = tpu.memref_slice %arg12[%dma_start3A_634] : memref<1488xi32, #tpu.memory_space<vmem>> -> memref<64xi32, #tpu.memory_space<vmem>>
        %dma_start3A_636 = arith.constant 999936 : i32
        %dma_start3A_637 = tpu.memref_slice %arg5[%dma_start3A_636] : memref<1000000xi32, #tpu.memory_space<hbm>> -> memref<64xi32, #tpu.memory_space<hbm>>
        tpu.enqueue_dma source(%dma_start3A_637 : memref<64xi32, #tpu.memory_space<hbm>>) target(%dma_start3A_635 : memref<64xi32, #tpu.memory_space<vmem>>) target_semaphore(%run_scoped3A : memref<!tpu.dma_semaphore, #tpu.memory_space<semaphore_mem>>)
        %dma_wait3A_638 = arith.constant 0 : i32
        %dma_wait3A_639 = tpu.memref_slice %arg12[%dma_wait3A_638] : memref<1488xi32, #tpu.memory_space<vmem>> -> memref<64xi32, #tpu.memory_space<vmem>>
        %dma_wait3A_640 = arith.constant 999936 : i32
        %dma_wait3A_641 = tpu.memref_slice %arg5[%dma_wait3A_640] : memref<1000000xi32, #tpu.memory_space<hbm>> -> memref<64xi32, #tpu.memory_space<hbm>>
        %dma_wait3A_642 = arith.constant 0 : i32
        %dma_wait3A_643 = tpu.memref_slice %arg12[%dma_wait3A_642] : memref<1488xi32, #tpu.memory_space<vmem>> -> memref<64xi32, #tpu.memory_space<vmem>>
        %dma_wait3A_644 = arith.constant 999936 : i32
        %dma_wait3A_645 = tpu.memref_slice %arg5[%dma_wait3A_644] : memref<1000000xi32, #tpu.memory_space<hbm>> -> memref<64xi32, #tpu.memory_space<hbm>>
        tpu.wait_dma2 semaphore(%run_scoped3A : memref<!tpu.dma_semaphore, #tpu.memory_space<semaphore_mem>>) src(%dma_wait3A_645 : memref<64xi32, #tpu.memory_space<hbm>>) dst(%dma_wait3A_643 : memref<64xi32, #tpu.memory_space<vmem>>)
        tpu.yield
      }) : () -> ()
      %get3A = arith.constant 0 : index
      %get3A_76 = tpu.vector_load %arg10[%get3A] {strides = array<i32>} : memref<1488xi32, #tpu.memory_space<vmem>>, vector<16xi32>,
      %get3A_77 = arith.constant 0 : index
      %get3A_78 = tpu.vector_load %arg12[%get3A_77] {strides = array<i32>} : memref<1488xi32, #tpu.memory_space<vmem>>, vector<16xi32>,
      %and3A = arith.constant 131071 : i32
      %and3A_79 = vector.broadcast %and3A : i32 to vector<16xi32>
      %and3A_80 = arith.andi %get3A_76, %and3A_79 : vector<16xi32>
      %shift_right_logical3A = arith.constant 17 : i32
      %shift_right_logical3A_81 = vector.broadcast %shift_right_logical3A : i32 to vector<16xi32>
      %shift_right_logical3A_82 = arith.shrui %get3A_76, %shift_right_logical3A_81 : vector<16xi32>
      %and3A_83 = arith.constant 16383 : i32
      %and3A_84 = vector.broadcast %and3A_83 : i32 to vector<16xi32>
      %and3A_85 = arith.andi %get3A_78, %and3A_84 : vector<16xi32>
      %shift_right_logical3A_86 = arith.constant 14 : i32
      %shift_right_logical3A_87 = vector.broadcast %shift_right_logical3A_86 : i32 to vector<16xi32>
      %shift_right_logical3A_88 = arith.shrui %get3A_78, %shift_right_logical3A_87 : vector<16xi32>
      %shift_right_logical3A_89 = arith.constant 3 : i32
      %shift_right_logical3A_90 = vector.broadcast %shift_right_logical3A_89 : i32 to vector<16xi32>
      %shift_right_logical3A_91 = arith.shrui %and3A_85, %shift_right_logical3A_90 : vector<16xi32>
      %gather3A_92 = tpu.vector_load_idx %arg8[%shift_right_logical3A_91] : memref<1250xi32, #tpu.memory_space<vmem>>[vector<16xi32>], vector<16xi32>,
      %and3A_93 = arith.constant 7 : i32
      %and3A_94 = vector.broadcast %and3A_93 : i32 to vector<16xi32>
      %and3A_95 = arith.andi %and3A_85, %and3A_94 : vector<16xi32>
      %shift_left3A = arith.constant 2 : i32
      %shift_left3A_96 = vector.broadcast %shift_left3A : i32 to vector<16xi32>
      %shift_left3A_97 = arith.shli %and3A_95, %shift_left3A_96 : vector<16xi32>
      %shift_right_logical3A_98 = arith.shrui %gather3A_92, %shift_left3A_97 : vector<16xi32>
      %and3A_99 = arith.constant 7 : i32
      %and3A_100 = vector.broadcast %and3A_99 : i32 to vector<16xi32>
      %and3A_101 = arith.andi %shift_right_logical3A_98, %and3A_100 : vector<16xi32>
      %div3A = arith.constant 200 : i32
      %div3A_102 = vector.broadcast %div3A : i32 to vector<16xi32>
      %div3A_103 = arith.divsi %and3A_80, %div3A_102 : vector<16xi32>
      %mul3A_104 = arith.constant 8 : i32
      %mul3A_105 = vector.broadcast %mul3A_104 : i32 to vector<16xi32>
      %mul3A_106 = arith.muli %shift_right_logical3A_88, %mul3A_105 : vector<16xi32>
      %add3A_107 = arith.addi %mul3A_106, %and3A_101 : vector<16xi32>
      %mul3A_108 = arith.constant 500 : i32
      %mul3A_109 = vector.broadcast %mul3A_108 : i32 to vector<16xi32>
      %mul3A_110 = arith.muli %add3A_107, %mul3A_109 : vector<16xi32>
      %add3A_111 = arith.addi %mul3A_110, %div3A_103 : vector<16xi32>
      %swap3A = arith.constant 0 : index
      %swap3A_112 = tpu.vector_load %arg14[%swap3A] {strides = array<i32>} : memref<1488xi32, #tpu.memory_space<vmem>>, vector<16xi32>,
      tpu.vector_store %arg14[%swap3A], %add3A_111 {strides = array<i32>} : memref<1488xi32, #tpu.memory_space<vmem>>, vector<16xi32>,
      %convert_element_type3A_113 = arith.sitofp %shift_right_logical3A_82 : vector<16xi32> to vector<16xf32>
      %mul3A_114 = arith.constant 9.765625E-4 : f32
      %mul3A_115 = vector.broadcast %mul3A_114 : f32 to vector<16xf32>
      %mul3A_116 = arith.mulf %convert_element_type3A_113, %mul3A_115 : vector<16xf32>
      %jit3A = arith.constant 0.000000e+00 : f32
      %jit3A_117 = arith.constant 1.000000e+00 : f32
      %max3A = vector.broadcast %jit3A : f32 to vector<16xf32>
      %max3A_118 = arith.maximumf %max3A, %mul3A_116 : vector<16xf32>
      %min3A = vector.broadcast %jit3A_117 : f32 to vector<16xf32>
      %min3A_119 = arith.minimumf %min3A, %max3A_118 : vector<16xf32>
      %mul3A_120 = arith.constant 4.000000e+00 : f32
      %mul3A_121 = vector.broadcast %mul3A_120 : f32 to vector<16xf32>
      %mul3A_122 = arith.mulf %min3A_119, %mul3A_121 : vector<16xf32>
      %convert_element_type3A_123 = arith.fptosi %mul3A_122 : vector<16xf32> to vector<16xi32>
      %min3A_124 = arith.constant 3 : i32
      %min3A_125 = vector.broadcast %min3A_124 : i32 to vector<16xi32>
      %min3A_126 = arith.minsi %convert_element_type3A_123, %min3A_125 : vector<16xi32>
      %convert_element_type3A_127 = arith.sitofp %min3A_126 : vector<16xi32> to vector<16xf32>
      %sub3A = arith.subf %mul3A_122, %convert_element_type3A_127 : vector<16xf32>
      %gather3A_128 = tpu.vector_load_idx %arg9[%min3A_126] : memref<128xf32, #tpu.memory_space<vmem>>[vector<16xi32>], vector<16xf32>,
      %add3A_129 = arith.constant 1 : i32
      %add3A_130 = vector.broadcast %add3A_129 : i32 to vector<16xi32>
      %add3A_131 = arith.addi %min3A_126, %add3A_130 : vector<16xi32>
      %gather3A_132 = tpu.vector_load_idx %arg9[%add3A_131] : memref<128xf32, #tpu.memory_space<vmem>>[vector<16xi32>], vector<16xf32>,
      %sub3A_133 = arith.subf %gather3A_132, %gather3A_128 : vector<16xf32>
      %mul3A_134 = arith.mulf %sub3A, %sub3A_133 : vector<16xf32>
      %add3A_135 = arith.addf %gather3A_128, %mul3A_134 : vector<16xf32>
      %add3A_136 = arith.constant 9.99999996E-13 : f32
      %add3A_137 = vector.broadcast %add3A_136 : f32 to vector<16xf32>
      %add3A_138 = arith.addf %add3A_135, %add3A_137 : vector<16xf32>
      %bitcast3A = vector.bitcast %add3A_138 : vector<16xf32> to vector<16xi32>
      %shift_right_logical3A_139 = arith.constant 23 : i32
      %shift_right_logical3A_140 = vector.broadcast %shift_right_logical3A_139 : i32 to vector<16xi32>
      %shift_right_logical3A_141 = arith.shrui %bitcast3A, %shift_right_logical3A_140 : vector<16xi32>
      %and3A_142 = arith.constant 255 : i32
      %and3A_143 = vector.broadcast %and3A_142 : i32 to vector<16xi32>
      %and3A_144 = arith.andi %shift_right_logical3A_141, %and3A_143 : vector<16xi32>
      %sub3A_145 = arith.constant 127 : i32
      %sub3A_146 = vector.broadcast %sub3A_145 : i32 to vector<16xi32>
      %sub3A_147 = arith.subi %and3A_144, %sub3A_146 : vector<16xi32>
      %and3A_148 = arith.constant 8388607 : i32
      %and3A_149 = vector.broadcast %and3A_148 : i32 to vector<16xi32>
      %and3A_150 = arith.andi %bitcast3A, %and3A_149 : vector<16xi32>
      %or3A = arith.constant 1065353216 : i32
      %or3A_151 = vector.broadcast %or3A : i32 to vector<16xi32>
      %or3A_152 = arith.ori %and3A_150, %or3A_151 : vector<16xi32>
      %bitcast3A_153 = vector.bitcast %or3A_152 : vector<16xi32> to vector<16xf32>
      %mul3A_154 = arith.constant 0.0434283651 : f32
      %mul3A_155 = vector.broadcast %mul3A_154 : f32 to vector<16xf32>
      %mul3A_156 = arith.mulf %mul3A_155, %bitcast3A_153 : vector<16xf32>
      %add3A_157 = arith.constant -0.404862314 : f32
      %add3A_158 = vector.broadcast %add3A_157 : f32 to vector<16xf32>
      %add3A_159 = arith.addf %mul3A_156, %add3A_158 : vector<16xf32>
      %mul3A_160 = arith.mulf %add3A_159, %bitcast3A_153 : vector<16xf32>
      %add3A_161 = arith.constant 1.59388459 : f32
      %add3A_162 = vector.broadcast %add3A_161 : f32 to vector<16xf32>
      %add3A_163 = arith.addf %mul3A_160, %add3A_162 : vector<16xf32>
      %mul3A_164 = arith.mulf %add3A_163, %bitcast3A_153 : vector<16xf32>
      %add3A_165 = arith.constant -3.49246597 : f32
      %add3A_166 = vector.broadcast %add3A_165 : f32 to vector<16xf32>
      %add3A_167 = arith.addf %mul3A_164, %add3A_166 : vector<16xf32>
      %mul3A_168 = arith.mulf %add3A_167, %bitcast3A_153 : vector<16xf32>
      %add3A_169 = arith.constant 5.04685307 : f32
      %add3A_170 = vector.broadcast %add3A_169 : f32 to vector<16xf32>
      %add3A_171 = arith.addf %mul3A_168, %add3A_170 : vector<16xf32>
      %mul3A_172 = arith.mulf %add3A_171, %bitcast3A_153 : vector<16xf32>
      %add3A_173 = arith.constant -2.78680563 : f32
      %add3A_174 = vector.broadcast %add3A_173 : f32 to vector<16xf32>
      %add3A_175 = arith.addf %mul3A_172, %add3A_174 : vector<16xf32>
      %convert_element_type3A_176 = arith.sitofp %sub3A_147 : vector<16xi32> to vector<16xf32>
      %add3A_177 = arith.addf %convert_element_type3A_176, %add3A_175 : vector<16xf32>
      %mul3A_178 = arith.constant 0.693147182 : f32
      %mul3A_179 = vector.broadcast %mul3A_178 : f32 to vector<16xf32>
      %mul3A_180 = arith.mulf %add3A_177, %mul3A_179 : vector<16xf32>
      %gt3A = arith.constant 1.024000e+03 : f32
      %gt3A_181 = vector.broadcast %gt3A : f32 to vector<16xf32>
      %gt3A_182 = arith.cmpf ogt, %convert_element_type3A_113, %gt3A_181 : vector<16xf32>
      %add3A_183 = arith.addf %mul3A_180, %gather3A : vector<16xf32>
      %select_n3A = arith.select %gt3A_182, %gather3A_12, %add3A_183 : vector<16xi1>, vector<16xf32>
      %add3A_184 = arith.constant 0 : i32
      %add3A_185 = vector.broadcast %add3A_184 : i32 to vector<16xi32>
      %add3A_186 = arith.addi %add3A_185, %iota3A : vector<16xi32>
      %mul3A_187 = arith.constant 0 : i32
      %mul3A_188 = vector.broadcast %mul3A_187 : i32 to vector<16xi32>
      %mul3A_189 = arith.muli %iota3A, %mul3A_188 : vector<16xi32>
      %add3A_190 = arith.constant 1 : i32
      %add3A_191 = vector.broadcast %add3A_190 : i32 to vector<16xi32>
      %add3A_192 = arith.addi %mul3A_189, %add3A_191 : vector<16xi32>
      tpu.vector_store_idx %arg18[%add3A_186, %add3A_192], %select_n3A : memref<1488x2xf32, #tpu.memory_space<vmem>>[vector<16xi32>, vector<16xi32>], vector<16xf32>,
      %get3A_193 = arith.constant 16 : index
      %get3A_194 = tpu.vector_load %arg10[%get3A_193] {strides = array<i32>} : memref<1488xi32, #tpu.memory_space<vmem>>, vector<16xi32>,
      %get3A_195 = arith.constant 16 : index
      %get3A_196 = tpu.vector_load %arg12[%get3A_195] {strides = array<i32>} : memref<1488xi32, #tpu.memory_space<vmem>>, vector<16xi32>,
      %and3A_197 = arith.constant 131071 : i32
      %and3A_198 = vector.broadcast %and3A_197 : i32 to vector<16xi32>
      %and3A_199 = arith.andi %get3A_194, %and3A_198 : vector<16xi32>
      %shift_right_logical3A_200 = arith.constant 17 : i32
      %shift_right_logical3A_201 = vector.broadcast %shift_right_logical3A_200 : i32 to vector<16xi32>
      %shift_right_logical3A_202 = arith.shrui %get3A_194, %shift_right_logical3A_201 : vector<16xi32>
      %and3A_203 = arith.constant 16383 : i32
      %and3A_204 = vector.broadcast %and3A_203 : i32 to vector<16xi32>
      %and3A_205 = arith.andi %get3A_196, %and3A_204 : vector<16xi32>
      %shift_right_logical3A_206 = arith.constant 14 : i32
      %shift_right_logical3A_207 = vector.broadcast %shift_right_logical3A_206 : i32 to vector<16xi32>
      %shift_right_logical3A_208 = arith.shrui %get3A_196, %shift_right_logical3A_207 : vector<16xi32>
      %shift_right_logical3A_209 = arith.constant 3 : i32
      %shift_right_logical3A_210 = vector.broadcast %shift_right_logical3A_209 : i32 to vector<16xi32>
      %shift_right_logical3A_211 = arith.shrui %and3A_205, %shift_right_logical3A_210 : vector<16xi32>
      %gather3A_212 = tpu.vector_load_idx %arg8[%shift_right_logical3A_211] : memref<1250xi32, #tpu.memory_space<vmem>>[vector<16xi32>], vector<16xi32>,
      %and3A_213 = arith.constant 7 : i32
      %and3A_214 = vector.broadcast %and3A_213 : i32 to vector<16xi32>
      %and3A_215 = arith.andi %and3A_205, %and3A_214 : vector<16xi32>
      %shift_left3A_216 = arith.constant 2 : i32
      %shift_left3A_217 = vector.broadcast %shift_left3A_216 : i32 to vector<16xi32>
      %shift_left3A_218 = arith.shli %and3A_215, %shift_left3A_217 : vector<16xi32>
      %shift_right_logical3A_219 = arith.shrui %gather3A_212, %shift_left3A_218 : vector<16xi32>
      %and3A_220 = arith.constant 7 : i32
      %and3A_221 = vector.broadcast %and3A_220 : i32 to vector<16xi32>
      %and3A_222 = arith.andi %shift_right_logical3A_219, %and3A_221 : vector<16xi32>
      %div3A_223 = arith.constant 200 : i32
      %div3A_224 = vector.broadcast %div3A_223 : i32 to vector<16xi32>
      %div3A_225 = arith.divsi %and3A_199, %div3A_224 : vector<16xi32>
      %mul3A_226 = arith.constant 8 : i32
      %mul3A_227 = vector.broadcast %mul3A_226 : i32 to vector<16xi32>
      %mul3A_228 = arith.muli %shift_right_logical3A_208, %mul3A_227 : vector<16xi32>
      %add3A_229 = arith.addi %mul3A_228, %and3A_222 : vector<16xi32>
      %mul3A_230 = arith.constant 500 : i32
      %mul3A_231 = vector.broadcast %mul3A_230 : i32 to vector<16xi32>
      %mul3A_232 = arith.muli %add3A_229, %mul3A_231 : vector<16xi32>
      %add3A_233 = arith.addi %mul3A_232, %div3A_225 : vector<16xi32>
      %swap3A_234 = arith.constant 16 : index
      %swap3A_235 = tpu.vector_load %arg14[%swap3A_234] {strides = array<i32>} : memref<1488xi32, #tpu.memory_space<vmem>>, vector<16xi32>,
      tpu.vector_store %arg14[%swap3A_234], %add3A_233 {strides = array<i32>} : memref<1488xi32, #tpu.memory_space<vmem>>, vector<16xi32>,
      %convert_element_type3A_236 = arith.sitofp %shift_right_logical3A_202 : vector<16xi32> to vector<16xf32>
      %mul3A_237 = arith.constant 9.765625E-4 : f32
      %mul3A_238 = vector.broadcast %mul3A_237 : f32 to vector<16xf32>
      %mul3A_239 = arith.mulf %convert_element_type3A_236, %mul3A_238 : vector<16xf32>
      %jit3A_240 = arith.constant 0.000000e+00 : f32
      %jit3A_241 = arith.constant 1.000000e+00 : f32
      %max3A_242 = vector.broadcast %jit3A_240 : f32 to vector<16xf32>
      %max3A_243 = arith.maximumf %max3A_242, %mul3A_239 : vector<16xf32>
      %min3A_244 = vector.broadcast %jit3A_241 : f32 to vector<16xf32>
      %min3A_245 = arith.minimumf %min3A_244, %max3A_243 : vector<16xf32>
      %mul3A_246 = arith.constant 4.000000e+00 : f32
      %mul3A_247 = vector.broadcast %mul3A_246 : f32 to vector<16xf32>
      %mul3A_248 = arith.mulf %min3A_245, %mul3A_247 : vector<16xf32>
      %convert_element_type3A_249 = arith.fptosi %mul3A_248 : vector<16xf32> to vector<16xi32>
      %min3A_250 = arith.constant 3 : i32
      %min3A_251 = vector.broadcast %min3A_250 : i32 to vector<16xi32>
      %min3A_252 = arith.minsi %convert_element_type3A_249, %min3A_251 : vector<16xi32>
      %convert_element_type3A_253 = arith.sitofp %min3A_252 : vector<16xi32> to vector<16xf32>
      %sub3A_254 = arith.subf %mul3A_248, %convert_element_type3A_253 : vector<16xf32>
      %gather3A_255 = tpu.vector_load_idx %arg9[%min3A_252] : memref<128xf32, #tpu.memory_space<vmem>>[vector<16xi32>], vector<16xf32>,
      %add3A_256 = arith.constant 1 : i32
      %add3A_257 = vector.broadcast %add3A_256 : i32 to vector<16xi32>
      %add3A_258 = arith.addi %min3A_252, %add3A_257 : vector<16xi32>
      %gather3A_259 = tpu.vector_load_idx %arg9[%add3A_258] : memref<128xf32, #tpu.memory_space<vmem>>[vector<16xi32>], vector<16xf32>,
      %sub3A_260 = arith.subf %gather3A_259, %gather3A_255 : vector<16xf32>
      %mul3A_261 = arith.mulf %sub3A_254, %sub3A_260 : vector<16xf32>
      %add3A_262 = arith.addf %gather3A_255, %mul3A_261 : vector<16xf32>
      %add3A_263 = arith.constant 9.99999996E-13 : f32
      %add3A_264 = vector.broadcast %add3A_263 : f32 to vector<16xf32>
      %add3A_265 = arith.addf %add3A_262, %add3A_264 : vector<16xf32>
      %bitcast3A_266 = vector.bitcast %add3A_265 : vector<16xf32> to vector<16xi32>
      %shift_right_logical3A_267 = arith.constant 23 : i32
      %shift_right_logical3A_268 = vector.broadcast %shift_right_logical3A_267 : i32 to vector<16xi32>
      %shift_right_logical3A_269 = arith.shrui %bitcast3A_266, %shift_right_logical3A_268 : vector<16xi32>
      %and3A_270 = arith.constant 255 : i32
      %and3A_271 = vector.broadcast %and3A_270 : i32 to vector<16xi32>
      %and3A_272 = arith.andi %shift_right_logical3A_269, %and3A_271 : vector<16xi32>
      %sub3A_273 = arith.constant 127 : i32
      %sub3A_274 = vector.broadcast %sub3A_273 : i32 to vector<16xi32>
      %sub3A_275 = arith.subi %and3A_272, %sub3A_274 : vector<16xi32>
      %and3A_276 = arith.constant 8388607 : i32
      %and3A_277 = vector.broadcast %and3A_276 : i32 to vector<16xi32>
      %and3A_278 = arith.andi %bitcast3A_266, %and3A_277 : vector<16xi32>
      %or3A_279 = arith.constant 1065353216 : i32
      %or3A_280 = vector.broadcast %or3A_279 : i32 to vector<16xi32>
      %or3A_281 = arith.ori %and3A_278, %or3A_280 : vector<16xi32>
      %bitcast3A_282 = vector.bitcast %or3A_281 : vector<16xi32> to vector<16xf32>
      %mul3A_283 = arith.constant 0.0434283651 : f32
      %mul3A_284 = vector.broadcast %mul3A_283 : f32 to vector<16xf32>
      %mul3A_285 = arith.mulf %mul3A_284, %bitcast3A_282 : vector<16xf32>
      %add3A_286 = arith.constant -0.404862314 : f32
      %add3A_287 = vector.broadcast %add3A_286 : f32 to vector<16xf32>
      %add3A_288 = arith.addf %mul3A_285, %add3A_287 : vector<16xf32>
      %mul3A_289 = arith.mulf %add3A_288, %bitcast3A_282 : vector<16xf32>
      %add3A_290 = arith.constant 1.59388459 : f32
      %add3A_291 = vector.broadcast %add3A_290 : f32 to vector<16xf32>
      %add3A_292 = arith.addf %mul3A_289, %add3A_291 : vector<16xf32>
      %mul3A_293 = arith.mulf %add3A_292, %bitcast3A_282 : vector<16xf32>
      %add3A_294 = arith.constant -3.49246597 : f32
      %add3A_295 = vector.broadcast %add3A_294 : f32 to vector<16xf32>
      %add3A_296 = arith.addf %mul3A_293, %add3A_295 : vector<16xf32>
      %mul3A_297 = arith.mulf %add3A_296, %bitcast3A_282 : vector<16xf32>
      %add3A_298 = arith.constant 5.04685307 : f32
      %add3A_299 = vector.broadcast %add3A_298 : f32 to vector<16xf32>
      %add3A_300 = arith.addf %mul3A_297, %add3A_299 : vector<16xf32>
      %mul3A_301 = arith.mulf %add3A_300, %bitcast3A_282 : vector<16xf32>
      %add3A_302 = arith.constant -2.78680563 : f32
      %add3A_303 = vector.broadcast %add3A_302 : f32 to vector<16xf32>
      %add3A_304 = arith.addf %mul3A_301, %add3A_303 : vector<16xf32>
      %convert_element_type3A_305 = arith.sitofp %sub3A_275 : vector<16xi32> to vector<16xf32>
      %add3A_306 = arith.addf %convert_element_type3A_305, %add3A_304 : vector<16xf32>
      %mul3A_307 = arith.constant 0.693147182 : f32
      %mul3A_308 = vector.broadcast %mul3A_307 : f32 to vector<16xf32>
      %mul3A_309 = arith.mulf %add3A_306, %mul3A_308 : vector<16xf32>
      %gt3A_310 = arith.constant 1.024000e+03 : f32
      %gt3A_311 = vector.broadcast %gt3A_310 : f32 to vector<16xf32>
      %gt3A_312 = arith.cmpf ogt, %convert_element_type3A_236, %gt3A_311 : vector<16xf32>
      %add3A_313 = arith.addf %mul3A_309, %gather3A : vector<16xf32>
      %select_n3A_314 = arith.select %gt3A_312, %gather3A_12, %add3A_313 : vector<16xi1>, vector<16xf32>
      %add3A_315 = arith.constant 16 : i32
      %add3A_316 = vector.broadcast %add3A_315 : i32 to vector<16xi32>
      %add3A_317 = arith.addi %add3A_316, %iota3A : vector<16xi32>
      %mul3A_318 = arith.constant 0 : i32
      %mul3A_319 = vector.broadcast %mul3A_318 : i32 to vector<16xi32>
      %mul3A_320 = arith.muli %iota3A, %mul3A_319 : vector<16xi32>
      %add3A_321 = arith.constant 1 : i32
      %add3A_322 = vector.broadcast %add3A_321 : i32 to vector<16xi32>
      %add3A_323 = arith.addi %mul3A_320, %add3A_322 : vector<16xi32>
      tpu.vector_store_idx %arg18[%add3A_317, %add3A_323], %select_n3A_314 : memref<1488x2xf32, #tpu.memory_space<vmem>>[vector<16xi32>, vector<16xi32>], vector<16xf32>,
      %get3A_324 = arith.constant 32 : index
      %get3A_325 = tpu.vector_load %arg10[%get3A_324] {strides = array<i32>} : memref<1488xi32, #tpu.memory_space<vmem>>, vector<16xi32>,
      %get3A_326 = arith.constant 32 : index
      %get3A_327 = tpu.vector_load %arg12[%get3A_326] {strides = array<i32>} : memref<1488xi32, #tpu.memory_space<vmem>>, vector<16xi32>,
      %and3A_328 = arith.constant 131071 : i32
      %and3A_329 = vector.broadcast %and3A_328 : i32 to vector<16xi32>
      %and3A_330 = arith.andi %get3A_325, %and3A_329 : vector<16xi32>
      %shift_right_logical3A_331 = arith.constant 17 : i32
      %shift_right_logical3A_332 = vector.broadcast %shift_right_logical3A_331 : i32 to vector<16xi32>
      %shift_right_logical3A_333 = arith.shrui %get3A_325, %shift_right_logical3A_332 : vector<16xi32>
      %and3A_334 = arith.constant 16383 : i32
      %and3A_335 = vector.broadcast %and3A_334 : i32 to vector<16xi32>
      %and3A_336 = arith.andi %get3A_327, %and3A_335 : vector<16xi32>
      %shift_right_logical3A_337 = arith.constant 14 : i32
      %shift_right_logical3A_338 = vector.broadcast %shift_right_logical3A_337 : i32 to vector<16xi32>
      %shift_right_logical3A_339 = arith.shrui %get3A_327, %shift_right_logical3A_338 : vector<16xi32>
      %shift_right_logical3A_340 = arith.constant 3 : i32
      %shift_right_logical3A_341 = vector.broadcast %shift_right_logical3A_340 : i32 to vector<16xi32>
      %shift_right_logical3A_342 = arith.shrui %and3A_336, %shift_right_logical3A_341 : vector<16xi32>
      %gather3A_343 = tpu.vector_load_idx %arg8[%shift_right_logical3A_342] : memref<1250xi32, #tpu.memory_space<vmem>>[vector<16xi32>], vector<16xi32>,
      %and3A_344 = arith.constant 7 : i32
      %and3A_345 = vector.broadcast %and3A_344 : i32 to vector<16xi32>
      %and3A_346 = arith.andi %and3A_336, %and3A_345 : vector<16xi32>
      %shift_left3A_347 = arith.constant 2 : i32
      %shift_left3A_348 = vector.broadcast %shift_left3A_347 : i32 to vector<16xi32>
      %shift_left3A_349 = arith.shli %and3A_346, %shift_left3A_348 : vector<16xi32>
      %shift_right_logical3A_350 = arith.shrui %gather3A_343, %shift_left3A_349 : vector<16xi32>
      %and3A_351 = arith.constant 7 : i32
      %and3A_352 = vector.broadcast %and3A_351 : i32 to vector<16xi32>
      %and3A_353 = arith.andi %shift_right_logical3A_350, %and3A_352 : vector<16xi32>
      %div3A_354 = arith.constant 200 : i32
      %div3A_355 = vector.broadcast %div3A_354 : i32 to vector<16xi32>
      %div3A_356 = arith.divsi %and3A_330, %div3A_355 : vector<16xi32>
      %mul3A_357 = arith.constant 8 : i32
      %mul3A_358 = vector.broadcast %mul3A_357 : i32 to vector<16xi32>
      %mul3A_359 = arith.muli %shift_right_logical3A_339, %mul3A_358 : vector<16xi32>
      %add3A_360 = arith.addi %mul3A_359, %and3A_353 : vector<16xi32>
      %mul3A_361 = arith.constant 500 : i32
      %mul3A_362 = vector.broadcast %mul3A_361 : i32 to vector<16xi32>
      %mul3A_363 = arith.muli %add3A_360, %mul3A_362 : vector<16xi32>
      %add3A_364 = arith.addi %mul3A_363, %div3A_356 : vector<16xi32>
      %swap3A_365 = arith.constant 32 : index
      %swap3A_366 = tpu.vector_load %arg14[%swap3A_365] {strides = array<i32>} : memref<1488xi32, #tpu.memory_space<vmem>>, vector<16xi32>,
      tpu.vector_store %arg14[%swap3A_365], %add3A_364 {strides = array<i32>} : memref<1488xi32, #tpu.memory_space<vmem>>, vector<16xi32>,
      %convert_element_type3A_367 = arith.sitofp %shift_right_logical3A_333 : vector<16xi32> to vector<16xf32>
      %mul3A_368 = arith.constant 9.765625E-4 : f32
      %mul3A_369 = vector.broadcast %mul3A_368 : f32 to vector<16xf32>
      %mul3A_370 = arith.mulf %convert_element_type3A_367, %mul3A_369 : vector<16xf32>
      %jit3A_371 = arith.constant 0.000000e+00 : f32
      %jit3A_372 = arith.constant 1.000000e+00 : f32
      %max3A_373 = vector.broadcast %jit3A_371 : f32 to vector<16xf32>
      %max3A_374 = arith.maximumf %max3A_373, %mul3A_370 : vector<16xf32>
      %min3A_375 = vector.broadcast %jit3A_372 : f32 to vector<16xf32>
      %min3A_376 = arith.minimumf %min3A_375, %max3A_374 : vector<16xf32>
      %mul3A_377 = arith.constant 4.000000e+00 : f32
      %mul3A_378 = vector.broadcast %mul3A_377 : f32 to vector<16xf32>
      %mul3A_379 = arith.mulf %min3A_376, %mul3A_378 : vector<16xf32>
      %convert_element_type3A_380 = arith.fptosi %mul3A_379 : vector<16xf32> to vector<16xi32>
      %min3A_381 = arith.constant 3 : i32
      %min3A_382 = vector.broadcast %min3A_381 : i32 to vector<16xi32>
      %min3A_383 = arith.minsi %convert_element_type3A_380, %min3A_382 : vector<16xi32>
      %convert_element_type3A_384 = arith.sitofp %min3A_383 : vector<16xi32> to vector<16xf32>
      %sub3A_385 = arith.subf %mul3A_379, %convert_element_type3A_384 : vector<16xf32>
      %gather3A_386 = tpu.vector_load_idx %arg9[%min3A_383] : memref<128xf32, #tpu.memory_space<vmem>>[vector<16xi32>], vector<16xf32>,
      %add3A_387 = arith.constant 1 : i32
      %add3A_388 = vector.broadcast %add3A_387 : i32 to vector<16xi32>
      %add3A_389 = arith.addi %min3A_383, %add3A_388 : vector<16xi32>
      %gather3A_390 = tpu.vector_load_idx %arg9[%add3A_389] : memref<128xf32, #tpu.memory_space<vmem>>[vector<16xi32>], vector<16xf32>,
      %sub3A_391 = arith.subf %gather3A_390, %gather3A_386 : vector<16xf32>
      %mul3A_392 = arith.mulf %sub3A_385, %sub3A_391 : vector<16xf32>
      %add3A_393 = arith.addf %gather3A_386, %mul3A_392 : vector<16xf32>
      %add3A_394 = arith.constant 9.99999996E-13 : f32
      %add3A_395 = vector.broadcast %add3A_394 : f32 to vector<16xf32>
      %add3A_396 = arith.addf %add3A_393, %add3A_395 : vector<16xf32>
      %bitcast3A_397 = vector.bitcast %add3A_396 : vector<16xf32> to vector<16xi32>
      %shift_right_logical3A_398 = arith.constant 23 : i32
      %shift_right_logical3A_399 = vector.broadcast %shift_right_logical3A_398 : i32 to vector<16xi32>
      %shift_right_logical3A_400 = arith.shrui %bitcast3A_397, %shift_right_logical3A_399 : vector<16xi32>
      %and3A_401 = arith.constant 255 : i32
      %and3A_402 = vector.broadcast %and3A_401 : i32 to vector<16xi32>
      %and3A_403 = arith.andi %shift_right_logical3A_400, %and3A_402 : vector<16xi32>
      %sub3A_404 = arith.constant 127 : i32
      %sub3A_405 = vector.broadcast %sub3A_404 : i32 to vector<16xi32>
      %sub3A_406 = arith.subi %and3A_403, %sub3A_405 : vector<16xi32>
      %and3A_407 = arith.constant 8388607 : i32
      %and3A_408 = vector.broadcast %and3A_407 : i32 to vector<16xi32>
      %and3A_409 = arith.andi %bitcast3A_397, %and3A_408 : vector<16xi32>
      %or3A_410 = arith.constant 1065353216 : i32
      %or3A_411 = vector.broadcast %or3A_410 : i32 to vector<16xi32>
      %or3A_412 = arith.ori %and3A_409, %or3A_411 : vector<16xi32>
      %bitcast3A_413 = vector.bitcast %or3A_412 : vector<16xi32> to vector<16xf32>
      %mul3A_414 = arith.constant 0.0434283651 : f32
      %mul3A_415 = vector.broadcast %mul3A_414 : f32 to vector<16xf32>
      %mul3A_416 = arith.mulf %mul3A_415, %bitcast3A_413 : vector<16xf32>
      %add3A_417 = arith.constant -0.404862314 : f32
      %add3A_418 = vector.broadcast %add3A_417 : f32 to vector<16xf32>
      %add3A_419 = arith.addf %mul3A_416, %add3A_418 : vector<16xf32>
      %mul3A_420 = arith.mulf %add3A_419, %bitcast3A_413 : vector<16xf32>
      %add3A_421 = arith.constant 1.59388459 : f32
      %add3A_422 = vector.broadcast %add3A_421 : f32 to vector<16xf32>
      %add3A_423 = arith.addf %mul3A_420, %add3A_422 : vector<16xf32>
      %mul3A_424 = arith.mulf %add3A_423, %bitcast3A_413 : vector<16xf32>
      %add3A_425 = arith.constant -3.49246597 : f32
      %add3A_426 = vector.broadcast %add3A_425 : f32 to vector<16xf32>
      %add3A_427 = arith.addf %mul3A_424, %add3A_426 : vector<16xf32>
      %mul3A_428 = arith.mulf %add3A_427, %bitcast3A_413 : vector<16xf32>
      %add3A_429 = arith.constant 5.04685307 : f32
      %add3A_430 = vector.broadcast %add3A_429 : f32 to vector<16xf32>
      %add3A_431 = arith.addf %mul3A_428, %add3A_430 : vector<16xf32>
      %mul3A_432 = arith.mulf %add3A_431, %bitcast3A_413 : vector<16xf32>
      %add3A_433 = arith.constant -2.78680563 : f32
      %add3A_434 = vector.broadcast %add3A_433 : f32 to vector<16xf32>
      %add3A_435 = arith.addf %mul3A_432, %add3A_434 : vector<16xf32>
      %convert_element_type3A_436 = arith.sitofp %sub3A_406 : vector<16xi32> to vector<16xf32>
      %add3A_437 = arith.addf %convert_element_type3A_436, %add3A_435 : vector<16xf32>
      %mul3A_438 = arith.constant 0.693147182 : f32
      %mul3A_439 = vector.broadcast %mul3A_438 : f32 to vector<16xf32>
      %mul3A_440 = arith.mulf %add3A_437, %mul3A_439 : vector<16xf32>
      %gt3A_441 = arith.constant 1.024000e+03 : f32
      %gt3A_442 = vector.broadcast %gt3A_441 : f32 to vector<16xf32>
      %gt3A_443 = arith.cmpf ogt, %convert_element_type3A_367, %gt3A_442 : vector<16xf32>
      %add3A_444 = arith.addf %mul3A_440, %gather3A : vector<16xf32>
      %select_n3A_445 = arith.select %gt3A_443, %gather3A_12, %add3A_444 : vector<16xi1>, vector<16xf32>
      %add3A_446 = arith.constant 32 : i32
      %add3A_447 = vector.broadcast %add3A_446 : i32 to vector<16xi32>
      %add3A_448 = arith.addi %add3A_447, %iota3A : vector<16xi32>
      %mul3A_449 = arith.constant 0 : i32
      %mul3A_450 = vector.broadcast %mul3A_449 : i32 to vector<16xi32>
      %mul3A_451 = arith.muli %iota3A, %mul3A_450 : vector<16xi32>
      %add3A_452 = arith.constant 1 : i32
      %add3A_453 = vector.broadcast %add3A_452 : i32 to vector<16xi32>
      %add3A_454 = arith.addi %mul3A_451, %add3A_453 : vector<16xi32>
      tpu.vector_store_idx %arg18[%add3A_448, %add3A_454], %select_n3A_445 : memref<1488x2xf32, #tpu.memory_space<vmem>>[vector<16xi32>, vector<16xi32>], vector<16xf32>,
      %get3A_455 = arith.constant 48 : index
      %get3A_456 = tpu.vector_load %arg10[%get3A_455] {strides = array<i32>} : memref<1488xi32, #tpu.memory_space<vmem>>, vector<16xi32>,
      %get3A_457 = arith.constant 48 : index
      %get3A_458 = tpu.vector_load %arg12[%get3A_457] {strides = array<i32>} : memref<1488xi32, #tpu.memory_space<vmem>>, vector<16xi32>,
      %and3A_459 = arith.constant 131071 : i32
      %and3A_460 = vector.broadcast %and3A_459 : i32 to vector<16xi32>
      %and3A_461 = arith.andi %get3A_456, %and3A_460 : vector<16xi32>
      %shift_right_logical3A_462 = arith.constant 17 : i32
      %shift_right_logical3A_463 = vector.broadcast %shift_right_logical3A_462 : i32 to vector<16xi32>
      %shift_right_logical3A_464 = arith.shrui %get3A_456, %shift_right_logical3A_463 : vector<16xi32>
      %and3A_465 = arith.constant 16383 : i32
      %and3A_466 = vector.broadcast %and3A_465 : i32 to vector<16xi32>
      %and3A_467 = arith.andi %get3A_458, %and3A_466 : vector<16xi32>
      %shift_right_logical3A_468 = arith.constant 14 : i32
      %shift_right_logical3A_469 = vector.broadcast %shift_right_logical3A_468 : i32 to vector<16xi32>
      %shift_right_logical3A_470 = arith.shrui %get3A_458, %shift_right_logical3A_469 : vector<16xi32>
      %shift_right_logical3A_471 = arith.constant 3 : i32
      %shift_right_logical3A_472 = vector.broadcast %shift_right_logical3A_471 : i32 to vector<16xi32>
      %shift_right_logical3A_473 = arith.shrui %and3A_467, %shift_right_logical3A_472 : vector<16xi32>
      %gather3A_474 = tpu.vector_load_idx %arg8[%shift_right_logical3A_473] : memref<1250xi32, #tpu.memory_space<vmem>>[vector<16xi32>], vector<16xi32>,
      %and3A_475 = arith.constant 7 : i32
      %and3A_476 = vector.broadcast %and3A_475 : i32 to vector<16xi32>
      %and3A_477 = arith.andi %and3A_467, %and3A_476 : vector<16xi32>
      %shift_left3A_478 = arith.constant 2 : i32
      %shift_left3A_479 = vector.broadcast %shift_left3A_478 : i32 to vector<16xi32>
      %shift_left3A_480 = arith.shli %and3A_477, %shift_left3A_479 : vector<16xi32>
      %shift_right_logical3A_481 = arith.shrui %gather3A_474, %shift_left3A_480 : vector<16xi32>
      %and3A_482 = arith.constant 7 : i32
      %and3A_483 = vector.broadcast %and3A_482 : i32 to vector<16xi32>
      %and3A_484 = arith.andi %shift_right_logical3A_481, %and3A_483 : vector<16xi32>
      %div3A_485 = arith.constant 200 : i32
      %div3A_486 = vector.broadcast %div3A_485 : i32 to vector<16xi32>
      %div3A_487 = arith.divsi %and3A_461, %div3A_486 : vector<16xi32>
      %mul3A_488 = arith.constant 8 : i32
      %mul3A_489 = vector.broadcast %mul3A_488 : i32 to vector<16xi32>
      %mul3A_490 = arith.muli %shift_right_logical3A_470, %mul3A_489 : vector<16xi32>
      %add3A_491 = arith.addi %mul3A_490, %and3A_484 : vector<16xi32>
      %mul3A_492 = arith.constant 500 : i32
      %mul3A_493 = vector.broadcast %mul3A_492 : i32 to vector<16xi32>
      %mul3A_494 = arith.muli %add3A_491, %mul3A_493 : vector<16xi32>
      %add3A_495 = arith.addi %mul3A_494, %div3A_487 : vector<16xi32>
      %swap3A_496 = arith.constant 48 : index
      %swap3A_497 = tpu.vector_load %arg14[%swap3A_496] {strides = array<i32>} : memref<1488xi32, #tpu.memory_space<vmem>>, vector<16xi32>,
      tpu.vector_store %arg14[%swap3A_496], %add3A_495 {strides = array<i32>} : memref<1488xi32, #tpu.memory_space<vmem>>, vector<16xi32>,
      %convert_element_type3A_498 = arith.sitofp %shift_right_logical3A_464 : vector<16xi32> to vector<16xf32>
      %mul3A_499 = arith.constant 9.765625E-4 : f32
      %mul3A_500 = vector.broadcast %mul3A_499 : f32 to vector<16xf32>
      %mul3A_501 = arith.mulf %convert_element_type3A_498, %mul3A_500 : vector<16xf32>
      %jit3A_502 = arith.constant 0.000000e+00 : f32
      %jit3A_503 = arith.constant 1.000000e+00 : f32
      %max3A_504 = vector.broadcast %jit3A_502 : f32 to vector<16xf32>
      %max3A_505 = arith.maximumf %max3A_504, %mul3A_501 : vector<16xf32>
      %min3A_506 = vector.broadcast %jit3A_503 : f32 to vector<16xf32>
      %min3A_507 = arith.minimumf %min3A_506, %max3A_505 : vector<16xf32>
      %mul3A_508 = arith.constant 4.000000e+00 : f32
      %mul3A_509 = vector.broadcast %mul3A_508 : f32 to vector<16xf32>
      %mul3A_510 = arith.mulf %min3A_507, %mul3A_509 : vector<16xf32>
      %convert_element_type3A_511 = arith.fptosi %mul3A_510 : vector<16xf32> to vector<16xi32>
      %min3A_512 = arith.constant 3 : i32
      %min3A_513 = vector.broadcast %min3A_512 : i32 to vector<16xi32>
      %min3A_514 = arith.minsi %convert_element_type3A_511, %min3A_513 : vector<16xi32>
      %convert_element_type3A_515 = arith.sitofp %min3A_514 : vector<16xi32> to vector<16xf32>
      %sub3A_516 = arith.subf %mul3A_510, %convert_element_type3A_515 : vector<16xf32>
      %gather3A_517 = tpu.vector_load_idx %arg9[%min3A_514] : memref<128xf32, #tpu.memory_space<vmem>>[vector<16xi32>], vector<16xf32>,
      %add3A_518 = arith.constant 1 : i32
      %add3A_519 = vector.broadcast %add3A_518 : i32 to vector<16xi32>
      %add3A_520 = arith.addi %min3A_514, %add3A_519 : vector<16xi32>
      %gather3A_521 = tpu.vector_load_idx %arg9[%add3A_520] : memref<128xf32, #tpu.memory_space<vmem>>[vector<16xi32>], vector<16xf32>,
      %sub3A_522 = arith.subf %gather3A_521, %gather3A_517 : vector<16xf32>
      %mul3A_523 = arith.mulf %sub3A_516, %sub3A_522 : vector<16xf32>
      %add3A_524 = arith.addf %gather3A_517, %mul3A_523 : vector<16xf32>
      %add3A_525 = arith.constant 9.99999996E-13 : f32
      %add3A_526 = vector.broadcast %add3A_525 : f32 to vector<16xf32>
      %add3A_527 = arith.addf %add3A_524, %add3A_526 : vector<16xf32>
      %bitcast3A_528 = vector.bitcast %add3A_527 : vector<16xf32> to vector<16xi32>
      %shift_right_logical3A_529 = arith.constant 23 : i32
      %shift_right_logical3A_530 = vector.broadcast %shift_right_logical3A_529 : i32 to vector<16xi32>
      %shift_right_logical3A_531 = arith.shrui %bitcast3A_528, %shift_right_logical3A_530 : vector<16xi32>
      %and3A_532 = arith.constant 255 : i32
      %and3A_533 = vector.broadcast %and3A_532 : i32 to vector<16xi32>
      %and3A_534 = arith.andi %shift_right_logical3A_531, %and3A_533 : vector<16xi32>
      %sub3A_535 = arith.constant 127 : i32
      %sub3A_536 = vector.broadcast %sub3A_535 : i32 to vector<16xi32>
      %sub3A_537 = arith.subi %and3A_534, %sub3A_536 : vector<16xi32>
      %and3A_538 = arith.constant 8388607 : i32
      %and3A_539 = vector.broadcast %and3A_538 : i32 to vector<16xi32>
      %and3A_540 = arith.andi %bitcast3A_528, %and3A_539 : vector<16xi32>
      %or3A_541 = arith.constant 1065353216 : i32
      %or3A_542 = vector.broadcast %or3A_541 : i32 to vector<16xi32>
      %or3A_543 = arith.ori %and3A_540, %or3A_542 : vector<16xi32>
      %bitcast3A_544 = vector.bitcast %or3A_543 : vector<16xi32> to vector<16xf32>
      %mul3A_545 = arith.constant 0.0434283651 : f32
      %mul3A_546 = vector.broadcast %mul3A_545 : f32 to vector<16xf32>
      %mul3A_547 = arith.mulf %mul3A_546, %bitcast3A_544 : vector<16xf32>
      %add3A_548 = arith.constant -0.404862314 : f32
      %add3A_549 = vector.broadcast %add3A_548 : f32 to vector<16xf32>
      %add3A_550 = arith.addf %mul3A_547, %add3A_549 : vector<16xf32>
      %mul3A_551 = arith.mulf %add3A_550, %bitcast3A_544 : vector<16xf32>
      %add3A_552 = arith.constant 1.59388459 : f32
      %add3A_553 = vector.broadcast %add3A_552 : f32 to vector<16xf32>
      %add3A_554 = arith.addf %mul3A_551, %add3A_553 : vector<16xf32>
      %mul3A_555 = arith.mulf %add3A_554, %bitcast3A_544 : vector<16xf32>
      %add3A_556 = arith.constant -3.49246597 : f32
      %add3A_557 = vector.broadcast %add3A_556 : f32 to vector<16xf32>
      %add3A_558 = arith.addf %mul3A_555, %add3A_557 : vector<16xf32>
      %mul3A_559 = arith.mulf %add3A_558, %bitcast3A_544 : vector<16xf32>
      %add3A_560 = arith.constant 5.04685307 : f32
      %add3A_561 = vector.broadcast %add3A_560 : f32 to vector<16xf32>
      %add3A_562 = arith.addf %mul3A_559, %add3A_561 : vector<16xf32>
      %mul3A_563 = arith.mulf %add3A_562, %bitcast3A_544 : vector<16xf32>
      %add3A_564 = arith.constant -2.78680563 : f32
      %add3A_565 = vector.broadcast %add3A_564 : f32 to vector<16xf32>
      %add3A_566 = arith.addf %mul3A_563, %add3A_565 : vector<16xf32>
      %convert_element_type3A_567 = arith.sitofp %sub3A_537 : vector<16xi32> to vector<16xf32>
      %add3A_568 = arith.addf %convert_element_type3A_567, %add3A_566 : vector<16xf32>
      %mul3A_569 = arith.constant 0.693147182 : f32
      %mul3A_570 = vector.broadcast %mul3A_569 : f32 to vector<16xf32>
      %mul3A_571 = arith.mulf %add3A_568, %mul3A_570 : vector<16xf32>
      %gt3A_572 = arith.constant 1.024000e+03 : f32
      %gt3A_573 = vector.broadcast %gt3A_572 : f32 to vector<16xf32>
      %gt3A_574 = arith.cmpf ogt, %convert_element_type3A_498, %gt3A_573 : vector<16xf32>
      %add3A_575 = arith.addf %mul3A_571, %gather3A : vector<16xf32>
      %select_n3A_576 = arith.select %gt3A_574, %gather3A_12, %add3A_575 : vector<16xi1>, vector<16xf32>
      %add3A_577 = arith.constant 48 : i32
      %add3A_578 = vector.broadcast %add3A_577 : i32 to vector<16xi32>
      %add3A_579 = arith.addi %add3A_578, %iota3A : vector<16xi32>
      %mul3A_580 = arith.constant 0 : i32
      %mul3A_581 = vector.broadcast %mul3A_580 : i32 to vector<16xi32>
      %mul3A_582 = arith.muli %iota3A, %mul3A_581 : vector<16xi32>
      %add3A_583 = arith.constant 1 : i32
      %add3A_584 = vector.broadcast %add3A_583 : i32 to vector<16xi32>
      %add3A_585 = arith.addi %mul3A_582, %add3A_584 : vector<16xi32>
      tpu.vector_store_idx %arg18[%add3A_579, %add3A_585], %select_n3A_576 : memref<1488x2xf32, #tpu.memory_space<vmem>>[vector<16xi32>, vector<16xi32>], vector<16xf32>,
      %dma_start3A_586 = arith.constant 0 : i32
      %dma_start3A_587 = tpu.memref_slice %arg16[%dma_start3A_586] : memref<1488xf32, #tpu.memory_space<vmem>> -> memref<64xf32, #tpu.memory_space<vmem>>
      %dma_start3A_588 = arith.constant 0 : i32
      %dma_start3A_589 = tpu.memref_slice %arg14[%dma_start3A_588] : memref<1488xi32, #tpu.memory_space<vmem>> -> memref<64xi32, #tpu.memory_space<vmem>>
      %dma_start3A_590 = arith.constant 0 : i32
      %dma_start3A_591 = tpu.memref_slice %arg2[%dma_start3A_590] : memref<256000xf32, #tpu.memory_space<hbm>> -> memref<256000xf32, #tpu.memory_space<hbm>>
      tpu.enqueue_indirect_dma source(%dma_start3A_591 : memref<256000xf32, #tpu.memory_space<hbm>>) target(%dma_start3A_587 : memref<64xf32, #tpu.memory_space<vmem>>) offsets(%dma_start3A_589 : memref<64xi32, #tpu.memory_space<vmem>>) semaphore(%arg26 : memref<!tpu.dma_semaphore, #tpu.memory_space<semaphore_mem>>)
      %dma_wait3A_592 = arith.constant 0 : i32
      %dma_wait3A_593 = tpu.memref_slice %arg16[%dma_wait3A_592] : memref<1488xf32, #tpu.memory_space<vmem>> -> memref<64xf32, #tpu.memory_space<vmem>>
      %dma_wait3A_594 = arith.constant 0 : i32
      %dma_wait3A_595 = tpu.memref_slice %arg14[%dma_wait3A_594] : memref<1488xi32, #tpu.memory_space<vmem>> -> memref<64xi32, #tpu.memory_space<vmem>>
      %dma_wait3A_596 = arith.constant 0 : i32
      %dma_wait3A_597 = tpu.memref_slice %arg2[%dma_wait3A_596] : memref<256000xf32, #tpu.memory_space<hbm>> -> memref<256000xf32, #tpu.memory_space<hbm>>
      tpu.wait_indirect_dma semaphore(%arg26 : memref<!tpu.dma_semaphore, #tpu.memory_space<semaphore_mem>>) src(%dma_wait3A_597 : memref<256000xf32, #tpu.memory_space<hbm>>) dst(%dma_wait3A_593 : memref<64xf32, #tpu.memory_space<vmem>>)
      %get3A_598 = arith.constant 0 : index
      %get3A_599 = tpu.vector_load %arg16[%get3A_598] {strides = array<i32>} : memref<1488xf32, #tpu.memory_space<vmem>>, vector<16xf32>,
      %add3A_600 = arith.constant 0 : i32
      %add3A_601 = vector.broadcast %add3A_600 : i32 to vector<16xi32>
      %add3A_602 = arith.addi %add3A_601, %iota3A : vector<16xi32>
      %mul3A_603 = arith.constant 0 : i32
      %mul3A_604 = vector.broadcast %mul3A_603 : i32 to vector<16xi32>
      %mul3A_605 = arith.muli %iota3A, %mul3A_604 : vector<16xi32>
      tpu.vector_store_idx %arg18[%add3A_602, %mul3A_605], %get3A_599 : memref<1488x2xf32, #tpu.memory_space<vmem>>[vector<16xi32>, vector<16xi32>], vector<16xf32>,
      %get3A_606 = arith.constant 16 : index
      %get3A_607 = tpu.vector_load %arg16[%get3A_606] {strides = array<i32>} : memref<1488xf32, #tpu.memory_space<vmem>>, vector<16xf32>,
      %add3A_608 = arith.constant 16 : i32
      %add3A_609 = vector.broadcast %add3A_608 : i32 to vector<16xi32>
      %add3A_610 = arith.addi %add3A_609, %iota3A : vector<16xi32>
      %mul3A_611 = arith.constant 0 : i32
      %mul3A_612 = vector.broadcast %mul3A_611 : i32 to vector<16xi32>
      %mul3A_613 = arith.muli %iota3A, %mul3A_612 : vector<16xi32>
      tpu.vector_store_idx %arg18[%add3A_610, %mul3A_613], %get3A_607 : memref<1488x2xf32, #tpu.memory_space<vmem>>[vector<16xi32>, vector<16xi32>], vector<16xf32>,
      %get3A_614 = arith.constant 32 : index
      %get3A_615 = tpu.vector_load %arg16[%get3A_614] {strides = array<i32>} : memref<1488xf32, #tpu.memory_space<vmem>>, vector<16xf32>,
      %add3A_616 = arith.constant 32 : i32
      %add3A_617 = vector.broadcast %add3A_616 : i32 to vector<16xi32>
      %add3A_618 = arith.addi %add3A_617, %iota3A : vector<16xi32>
      %mul3A_619 = arith.constant 0 : i32
      %mul3A_620 = vector.broadcast %mul3A_619 : i32 to vector<16xi32>
      %mul3A_621 = arith.muli %iota3A, %mul3A_620 : vector<16xi32>
      tpu.vector_store_idx %arg18[%add3A_618, %mul3A_621], %get3A_615 : memref<1488x2xf32, #tpu.memory_space<vmem>>[vector<16xi32>, vector<16xi32>], vector<16xf32>,
      %get3A_622 = arith.constant 48 : index
      %get3A_623 = tpu.vector_load %arg16[%get3A_622] {strides = array<i32>} : memref<1488xf32, #tpu.memory_space<vmem>>, vector<16xf32>,
      %add3A_624 = arith.constant 48 : i32
      %add3A_625 = vector.broadcast %add3A_624 : i32 to vector<16xi32>
      %add3A_626 = arith.addi %add3A_625, %iota3A : vector<16xi32>
      %mul3A_627 = arith.constant 0 : i32
      %mul3A_628 = vector.broadcast %mul3A_627 : i32 to vector<16xi32>
      %mul3A_629 = arith.muli %iota3A, %mul3A_628 : vector<16xi32>
      tpu.vector_store_idx %arg18[%add3A_626, %mul3A_629], %get3A_623 : memref<1488x2xf32, #tpu.memory_space<vmem>>[vector<16xi32>, vector<16xi32>], vector<16xf32>,
      "tpu.region"() ({
        %run_scoped3A = tpu.sem_alloc : memref<!tpu.dma_semaphore, #tpu.memory_space<semaphore_mem>>
        %dma_start3A_630 = arith.constant 0 : i32
        %dma_start3A_631 = arith.constant 0 : i32
        %dma_start3A_632 = tpu.memref_slice %arg18[%dma_start3A_630, %dma_start3A_631] : memref<1488x2xf32, #tpu.memory_space<vmem>> -> memref<64x2xf32, #tpu.memory_space<vmem>>
        %dma_start3A_633 = arith.constant 999936 : i32
        %dma_start3A_634 = arith.constant 0 : i32
        %dma_start3A_635 = tpu.memref_slice %arg7[%dma_start3A_633, %dma_start3A_634] : memref<1000000x2xf32, #tpu.memory_space<hbm>> -> memref<64x2xf32, #tpu.memory_space<hbm>>
        %dma_start3A_636 = arith.constant 999936 : i32
        %dma_start3A_637 = arith.constant 0 : i32
        %dma_start3A_638 = tpu.memref_slice %arg7[%dma_start3A_636, %dma_start3A_637] : memref<1000000x2xf32, #tpu.memory_space<hbm>> -> memref<64x2xf32, #tpu.memory_space<hbm>>
        %dma_start3A_639 = arith.constant 0 : i32
        %dma_start3A_640 = arith.constant 0 : i32
        %dma_start3A_641 = tpu.memref_slice %arg18[%dma_start3A_639, %dma_start3A_640] : memref<1488x2xf32, #tpu.memory_space<vmem>> -> memref<64x2xf32, #tpu.memory_space<vmem>>
        tpu.enqueue_dma source(%dma_start3A_641 : memref<64x2xf32, #tpu.memory_space<vmem>>) target(%dma_start3A_638 : memref<64x2xf32, #tpu.memory_space<hbm>>) target_semaphore(%run_scoped3A : memref<!tpu.dma_semaphore, #tpu.memory_space<semaphore_mem>>)
        %dma_wait3A_642 = arith.constant 0 : i32
        %dma_wait3A_643 = arith.constant 0 : i32
        %dma_wait3A_644 = tpu.memref_slice %arg18[%dma_wait3A_642, %dma_wait3A_643] : memref<1488x2xf32, #tpu.memory_space<vmem>> -> memref<64x2xf32, #tpu.memory_space<vmem>>
        %dma_wait3A_645 = arith.constant 999936 : i32
        %dma_wait3A_646 = arith.constant 0 : i32
        %dma_wait3A_647 = tpu.memref_slice %arg7[%dma_wait3A_645, %dma_wait3A_646] : memref<1000000x2xf32, #tpu.memory_space<hbm>> -> memref<64x2xf32, #tpu.memory_space<hbm>>
        %dma_wait3A_648 = arith.constant 999936 : i32
        %dma_wait3A_649 = arith.constant 0 : i32
        %dma_wait3A_650 = tpu.memref_slice %arg7[%dma_wait3A_648, %dma_wait3A_649] : memref<1000000x2xf32, #tpu.memory_space<hbm>> -> memref<64x2xf32, #tpu.memory_space<hbm>>
        %dma_wait3A_651 = arith.constant 0 : i32
        %dma_wait3A_652 = arith.constant 0 : i32
        %dma_wait3A_653 = tpu.memref_slice %arg18[%dma_wait3A_651, %dma_wait3A_652] : memref<1488x2xf32, #tpu.memory_space<vmem>> -> memref<64x2xf32, #tpu.memory_space<vmem>>
        tpu.wait_dma2 semaphore(%run_scoped3A : memref<!tpu.dma_semaphore, #tpu.memory_space<semaphore_mem>>) src(%dma_wait3A_653 : memref<64x2xf32, #tpu.memory_space<vmem>>) dst(%dma_wait3A_650 : memref<64x2xf32, #tpu.memory_space<hbm>>)
        tpu.yield
      }) : () -> ()
    } else {
    }
    return
  }
}

module attributes {stable_mosaic.version = 14 : i64} {
  func.func @_table_body(%arg0: i32, %arg1: memref<64xi32, #tpu.memory_space<smem>>, %arg2: memref<1x1x500xf32, #tpu.memory_space<vmem>>, %arg3: memref<1x8x500xf32, #tpu.memory_space<vmem>>, %arg4: memref<1x8x500xf32, #tpu.memory_space<vmem>>) attributes {dimension_semantics = [#tpu.dimension_semantics<arbitrary>], iteration_bounds = array<i64: 64>, scalar_prefetch = 1 : i64, scratch_operands = 0 : i64, tpu.core_type = #tpu.core_type<tc>, window_params = [{transform_indices = @transform_0, window_bounds = array<i64: 1, 1, 500>}, {transform_indices = @transform_1, window_bounds = array<i64: 1, 8, 500>}, {transform_indices = @transform_2, window_bounds = array<i64: 1, 8, 500>}]} {
    %get3A = arith.constant 0 : index
    %get3A_0 = arith.constant 0 : index
    %get3A_1 = arith.constant 0 : index
    %get3A_2 = vector.load %arg2[%get3A, %get3A_0, %get3A_1] : memref<1x1x500xf32, #tpu.memory_space<vmem>>, vector<1x1x500xf32>
    %get3A_3 = vector.shape_cast %get3A_2 : vector<1x1x500xf32> to vector<1x500xf32>
    %get3A_4 = arith.constant 0 : index
    %get3A_5 = arith.constant 0 : index
    %get3A_6 = arith.constant 0 : index
    %get3A_7 = vector.load %arg3[%get3A_4, %get3A_5, %get3A_6] : memref<1x8x500xf32, #tpu.memory_space<vmem>>, vector<1x8x500xf32>
    %get3A_8 = vector.shape_cast %get3A_7 : vector<1x8x500xf32> to vector<8x500xf32>
    %add3A = vector.broadcast %get3A_3 : vector<1x500xf32> to vector<8x500xf32>
    %add3A_9 = arith.addf %add3A, %get3A_8 : vector<8x500xf32>
    %reduce_max3A = arith.constant dense<0xFF800000> : vector<8xf32>
    %reduce_max3A_10 = vector.multi_reduction <maximumf>, %add3A_9, %reduce_max3A [1] : vector<8x500xf32> to vector<8xf32>
    %broadcast_in_dim3A = vector.shape_cast %reduce_max3A_10 : vector<8xf32> to vector<8x1xf32>
    %sub3A = vector.broadcast %broadcast_in_dim3A : vector<8x1xf32> to vector<8x500xf32>
    %sub3A_11 = arith.subf %add3A_9, %sub3A : vector<8x500xf32>
    %exp3A = math.exp %sub3A_11 : vector<8x500xf32>
    %reduce_sum3A = arith.constant dense<0.000000e+00> : vector<8xf32>
    %reduce_sum3A_12 = vector.multi_reduction <add>, %exp3A, %reduce_sum3A [1] : vector<8x500xf32> to vector<8xf32>
    %broadcast_in_dim3A_13 = vector.shape_cast %reduce_sum3A_12 : vector<8xf32> to vector<8x1xf32>
    %log3A = math.log %broadcast_in_dim3A_13 : vector<8x1xf32>
    %add3A_14 = arith.addf %broadcast_in_dim3A, %log3A : vector<8x1xf32>
    %sub3A_15 = vector.broadcast %add3A_14 : vector<8x1xf32> to vector<8x500xf32>
    %sub3A_16 = arith.subf %add3A_9, %sub3A_15 : vector<8x500xf32>
    %swap3A = arith.constant 0 : index
    %swap3A_17 = arith.constant 0 : index
    %swap3A_18 = arith.constant 0 : index
    %swap3A_19 = vector.load %arg4[%swap3A, %swap3A_17, %swap3A_18] : memref<1x8x500xf32, #tpu.memory_space<vmem>>, vector<1x8x500xf32>
    %swap3A_20 = vector.shape_cast %swap3A_19 : vector<1x8x500xf32> to vector<8x500xf32>
    %swap3A_21 = vector.shape_cast %sub3A_16 : vector<8x500xf32> to vector<1x8x500xf32>
    tpu.vector_store %arg4[%swap3A, %swap3A_17, %swap3A_18], %swap3A_21 {strides = array<i32>} : memref<1x8x500xf32, #tpu.memory_space<vmem>>, vector<1x8x500xf32>,
    return
  }
  func.func @transform_0(%arg0: i32, %arg1: memref<64xi32, #tpu.memory_space<smem>>) -> (i32, i32, i32) {
    %get3A = arith.index_cast %arg0 : i32 to index
    %get3A_0 = memref.load %arg1[%get3A] : memref<64xi32, #tpu.memory_space<smem>>
    %c0_i32 = arith.constant 0 : i32
    %c0_i32_1 = arith.constant 0 : i32
    %c0_i32_2 = arith.constant 0 : i32
    return %get3A_0, %c0_i32, %c0_i32_1 : i32, i32, i32
  }
  func.func @transform_1(%arg0: i32, %arg1: memref<64xi32, #tpu.memory_space<smem>>) -> (i32, i32, i32) {
    %get3A = arith.index_cast %arg0 : i32 to index
    %get3A_0 = memref.load %arg1[%get3A] : memref<64xi32, #tpu.memory_space<smem>>
    %c0_i32 = arith.constant 0 : i32
    %c0_i32_1 = arith.constant 0 : i32
    %c0_i32_2 = arith.constant 0 : i32
    return %get3A_0, %c0_i32, %c0_i32_1 : i32, i32, i32
  }
  func.func @transform_2(%arg0: i32, %arg1: memref<64xi32, #tpu.memory_space<smem>>) -> (i32, i32, i32) {
    %c0_i32 = arith.constant 0 : i32
    %c0_i32_0 = arith.constant 0 : i32
    %c0_i32_1 = arith.constant 0 : i32
    return %arg0, %c0_i32, %c0_i32_0 : i32, i32, i32
  }
}

</mosaic_0001>

<sc_bundles>
// kernel: kernel.4.cloned.1.call-start
scs
__scs_entry_jumppad:
0x0: {  	(pc) =	sbr.rel $0x88, $3  }
0x1: {  	(tag) =	ssettag $0x0;
	lr =	simm.s32 $0x1  }
0x2: {  	[smem:$0x3F96] =	sst lr;
	_ =	strace $0xD0000000  }
0x3: {  	_ = 	snop  }
0x4: {  	_ = 	snop  }
0x5: {  	_ = 	snop  }
0x6: {  	_ = 	snop  }
0x7: {  	_ = 	snop  }
__scs_overlays_trampoline_lowered:
0x8: {  	[smem:$0x3FA5] =	sst s0  }
0x9: {  	[smem:$0x3FA6] =	sst s1  }
0xa: {  	[smem:$0x3FA7] =	sst s2  }
0xb: {  	[smem:$0x3FA8] =	sst s3  }
0xc: {  	[smem:$0x3FA9] =	sst s4  }
0xd: {  	[smem:$0x3FAA] =	sst s5  }
0xe: {  	[smem:$0x3FAB] =	sst s6  }
0xf: {  	[smem:$0x3FAC] =	sst s7  }
0x10: {  	[smem:$0x3FAD] =	sst s8  }
0x11: {  	[smem:$0x3FAE] =	sst s9;
	s0 =	simm.s32 @!p0 $0x0  }
0x12: {  	s1 =	sld [smem:$0x3F94];
	s0 =	simm.s32 @p0 $0x1  }
0x13: {  	[smem:$0x3FAF] =	sst s0;
	s0 =	simm.s32 @!p1 $0x0  }
0x14: {  	s2 =	sld [smem:$0x3F93];
	s0 =	simm.s32 @p1 $0x1  }
0x15: {  	[smem:$0x3FB0] =	sst s0;
	s0 =	simm.s32 @!p2 $0x0  }
0x16: {  	s3 =	sld [smem:$0x3FDB];
	s0 =	simm.s32 @p2 $0x1  }
0x17: {  	s4 =	simm.s32 $0x1BF5;
	[smem:$0x3FB2] =	sst s0  }
0x18: {  	s0 =	sld [smem:$0x3F95];
	_ =	swait.ge [sflag:s4], $0x0  }
0x19: {  	s7 =	sld [smem:$0x3F96]  }
0x1a: {  	s8 =	sadd.s32 $0xFFFFE003, lr  }
0x1b: {  	s9 =	sadd.s32 $0xFFFFFEF7, lr;
	s5 =	simm.s32 $0xFFFFFFFF;
	p2 =	slt.u32 s8, $0xFFFFF086  }
0x1c: {  	p1 =	slt.u32 s9, $0xF7A;
	s5 =	simm.s32 @!p2 $0x0  }
0x1d: {  	s5 =	simm.s32 @p1 $0x1;
	p0 =	seq.s32 s7, s2  }
0x1e: {  	s7 =	smul.u32 @!p0 $0xF7A, s2;
	p2 =	seq.s32 @!p0 s5, $0x0  }
0x1f: {  	s9 =	smul.u32 $0xF7A, s1;
	s8 =	simm.s32 @!p0 $0x1BF5;
	p2 =	por !p2, p0  }
0x20: {  	[sflag:s8] =	ssyncset.s32 @!p0 $0xFFFFF086;
	s6 =	sadd.s32 @!p0 s3, s7;
	s7 =	simm.s32 @!p0 $0x108  }
0x21: {  	s3 =	sadd.s32 s3, s9;
	s6 =	sadd.s32 @!p0 $0x88, s6;
	s7 =	simm.s32 @p2 $0x1082  }
0x22: {  	[simem:s7], [sflag:s8] =	dma.local @!p0 [hbm:s6], $0xF7A  }
0x23: {  	s9 =	sor.u32 $0xD0000000, s2;
	s6 =	simm.s32 $0x108;
	_ =	swait.ge @!p0 [sflag:s8], $0x0  }
0x24: {  	s3 =	sadd.s32 $0x88, s3;
	s6 =	simm.s32 @!p1 $0x1082;
	[sflag:s4] =	ssyncset.s32 $0xFFFFF086  }
0x25: {  	[simem:s6], [sflag:s4] =	dma.local [hbm:s3], $0xF7A  }
0x26: {  	[smem:$0x3F96] =	sst s1;
	(tag) =	ssettag s2;
	_ =	strace s9  }
0x27: {  	s1 =	sld [smem:$0x3FA6]  }
0x28: {  	s2 =	sld [smem:$0x3FA7]  }
0x29: {  	s4 =	sld [smem:$0x3FA9]  }
0x2a: {  	p0 =	seq.s32 s5, $0x0;
	s5 =	sld [smem:$0x3FAA]  }
0x2b: {  	s6 =	sld [smem:$0x3FAB]  }
0x2c: {  	s7 =	sld [smem:$0x3FAC]  }
0x2d: {  	s3 =	simm.s32 $0x108;
	s8 =	sld [smem:$0x3FAD]  }
0x2e: {  	s3 =	simm.s32 @!p0 $0x1082;
	s9 =	sld [smem:$0x3FAE]  }
0x2f: {  	lr =	sadd.s32 s0, s3;
	s0 =	sld [smem:$0x3FA5]  }
0x30: {  	s3 =	sld [smem:$0x3FA8]  }
0x31: {  	[smem:$0x3FB1] =	sst s10  }
0x32: {  	s10 =	sld [smem:$0x3FAF];
	_ =	sdelay $0x3  }
0x33: {  	p0 =	seq.s32 s10, $0x1;
	s10 =	sld [smem:$0x3FB1];
	_ =	sdelay $0x3  }
0x34: {  	[smem:$0x3FB1] =	sst s10  }
0x35: {  	s10 =	sld [smem:$0x3FB0];
	_ =	sdelay $0x3  }
0x36: {  	p1 =	seq.s32 s10, $0x1;
	s10 =	sld [smem:$0x3FB1];
	_ =	sdelay $0x3  }
0x37: {  	[smem:$0x3FB1] =	sst s10  }
0x38: {  	s10 =	sld [smem:$0x3FB2]  }
0x39: {  	_ = 	snop;
	(pc) =	sbr.ind lr, $3  }
0x3a: {  	_ = 	snop  }
0x3b: {  	_ = 	snop  }
0x3c: {  	p2 =	seq.s32 s10, $0x1;
	s10 =	sld [smem:$0x3FB1]  }
0x3d: {  	_ =	shalt  }
0x3e: {  	_ =	shalt  }
0x3f: {  	_ =	shalt  }
0x40: {  	_ =	shalt  }
0x41: {  	_ =	shalt  }
0x42: {  	_ =	shalt  }
0x43: {  	_ =	shalt  }
0x44: {  	_ =	shalt  }
0x45: {  	_ =	shalt  }
0x46: {  	_ =	shalt  }
0x47: {  	_ =	shalt  }
0x48: {  	_ =	shalt  }
0x49: {  	_ =	shalt  }
0x4a: {  	_ =	shalt  }
0x4b: {  	_ =	shalt  }
0x4c: {  	_ =	shalt  }
0x4d: {  	_ =	shalt  }
0x4e: {  	_ =	shalt  }
0x4f: {  	_ =	shalt  }
0x50: {  	_ =	shalt  }
0x51: {  	_ =	shalt  }
0x52: {  	_ =	shalt  }
0x53: {  	_ =	shalt  }
0x54: {  	_ =	shalt  }
0x55: {  	_ =	shalt  }
0x56: {  	_ =	shalt  }
0x57: {  	_ =	shalt  }
0x58: {  	_ =	shalt  }
0x59: {  	_ =	shalt  }
0x5a: {  	_ =	shalt  }
0x5b: {  	_ =	shalt  }
0x5c: {  	_ =	shalt  }
0x5d: {  	_ =	shalt  }
0x5e: {  	_ =	shalt  }
0x5f: {  	_ =	shalt  }
0x60: {  	_ =	shalt  }
0x61: {  	_ =	shalt  }
0x62: {  	_ =	shalt  }
0x63: {  	_ =	shalt  }
0x64: {  	_ =	shalt  }
0x65: {  	_ =	shalt  }
0x66: {  	_ =	shalt  }
0x67: {  	_ =	shalt  }
0x68: {  	_ =	shalt  }
0x69: {  	_ =	shalt  }
0x6a: {  	_ =	shalt  }
0x6b: {  	_ =	shalt  }
0x6c: {  	_ =	shalt  }
0x6d: {  	_ =	shalt  }
0x6e: {  	_ =	shalt  }
0x6f: {  	_ =	shalt  }
0x70: {  	_ =	shalt  }
0x71: {  	_ =	shalt  }
0x72: {  	_ =	shalt  }
0x73: {  	_ =	shalt  }
0x74: {  	_ =	shalt  }
0x75: {  	_ =	shalt  }
0x76: {  	_ =	shalt  }
0x77: {  	_ =	shalt  }
0x78: {  	_ =	shalt  }
0x79: {  	_ =	shalt  }
0x7a: {  	_ =	shalt  }
0x7b: {  	_ =	shalt  }
0x7c: {  	_ =	shalt  }
0x7d: {  	_ =	shalt  }
0x7e: {  	_ =	shalt  }
0x7f: {  	_ =	shalt  }
0x80: {  	_ =	shalt  }
0x81: {  	_ =	shalt  }
0x82: {  	_ =	shalt  }
0x83: {  	_ =	shalt  }
0x84: {  	_ =	shalt  }
0x85: {  	_ =	shalt  }
0x86: {  	_ =	shalt  }
0x87: {  	_ =	shalt  }
.Lfunc_end0:
.L_simem_size_0:
called_computation_lowered:
.L_overlay_start_0:
0x88: {  	s2 =	sld [smem:$0x3FD9]  }
0x89: {  	s3 =	sld [smem:$0x3FFE];
	_ =	sdelay $0x1  }
0x8a: {  	s1 =	srdreg.scid  }
0x8b: {  	s0 =	sand.u32 $0x1, s1  }
0x8c: {  	s17 =	sshll.u32 s0, $0xA;
	s2 =	sadd.s32 s3, s2  }
0x8d: {  	s2 =	sadd.s32 s2, s17  }
0x8e: {  	[smem:$0x3FBD] =	sst s2  }
0x8f: {  	_ = 	snop  }
0x90: {  	s2 =	sld [smem:$0x3FD0];
	(tm) =	ssettm $0x1  }
0x91: {  	s18 =	sld [smem:$0x3FFB];
	_ =	sdelay $0x3  }
0x92: {  	_ =	strace s18  }
0x93: {  	s3 =	sld [smem:$0x3FFC];
	_ =	sdelay $0x3  }
0x94: {  	_ =	strace s3  }
0x95: {  	s3 =	sld [smem:$0x3FFD];
	_ =	sdelay $0x3  }
0x96: {  	_ =	strace s3  }
0x97: {  	_ =	strace $0x8FFFFFFF  }
0x98: {  	s19 =	sld [smem:$0x3FDB];
	_ =	sdelay $0x1  }
0x99: {  	s4 =	simm.s32 $_scs_section_size  }
0x9a: {  	s5 =	simm.s32 $_size__tile_overlayer_lowered;
	s6 =	simm.s32 $_tile_overlayer_lowered  }
0x9b: {  	s22 =	simm.s32 $0x1BFF;
	s21 =	sshll.u32 s6, $0x1;
	s3 =	sadd.s32 s4, s19  }
0x9c: {  	s7 =	simm.s32 $0x0;
	s20 =	sshll.u32 s5, $0x1;
	s5 =	sadd.s32 s21, s3  }
0x9d: {  	[timem:s7], [sflag:s22] =	dma.local [hbm:s5], s20  }
0x9e: {  	_ =	swait.ge [sflag:s22], s20  }
0x9f: {  	s4 =	ssub.s32 $0x0, s20;
	[sflag:s22] =	ssyncset.done $0x0  }
0xa0: {  	[sflag:s22] =	ssyncadd.s32 s4;
	_ =	sdelay $0x1  }
0xa1: {  	s23 =	simm.s32 $0x1B8B  }
0xa2: {  	_ =	swait.ge [sflag:s23], $0x1  }
0xa3: {  	[sflag:s23] =	ssyncset.done $0x0  }
0xa4: {  	s25 =	simm.s32 $0x1B8E;
	s24 =	sld [smem:$0x3FFE];
	[sflag:s23] =	ssyncadd.s32 $0xFFFFFFFF  }
0xa5: {  	s26 =	simm.s32 $execute0_lowered;
	[smem:$0x3FD2] =	sst s25  }
0xa6: {  	s5 =	sshll.u32 s26, $0x1;
	_ =	strace $0x80000046;
	[dreg:$0x1] =	wrdreg $0xFFFFFFFF  }
0xa7: {  	s28 =	simm.s32 $_size_execute0_lowered;
	s3 =	sadd.s32 s3, s5;
	[dreg:$0x0] =	wrdreg $0x0  }
0xa8: {  	s5 =	sshll.u32 s28, $0x1;
	[dreg:$0x2] =	wrdreg s3  }
0xa9: {  	[dreg:$0x3] =	wrdreg s5  }
0xaa: {  	[dreg:$0x4] =	wrdreg $0xC0  }
0xab: {  	_ =	task [dreg:s7], $0x5FFFF  }
0xac: {  	[dreg:$0x1] =	wrdreg $0xFFFFFFFF  }
0xad: {  	[dreg:$0x0] =	wrdreg $0x60  }
0xae: {  	[dreg:$0x2] =	wrdreg s24  }
0xaf: {  	[dreg:$0x3] =	wrdreg s2  }
0xb0: {  	[dreg:$0x4] =	wrdreg $0x9  }
0xb1: {  	_ =	task.clear_ibuf [dreg:s7], $0x5FFFF;
	_ =	strace $0x90000046  }
0xb2: {  	s29 =	simm.s32 $0x9;
	_ =	strace $0x80000048  }
0xb3: {  	_ =	swait.ge [sflag:s29], $0x1  }
0xb4: {  	[sflag:s29] =	ssyncadd.s32 $0xFFFFFFFF  }
0xb5: {  	_ =	strace $0x90000048  }
0xb6: {  	_ =	sfence  }
0xb7: {  	s30 =	sld [smem:$0x0];
	_ =	sdelay $0x2  }
0xb8: {  	s31 =	sshll.u32 s1, $0xD;
	s1 =	sshrl.u32 s1, $0x2  }
0xb9: {  	s3 =	sand.u32 $0x4000, s31;
	s1 =	sadd.s32 s1, s30  }
0xba: {  	s0 =	sor.u32 s3, s0;
	s1 =	sshll.u32 s1, $0x11  }
0xbb: {  	s0 =	sor.u32 s1, s0  }
0xbc: {  	s0 =	sadd.s32 $0x8F2B, s0  }
0xbd: {  	[sflag:s0] =	ssyncadd.remote.s32 $0x1  }
0xbe: {  	_ =	sfence.sel $0xFFFF  }
0xbf: {  	[dreg:$0x0] =	wrdreg $0xFFFFFFFF;
	(pc) =	sbr.abs _section_cstart, $3  }
0xc0: {  	[dreg:$0x1] =	wrdreg $0xFFFFFFFF  }
0xc1: {  	_ =	task.clear_ibuf [dreg:s7], $0x2FFFF;
	_ =	strace $0x9FFFFFFF  }
0xc2: {  	(tm) =	ssettm $0x7FFFFFFF  }
0xc3: {  	_ =	shalt  }
tec
execute0_lowered:
.L_overlay_start_1:
0x0: {  	(tag) =	ssettag $0x1  }
0x1: {  	s0 =	rddreg [dreg:$0x0]  }
0x2: {  	s2 =	rddreg [dreg:$0x1]  }
0x3: {  	s3 =	simm.s32 $0x0;
	s1 =	srdreg.scid;
	s4 =	stileid.u32  }
0x4: {  	s28 =	simm.s32 $0x1;
	s29 =	simm.s32 $0x3;
	s30 =	simm.s32 $0x33E8  }
0x5: {  	s31 =	simm.s32 $0x5D0;
	s17 =	simm.s32 $0x2;
	[smem:$0x7FF] =	sst s3  }
0x6: {  	s1 =	sand.u32 $0x1, s1;
	s5 =	sshll.u32 s4, $0x1;
	s4 =	sadd.s32 $0x1200, s0  }
0x7: {  	s6 =	sadd.s32 $0x9000, s0;
	s8 =	sadd.s32 $0xA00, s0;
	s9 =	sadd.s32 $0x27C00, s0  }
0x8: {  	s24 =	sadd.s32 $0x1E840, s2;
	_ =	strace $0x80000047;
	[dreg:$0x3] =	wrdreg s6  }
0x9: {  	s25 =	sadd.s32 $0x27A40, s0;
	s5 =	sor.u32 s1, s5;
	[dreg:$0x4] =	wrdreg s8  }
0xa: {  	s1 =	ssub.s32 $0x2, s1;
	s6 =	sadd.s32 $0x9200, s0;
	[dreg:$0xa] =	wrdreg s24  }
0xb: {  	[dreg:$0xb] =	wrdreg s25;
	s0 =	sadd.s32 $0x11BE00, s0;
	s24 =	simm.s32 $0x1108  }
0xc: {  	s8 =	simm.s32 $0x8;
	s7 =	smul.u32 $0x7A10, s5;
	s18 =	sshrl.u32 s1, $0x1  }
0xd: {  	s13 =	smul.u32 $0x3D080, s5;
	[dreg:$0xc] =	wrdreg s0;
	p0 =	sne.s32 s5, $0x0  }
0xe: {  	s0 =	simm.s32 $0x1CA8;
	s5 =	simm.s32 $0x7;
	s1 =	ssub.s32 s1, s18  }
0xf: {  	s18 =	simm.s32 $0x4;
	s19 =	sadd.s32 $0x5D0, s7;
	s10 =	sshrl.u32 s7, $0x3  }
0x10: {  	s22 =	sshrl.u32 s13, $0x3;
	s13 =	sadd.s32 s9, s7;
	s14 =	sadd.s32 $0x1170, s7  }
0x11: {  	s26 =	smax.u32 s1, $0x1;
	s1 =	simm.s32 $0x2848;
	s11 =	sshrl.u32 s19, $0x3  }
0x12: {  	s12 =	sadd.s32 s2, s10;
	s10 =	sadd.s32 s6, s10;
	s23 =	sadd.s32 s9, s22  }
0x13: {  	s15 =	sadd.s32 s9, s19;
	[dreg:$0xd] =	wrdreg s26;
	s22 =	simm.s32 $0x4E8  }
.Ltmp0:
0x14: {  	s19 =	simm.s32 $0x6268;
	[dreg:$0x5] =	wrdreg s12;
	(pc) =	sbr.rel .LBB2_1-.Ltmp0, $4  }
0x15: {  	s26 =	simm.s32 $0x2E18;
	[dreg:$0x6] =	wrdreg s10;
	s20 =	sadd.s32 s2, s11  }
0x16: {  	s21 =	sadd.s32 s6, s11;
	s12 =	sadd.s32 $0xBA0, s7;
	[dreg:$0x7] =	wrdreg s20  }
0x17: {  	v2 =	vlaneseq.u32;
	s7 =	sadd.s32 $0x7440, s23;
	s23 =	simm.s32 $0x568;
	[dreg:$0x8] =	wrdreg s21  }
0x18: {  	v0 =	vimm.s32 $0x5;
	v1 =	vimm.s32 $0x6;
	v2 =	vmul.u32 $0x8, v2;
	s11 =	simm.s32 $0x0;
	[dreg:$0x9] =	wrdreg s7;
	s7 =	simm.s32 $0x5  }
.LBB2_17:
0x19: {  	s11 =	sadd.s32 $0x1, s11;
	s9 =	rddreg [dreg:$0xd]  }
0x1a: {  	p1 =	sne.s32 s11, s9  }
.Ltmp1:
0x1b: {  	_ = 	snop;
	(pc) =	sbr.rel @!p1 .LBB2_18-.Ltmp1, $1  }
0x1c: {  	_ =	sdelay $0x3  }
.LBB2_1:
0x1d: {  	[dreg:$0xe] =	wrdreg s11  }
0x1e: {  	s9 =	rddreg [dreg:$0x3];
	s10 =	simm.s32 $0x9  }
0x1f: {  	[tilespmem:s3], [sflag:$0x9] =	stream.linear.gather [hbm4b:s9+s3], $0x4E8, $0x38;
	[tilespmem:$0x90E8] =	vst v63  }
0x20: {  	_ =	swait.ge [sflag:s10], $0x4E8  }
0x21: {  	[sflag:s10] =	ssyncset.done $0x0  }
0x22: {  	s25 =	rddreg [dreg:$0x4];
	[sflag:s10] =	ssyncadd.s32 $0xFFFFFB18  }
0x23: {  	[tilespmem:s22], [sflag:$0x9] =	stream.linear.gather [hbm4b:s25+s3], $0x80, $0x38;
	[tilespmem:$0x90E8] =	vst v63  }
0x24: {  	_ =	swait.ge [sflag:s10], $0x80  }
0x25: {  	[sflag:s10] =	ssyncset.done $0x0  }
0x26: {  	[sflag:s10] =	ssyncadd.s32 $0xFFFFFF80  }
0x27: {  	s10 =	rddreg [dreg:$0x5];
	v4 =	vld.idx.msk [tilespmem:v0+s22+$0x0], $0xffff  }
0x28: {  	v3 =	vld.idx.msk [tilespmem:v1+s22+$0x0], $0xffff;
	[tilespmem:s23], [sflag:$0x1] =	stream.linear.gather [hbm4b:s10+s3], $0x5D0, $0x38  }
0x29: {  	s11 =	rddreg [dreg:$0x6]  }
0x2a: {  	[tilespmem:s24], [sflag:$0x3] =	stream.linear.gather [hbm4b:s11+s3], $0x5D0, $0x38;
	[tilespmem:$0x90E8] =	vst v63  }
0x2b: {  	s20 =	simm.s32 $0xB38;
	s16 =	rddreg [dreg:$0x7]  }
0x2c: {  	[tilespmem:s20], [sflag:$0x2] =	stream.linear.gather [hbm4b:s16+s3], $0x5D0, $0x38;
	[tilespmem:$0x90E8] =	vst v63  }
0x2d: {  	s25 =	simm.s32 $0x16D8;
	s21 =	rddreg [dreg:$0x8]  }
0x2e: {  	[tilespmem:s25], [sflag:$0x4] =	stream.linear.gather [hbm4b:s21+s3], $0x5D0, $0x38;
	[tilespmem:$0x90E8] =	vst v63  }
0x2f: {  	_ =	swait.ge [sflag:s28], $0x5D0  }
0x30: {  	[sflag:s28] =	ssyncset.done $0x0  }
0x31: {  	[sflag:s28] =	ssyncadd.s32 $0xFFFFFA30  }
0x32: {  	_ =	swait.ge [sflag:s29], $0x5D0  }
0x33: {  	s9 =	simm.s32 $0x1128;
	s11 =	simm.s32 $0x20;
	[sflag:s29] =	ssyncset.done $0x0  }
0x34: {  	s16 =	simm.s32 $0x588;
	s20 =	simm.s32 $0x1CC8;
	[sflag:s29] =	ssyncadd.s32 $0xFFFFFA30  }
.LBB2_2:
0x35: {  	v5 =	vld [tilespmem:s9+$0xFFFFFFE0]  }
0x36: {  	v6 =	vld [tilespmem:s16+$0xFFFFFFE0];
	_ =	sdelay $0x3  }
0x37: {  	v7 =	vshrl.u32 v5, $0x3  }
0x38: {  	v8 =	vshrl.u32 v6, $0x11;
	v7 =	vand.u32 $0x7FF, v7  }
0x39: {  	v8 =	vcvt.s32.f32 v8;
	_ =	sdelay $0x1  }
0x3a: {  	v8 =	vmul.f32 $9.765625000e-04, v8;
	_ =	sdelay $0x1  }
0x3b: {  	v8 =	vmin.f32 v8, $1.000000000e+00;
	v7 =	vld.idx.msk [tilespmem:v7+s3+$0x0], $0xffff  }
0x3c: {  	v8 =	vmul.f32 $4.000000000e+00, v8;
	_ =	sdelay $0x1  }
0x3d: {  	v9 =	vshll.u32 v5, $0x2;
	v10 =	vtrunc.f32 v8  }
0x3e: {  	v9 =	vand.u32 $0x1C, v9;
	v10 =	vcvt.f32.s32 v10  }
0x3f: {  	v5 =	vshrl.u32 v5, $0xB;
	v7 =	vshrl.u32 v7, v9  }
0x40: {  	v5 =	vand.u32 $0x1FFFF8, v5;
	vm0 =	vlt.s32 v10, $0x3;
	v7 =	vand.u32 $0x7, v7  }
0x41: {  	v49 =	vnsel vm0, $0x3, v10;
	v5 =	vor.u32 v5, v7;
	v7 =	vand.u32 $0x1FFF8, v6  }
0x42: {  	v10 =	vadd.s32 $0x1, v49;
	v7 =	vmulhi.u32 $0x147AE15, v7;
	v5 =	vmul.u32 $0x1F4, v5;
	_ =	sdelay $0x1  }
0x43: {  	v5 =	vadd.s32 v7, v5  }
0x44: {  	[tilespmem:s20+$0xFFFFFFE0] =	vst v5  }
0x45: {  	v5 =	vld.idx.msk [tilespmem:v49+s22+$0x0], $0xffff  }
0x46: {  	v7 =	vld.idx.msk [tilespmem:v10+s22+$0x0], $0xffff;
	_ =	sdelay $0x2  }
0x47: {  	v9 =	vcvt.s32.f32 v49;
	_ =	sdelay $0x1  }
0x48: {  	v8 =	vsub.f32 v8, v9;
	v7 =	vsub.f32 v7, v5;
	_ =	sdelay $0x1  }
0x49: {  	v7 =	vmul.f32 v8, v7;
	_ =	sdelay $0x1  }
0x4a: {  	v5 =	vadd.f32 v7, v5;
	_ =	sdelay $0x1  }
0x4b: {  	v5 =	vadd.f32 $9.999999960e-13, v5;
	_ =	sdelay $0x1  }
0x4c: {  	v7 =	vand.u32 $0x7FFFFF, v5  }
0x4d: {  	v7 =	vor.u32 $0x3F800000, v7  }
0x4e: {  	v50 =	vmul.f32 $4.342836510e-02, v7;
	_ =	sdelay $0x1  }
0x4f: {  	v8 =	vadd.f32 $-4.048623140e-01, v50;
	_ =	sdelay $0x1  }
0x50: {  	v8 =	vmul.f32 v7, v8;
	_ =	sdelay $0x1  }
0x51: {  	v8 =	vadd.f32 $1.593884590e+00, v8;
	_ =	sdelay $0x1  }
0x52: {  	v8 =	vmul.f32 v7, v8;
	_ =	sdelay $0x1  }
0x53: {  	v8 =	vadd.f32 $-3.492465970e+00, v8;
	_ =	sdelay $0x1  }
0x54: {  	v8 =	vmul.f32 v7, v8;
	_ =	sdelay $0x1  }
0x55: {  	v8 =	vadd.f32 $5.046853070e+00, v8  }
0x56: {  	v5 =	vshrl.u32 v5, $0x17  }
0x57: {  	v5 =	vand.u32 $0xFF, v5;
	v7 =	vmul.f32 v7, v8  }
0x58: {  	v5 =	vadd.s32 $0xFFFFFF81, v5  }
0x59: {  	s10 =	sadd.s32 $0xFFFFFFE0, s11;
	v5 =	vcvt.s32.f32 v5;
	v7 =	vadd.f32 $-2.786805630e+00, v7  }
0x5a: {  	v51 =	vmov s10  }
0x5b: {  	v5 =	vadd.f32 v5, v7;
	v7 =	vshll.u32 v51, $0x3  }
0x5c: {  	v7 =	vor.u32 v2, v7  }
0x5d: {  	v5 =	vmul.f32 $6.931471820e-01, v5;
	v7 =	vor.u32 $0x1, v7;
	_ =	sdelay $0x1  }
0x5e: {  	v5 =	vadd.f32 v5, v4  }
0x5f: {  	vm11 =	vgt.u32 v6, $0x801FFFF  }
0x60: {  	v5 =	vsel vm11, v3, v5  }
0x61: {  	[tilespmem:v7+s30+$0x0] =	vst.idx.msk $0xffff, v5  }
0x62: {  	v5 =	vld [tilespmem:s9+$0xFFFFFFF0]  }
0x63: {  	v6 =	vld [tilespmem:s16+$0xFFFFFFF0];
	_ =	sdelay $0x3  }
0x64: {  	v7 =	vshrl.u32 v5, $0x3  }
0x65: {  	v52 =	vshrl.u32 v6, $0x11;
	v7 =	vand.u32 $0x7FF, v7  }
0x66: {  	v8 =	vcvt.s32.f32 v52;
	_ =	sdelay $0x1  }
0x67: {  	v8 =	vmul.f32 $9.765625000e-04, v8;
	_ =	sdelay $0x1  }
0x68: {  	v8 =	vmin.f32 v8, $1.000000000e+00;
	v7 =	vld.idx.msk [tilespmem:v7+s3+$0x0], $0xffff  }
0x69: {  	v8 =	vmul.f32 $4.000000000e+00, v8;
	_ =	sdelay $0x1  }
0x6a: {  	v53 =	vshll.u32 v5, $0x2;
	v54 =	vtrunc.f32 v8  }
0x6b: {  	v9 =	vand.u32 $0x1C, v53;
	v10 =	vcvt.f32.s32 v54  }
0x6c: {  	v5 =	vshrl.u32 v5, $0xB;
	v7 =	vshrl.u32 v7, v9  }
0x6d: {  	v5 =	vand.u32 $0x1FFFF8, v5;
	vm12 =	vlt.s32 v10, $0x3;
	v7 =	vand.u32 $0x7, v7  }
0x6e: {  	v55 =	vnsel vm12, $0x3, v10;
	v5 =	vor.u32 v5, v7;
	v7 =	vand.u32 $0x1FFF8, v6  }
0x6f: {  	v10 =	vadd.s32 $0x1, v55;
	v7 =	vmulhi.u32 $0x147AE15, v7;
	v5 =	vmul.u32 $0x1F4, v5;
	_ =	sdelay $0x1  }
0x70: {  	v5 =	vadd.s32 v7, v5  }
0x71: {  	[tilespmem:s20+$0xFFFFFFF0] =	vst v5  }
0x72: {  	v5 =	vld.idx.msk [tilespmem:v55+s22+$0x0], $0xffff  }
0x73: {  	v7 =	vld.idx.msk [tilespmem:v10+s22+$0x0], $0xffff;
	_ =	sdelay $0x2  }
0x74: {  	v9 =	vcvt.s32.f32 v55;
	_ =	sdelay $0x1  }
0x75: {  	v8 =	vsub.f32 v8, v9;
	v7 =	vsub.f32 v7, v5;
	_ =	sdelay $0x1  }
0x76: {  	v7 =	vmul.f32 v8, v7;
	_ =	sdelay $0x1  }
0x77: {  	v5 =	vadd.f32 v7, v5;
	_ =	sdelay $0x1  }
0x78: {  	v5 =	vadd.f32 $9.999999960e-13, v5;
	_ =	sdelay $0x1  }
0x79: {  	v7 =	vand.u32 $0x7FFFFF, v5  }
0x7a: {  	v7 =	vor.u32 $0x3F800000, v7  }
0x7b: {  	v56 =	vmul.f32 $4.342836510e-02, v7;
	_ =	sdelay $0x1  }
0x7c: {  	v8 =	vadd.f32 $-4.048623140e-01, v56;
	_ =	sdelay $0x1  }
0x7d: {  	v8 =	vmul.f32 v7, v8;
	_ =	sdelay $0x1  }
0x7e: {  	v8 =	vadd.f32 $1.593884590e+00, v8;
	_ =	sdelay $0x1  }
0x7f: {  	v8 =	vmul.f32 v7, v8;
	_ =	sdelay $0x1  }
0x80: {  	v8 =	vadd.f32 $-3.492465970e+00, v8;
	_ =	sdelay $0x1  }
0x81: {  	v8 =	vmul.f32 v7, v8;
	_ =	sdelay $0x1  }
0x82: {  	v8 =	vadd.f32 $5.046853070e+00, v8  }
0x83: {  	v5 =	vshrl.u32 v5, $0x17  }
0x84: {  	v5 =	vand.u32 $0xFF, v5;
	v7 =	vmul.f32 v7, v8  }
0x85: {  	v5 =	vadd.s32 $0xFFFFFF81, v5  }
0x86: {  	s25 =	sadd.s32 $0xFFFFFFF0, s11;
	v5 =	vcvt.s32.f32 v5;
	v7 =	vadd.f32 $-2.786805630e+00, v7  }
0x87: {  	v57 =	vmov s25  }
0x88: {  	v5 =	vadd.f32 v5, v7;
	v7 =	vshll.u32 v57, $0x3  }
0x89: {  	v7 =	vor.u32 v2, v7  }
0x8a: {  	v5 =	vmul.f32 $6.931471820e-01, v5;
	v7 =	vor.u32 $0x1, v7;
	_ =	sdelay $0x1  }
0x8b: {  	v5 =	vadd.f32 v5, v4  }
0x8c: {  	vm13 =	vgt.u32 v6, $0x801FFFF  }
0x8d: {  	v5 =	vsel vm13, v3, v5  }
0x8e: {  	[tilespmem:v7+s30+$0x0] =	vst.idx.msk $0xffff, v5  }
0x8f: {  	v5 =	vld [tilespmem:s9+$0x0]  }
0x90: {  	v6 =	vld [tilespmem:s16+$0x0];
	_ =	sdelay $0x3  }
0x91: {  	v7 =	vshrl.u32 v5, $0x3  }
0x92: {  	v58 =	vshrl.u32 v6, $0x11;
	v7 =	vand.u32 $0x7FF, v7  }
0x93: {  	v8 =	vcvt.s32.f32 v58;
	_ =	sdelay $0x1  }
0x94: {  	v8 =	vmul.f32 $9.765625000e-04, v8;
	_ =	sdelay $0x1  }
0x95: {  	v8 =	vmin.f32 v8, $1.000000000e+00;
	v7 =	vld.idx.msk [tilespmem:v7+s3+$0x0], $0xffff  }
0x96: {  	v8 =	vmul.f32 $4.000000000e+00, v8;
	_ =	sdelay $0x1  }
0x97: {  	v59 =	vshll.u32 v5, $0x2;
	v60 =	vtrunc.f32 v8  }
0x98: {  	v9 =	vand.u32 $0x1C, v59;
	v10 =	vcvt.f32.s32 v60  }
0x99: {  	v5 =	vshrl.u32 v5, $0xB;
	v7 =	vshrl.u32 v7, v9  }
0x9a: {  	v5 =	vand.u32 $0x1FFFF8, v5;
	vm14 =	vlt.s32 v10, $0x3;
	v7 =	vand.u32 $0x7, v7  }
0x9b: {  	v61 =	vnsel vm14, $0x3, v10;
	v5 =	vor.u32 v5, v7;
	v7 =	vand.u32 $0x1FFF8, v6  }
0x9c: {  	v10 =	vadd.s32 $0x1, v61;
	v7 =	vmulhi.u32 $0x147AE15, v7;
	v5 =	vmul.u32 $0x1F4, v5;
	_ =	sdelay $0x1  }
0x9d: {  	v5 =	vadd.s32 v7, v5  }
0x9e: {  	[tilespmem:s20+$0x0] =	vst v5  }
0x9f: {  	v5 =	vld.idx.msk [tilespmem:v61+s22+$0x0], $0xffff  }
0xa0: {  	v7 =	vld.idx.msk [tilespmem:v10+s22+$0x0], $0xffff;
	_ =	sdelay $0x2  }
0xa1: {  	v9 =	vcvt.s32.f32 v61;
	_ =	sdelay $0x1  }
0xa2: {  	v8 =	vsub.f32 v8, v9;
	v7 =	vsub.f32 v7, v5;
	_ =	sdelay $0x1  }
0xa3: {  	v7 =	vmul.f32 v8, v7;
	_ =	sdelay $0x1  }
0xa4: {  	v5 =	vadd.f32 v7, v5;
	_ =	sdelay $0x1  }
0xa5: {  	v5 =	vadd.f32 $9.999999960e-13, v5;
	_ =	sdelay $0x1  }
0xa6: {  	v7 =	vand.u32 $0x7FFFFF, v5  }
0xa7: {  	v7 =	vor.u32 $0x3F800000, v7  }
0xa8: {  	v62 =	vmul.f32 $4.342836510e-02, v7;
	_ =	sdelay $0x1  }
0xa9: {  	v8 =	vadd.f32 $-4.048623140e-01, v62;
	_ =	sdelay $0x1  }
0xaa: {  	v8 =	vmul.f32 v7, v8;
	_ =	sdelay $0x1  }
0xab: {  	v8 =	vadd.f32 $1.593884590e+00, v8;
	_ =	sdelay $0x1  }
0xac: {  	v8 =	vmul.f32 v7, v8;
	_ =	sdelay $0x1  }
0xad: {  	v8 =	vadd.f32 $-3.492465970e+00, v8;
	_ =	sdelay $0x1  }
0xae: {  	v8 =	vmul.f32 v7, v8;
	_ =	sdelay $0x1  }
0xaf: {  	v8 =	vadd.f32 $5.046853070e+00, v8  }
0xb0: {  	v5 =	vshrl.u32 v5, $0x17  }
0xb1: {  	v5 =	vand.u32 $0xFF, v5;
	v7 =	vmul.f32 v7, v8  }
0xb2: {  	v5 =	vadd.s32 $0xFFFFFF81, v5  }
0xb3: {  	v5 =	vcvt.s32.f32 v5;
	v7 =	vadd.f32 $-2.786805630e+00, v7  }
0xb4: {  	v63 =	vmov s11  }
0xb5: {  	v5 =	vadd.f32 v5, v7;
	v7 =	vshll.u32 v63, $0x3  }
0xb6: {  	v7 =	vor.u32 v2, v7  }
0xb7: {  	p1 =	sne.s32 s11, $0x5C0;
	v5 =	vmul.f32 $6.931471820e-01, v5;
	v7 =	vor.u32 $0x1, v7  }
.Ltmp2:
0xb8: {  	_ = 	snop;
	(pc) =	sbr.rel @p1 .LBB2_2-.Ltmp2, $4  }
0xb9: {  	v5 =	vadd.f32 v5, v4  }
0xba: {  	vm15 =	vgt.u32 v6, $0x801FFFF  }
0xbb: {  	s11 =	sadd.s32 $0x30, s11;
	v5 =	vsel vm15, v3, v5  }
0xbc: {  	s16 =	sadd.s32 $0x30, s16;
	s9 =	sadd.s32 $0x30, s9;
	s20 =	sadd.s32 $0x30, s20;
	[tilespmem:v7+s30+$0x0] =	vst.idx.msk $0xffff, v5  }
0xbd: {  	[tilespmem:s1], [sflag:$0x7] =	stream.indirect.gather [hbm4b:s4+s31], $0x1, s0, s31, $0xb8;
	[tilespmem:$0x90E8] =	vst v63  }
0xbe: {  	s11 =	simm.s32 $0x0  }
.LBB2_4:
0xbf: {  	s16 =	smul.u32 $0xBA0, s11;
	_ =	sdelay $0x1  }
0xc0: {  	s9 =	sadd.s32 s16, s12  }
0xc1: {  	s9 =	sshrl.u32 s9, $0x3  }
0xc2: {  	s10 =	sadd.s32 s2, s9  }
0xc3: {  	[tilespmem:s23], [sflag:$0x1] =	stream.linear.gather [hbm4b:s10+s3], $0x5D0, $0x38;
	[tilespmem:$0x90E8] =	vst v63  }
0xc4: {  	s9 =	sadd.s32 s6, s9  }
0xc5: {  	[tilespmem:s24], [sflag:$0x3] =	stream.linear.gather [hbm4b:s9+s3], $0x5D0, $0x38;
	[tilespmem:$0x90E8] =	vst v63  }
0xc6: {  	_ =	swait.ge [sflag:s17], $0x5D0  }
0xc7: {  	[sflag:s17] =	ssyncset.done $0x0  }
0xc8: {  	[sflag:s17] =	ssyncadd.s32 $0xFFFFFA30  }
0xc9: {  	_ =	swait.ge [sflag:s18], $0x5D0  }
0xca: {  	p1 =	seq.s32 s11, $0x0;
	[sflag:s18] =	ssyncset.done $0x0  }
0xcb: {  	s9 =	simm.s32 @!p1 $0x6;
	[sflag:s18] =	ssyncadd.s32 $0xFFFFFA30  }
0xcc: {  	_ =	swait.ge @!p1 [sflag:s9], $0x2E80  }
0xcd: {  	s20 =	simm.s32 $0x20;
	s21 =	simm.s32 $0x16F8;
	[sflag:s9] =	ssyncset.done @!p1 $0x0  }
0xce: {  	s10 =	simm.s32 $0x2298;
	[sflag:s9] =	ssyncadd.s32 @!p1 $0xFFFFD180;
	s9 =	simm.s32 $0xB58  }
.LBB2_5:
0xcf: {  	v5 =	vld [tilespmem:s21+$0xFFFFFFE0]  }
0xd0: {  	v6 =	vld [tilespmem:s9+$0xFFFFFFE0];
	_ =	sdelay $0x3  }
0xd1: {  	v7 =	vshrl.u32 v5, $0x3  }
0xd2: {  	v8 =	vshrl.u32 v6, $0x11;
	v7 =	vand.u32 $0x7FF, v7  }
0xd3: {  	v8 =	vcvt.s32.f32 v8;
	_ =	sdelay $0x1  }
0xd4: {  	v8 =	vmul.f32 $9.765625000e-04, v8;
	_ =	sdelay $0x1  }
0xd5: {  	v8 =	vmin.f32 v8, $1.000000000e+00;
	v7 =	vld.idx.msk [tilespmem:v7+s3+$0x0], $0xffff  }
0xd6: {  	v8 =	vmul.f32 $4.000000000e+00, v8;
	_ =	sdelay $0x1  }
0xd7: {  	v9 =	vshll.u32 v5, $0x2;
	v10 =	vtrunc.f32 v8  }
0xd8: {  	v9 =	vand.u32 $0x1C, v9;
	v10 =	vcvt.f32.s32 v10  }
0xd9: {  	v5 =	vshrl.u32 v5, $0xB;
	v7 =	vshrl.u32 v7, v9  }
0xda: {  	v5 =	vand.u32 $0x1FFFF8, v5;
	vm0 =	vlt.s32 v10, $0x3;
	v7 =	vand.u32 $0x7, v7  }
0xdb: {  	v49 =	vnsel vm0, $0x3, v10;
	v5 =	vor.u32 v5, v7;
	v7 =	vand.u32 $0x1FFF8, v6  }
0xdc: {  	v10 =	vadd.s32 $0x1, v49;
	v7 =	vmulhi.u32 $0x147AE15, v7;
	v5 =	vmul.u32 $0x1F4, v5;
	_ =	sdelay $0x1  }
0xdd: {  	v5 =	vadd.s32 v7, v5  }
0xde: {  	[tilespmem:s10+$0xFFFFFFE0] =	vst v5  }
0xdf: {  	v5 =	vld.idx.msk [tilespmem:v49+s22+$0x0], $0xffff  }
0xe0: {  	v7 =	vld.idx.msk [tilespmem:v10+s22+$0x0], $0xffff;
	_ =	sdelay $0x2  }
0xe1: {  	v9 =	vcvt.s32.f32 v49;
	_ =	sdelay $0x1  }
0xe2: {  	v8 =	vsub.f32 v8, v9;
	v7 =	vsub.f32 v7, v5;
	_ =	sdelay $0x1  }
0xe3: {  	v7 =	vmul.f32 v8, v7;
	_ =	sdelay $0x1  }
0xe4: {  	v5 =	vadd.f32 v7, v5;
	_ =	sdelay $0x1  }
0xe5: {  	v5 =	vadd.f32 $9.999999960e-13, v5;
	_ =	sdelay $0x1  }
0xe6: {  	v7 =	vand.u32 $0x7FFFFF, v5  }
0xe7: {  	v7 =	vor.u32 $0x3F800000, v7  }
0xe8: {  	v50 =	vmul.f32 $4.342836510e-02, v7;
	_ =	sdelay $0x1  }
0xe9: {  	v8 =	vadd.f32 $-4.048623140e-01, v50;
	_ =	sdelay $0x1  }
0xea: {  	v8 =	vmul.f32 v7, v8;
	_ =	sdelay $0x1  }
0xeb: {  	v8 =	vadd.f32 $1.593884590e+00, v8;
	_ =	sdelay $0x1  }
0xec: {  	v8 =	vmul.f32 v7, v8;
	_ =	sdelay $0x1  }
0xed: {  	v8 =	vadd.f32 $-3.492465970e+00, v8;
	_ =	sdelay $0x1  }
0xee: {  	v8 =	vmul.f32 v7, v8;
	_ =	sdelay $0x1  }
0xef: {  	v8 =	vadd.f32 $5.046853070e+00, v8  }
0xf0: {  	v5 =	vshrl.u32 v5, $0x17  }
0xf1: {  	v5 =	vand.u32 $0xFF, v5;
	v7 =	vmul.f32 v7, v8  }
0xf2: {  	v5 =	vadd.s32 $0xFFFFFF81, v5  }
0xf3: {  	s25 =	sadd.s32 $0xFFFFFFE0, s20;
	v5 =	vcvt.s32.f32 v5;
	v7 =	vadd.f32 $-2.786805630e+00, v7  }
0xf4: {  	v51 =	vmov s25  }
0xf5: {  	v5 =	vadd.f32 v5, v7;
	v7 =	vshll.u32 v51, $0x3  }
0xf6: {  	v7 =	vor.u32 v2, v7  }
0xf7: {  	v5 =	vmul.f32 $6.931471820e-01, v5;
	v7 =	vor.u32 $0x1, v7;
	_ =	sdelay $0x1  }
0xf8: {  	v5 =	vadd.f32 v5, v4  }
0xf9: {  	vm11 =	vgt.u32 v6, $0x801FFFF  }
0xfa: {  	v5 =	vsel vm11, v3, v5  }
0xfb: {  	[tilespmem:v7+s19+$0x0] =	vst.idx.msk $0xffff, v5  }
0xfc: {  	v5 =	vld [tilespmem:s21+$0xFFFFFFF0]  }
0xfd: {  	v6 =	vld [tilespmem:s9+$0xFFFFFFF0];
	_ =	sdelay $0x3  }
0xfe: {  	v7 =	vshrl.u32 v5, $0x3  }
0xff: {  	v52 =	vshrl.u32 v6, $0x11;
	v7 =	vand.u32 $0x7FF, v7  }
0x100: {  	v8 =	vcvt.s32.f32 v52;
	_ =	sdelay $0x1  }
0x101: {  	v8 =	vmul.f32 $9.765625000e-04, v8;
	_ =	sdelay $0x1  }
0x102: {  	v8 =	vmin.f32 v8, $1.000000000e+00;
	v7 =	vld.idx.msk [tilespmem:v7+s3+$0x0], $0xffff  }
0x103: {  	v8 =	vmul.f32 $4.000000000e+00, v8;
	_ =	sdelay $0x1  }
0x104: {  	v53 =	vshll.u32 v5, $0x2;
	v54 =	vtrunc.f32 v8  }
0x105: {  	v9 =	vand.u32 $0x1C, v53;
	v10 =	vcvt.f32.s32 v54  }
0x106: {  	v5 =	vshrl.u32 v5, $0xB;
	v7 =	vshrl.u32 v7, v9  }
0x107: {  	v5 =	vand.u32 $0x1FFFF8, v5;
	vm12 =	vlt.s32 v10, $0x3;
	v7 =	vand.u32 $0x7, v7  }
0x108: {  	v55 =	vnsel vm12, $0x3, v10;
	v5 =	vor.u32 v5, v7;
	v7 =	vand.u32 $0x1FFF8, v6  }
0x109: {  	v10 =	vadd.s32 $0x1, v55;
	v7 =	vmulhi.u32 $0x147AE15, v7;
	v5 =	vmul.u32 $0x1F4, v5;
	_ =	sdelay $0x1  }
0x10a: {  	v5 =	vadd.s32 v7, v5  }
0x10b: {  	[tilespmem:s10+$0xFFFFFFF0] =	vst v5  }
0x10c: {  	v5 =	vld.idx.msk [tilespmem:v55+s22+$0x0], $0xffff  }
0x10d: {  	v7 =	vld.idx.msk [tilespmem:v10+s22+$0x0], $0xffff;
	_ =	sdelay $0x2  }
0x10e: {  	v9 =	vcvt.s32.f32 v55;
	_ =	sdelay $0x1  }
0x10f: {  	v8 =	vsub.f32 v8, v9;
	v7 =	vsub.f32 v7, v5;
	_ =	sdelay $0x1  }
0x110: {  	v7 =	vmul.f32 v8, v7;
	_ =	sdelay $0x1  }
0x111: {  	v5 =	vadd.f32 v7, v5;
	_ =	sdelay $0x1  }
0x112: {  	v5 =	vadd.f32 $9.999999960e-13, v5;
	_ =	sdelay $0x1  }
0x113: {  	v7 =	vand.u32 $0x7FFFFF, v5  }
0x114: {  	v7 =	vor.u32 $0x3F800000, v7  }
0x115: {  	v56 =	vmul.f32 $4.342836510e-02, v7;
	_ =	sdelay $0x1  }
0x116: {  	v8 =	vadd.f32 $-4.048623140e-01, v56;
	_ =	sdelay $0x1  }
0x117: {  	v8 =	vmul.f32 v7, v8;
	_ =	sdelay $0x1  }
0x118: {  	v8 =	vadd.f32 $1.593884590e+00, v8;
	_ =	sdelay $0x1  }
0x119: {  	v8 =	vmul.f32 v7, v8;
	_ =	sdelay $0x1  }
0x11a: {  	v8 =	vadd.f32 $-3.492465970e+00, v8;
	_ =	sdelay $0x1  }
0x11b: {  	v8 =	vmul.f32 v7, v8;
	_ =	sdelay $0x1  }
0x11c: {  	v8 =	vadd.f32 $5.046853070e+00, v8  }
0x11d: {  	v5 =	vshrl.u32 v5, $0x17  }
0x11e: {  	v5 =	vand.u32 $0xFF, v5;
	v7 =	vmul.f32 v7, v8  }
0x11f: {  	v5 =	vadd.s32 $0xFFFFFF81, v5  }
0x120: {  	s25 =	sadd.s32 $0xFFFFFFF0, s20;
	v5 =	vcvt.s32.f32 v5;
	v7 =	vadd.f32 $-2.786805630e+00, v7  }
0x121: {  	v57 =	vmov s25  }
0x122: {  	v5 =	vadd.f32 v5, v7;
	v7 =	vshll.u32 v57, $0x3  }
0x123: {  	v7 =	vor.u32 v2, v7  }
0x124: {  	v5 =	vmul.f32 $6.931471820e-01, v5;
	v7 =	vor.u32 $0x1, v7;
	_ =	sdelay $0x1  }
0x125: {  	v5 =	vadd.f32 v5, v4  }
0x126: {  	vm13 =	vgt.u32 v6, $0x801FFFF  }
0x127: {  	v5 =	vsel vm13, v3, v5  }
0x128: {  	[tilespmem:v7+s19+$0x0] =	vst.idx.msk $0xffff, v5  }
0x129: {  	v5 =	vld [tilespmem:s21+$0x0]  }
0x12a: {  	v6 =	vld [tilespmem:s9+$0x0];
	_ =	sdelay $0x3  }
0x12b: {  	v7 =	vshrl.u32 v5, $0x3  }
0x12c: {  	v58 =	vshrl.u32 v6, $0x11;
	v7 =	vand.u32 $0x7FF, v7  }
0x12d: {  	v8 =	vcvt.s32.f32 v58;
	_ =	sdelay $0x1  }
0x12e: {  	v8 =	vmul.f32 $9.765625000e-04, v8;
	_ =	sdelay $0x1  }
0x12f: {  	v8 =	vmin.f32 v8, $1.000000000e+00;
	v7 =	vld.idx.msk [tilespmem:v7+s3+$0x0], $0xffff  }
0x130: {  	v8 =	vmul.f32 $4.000000000e+00, v8;
	_ =	sdelay $0x1  }
0x131: {  	v59 =	vshll.u32 v5, $0x2;
	v60 =	vtrunc.f32 v8  }
0x132: {  	v9 =	vand.u32 $0x1C, v59;
	v10 =	vcvt.f32.s32 v60  }
0x133: {  	v5 =	vshrl.u32 v5, $0xB;
	v7 =	vshrl.u32 v7, v9  }
0x134: {  	v5 =	vand.u32 $0x1FFFF8, v5;
	vm14 =	vlt.s32 v10, $0x3;
	v7 =	vand.u32 $0x7, v7  }
0x135: {  	v61 =	vnsel vm14, $0x3, v10;
	v5 =	vor.u32 v5, v7;
	v7 =	vand.u32 $0x1FFF8, v6  }
0x136: {  	v10 =	vadd.s32 $0x1, v61;
	v7 =	vmulhi.u32 $0x147AE15, v7;
	v5 =	vmul.u32 $0x1F4, v5;
	_ =	sdelay $0x1  }
0x137: {  	v5 =	vadd.s32 v7, v5  }
0x138: {  	[tilespmem:s10+$0x0] =	vst v5  }
0x139: {  	v5 =	vld.idx.msk [tilespmem:v61+s22+$0x0], $0xffff  }
0x13a: {  	v7 =	vld.idx.msk [tilespmem:v10+s22+$0x0], $0xffff;
	_ =	sdelay $0x2  }
0x13b: {  	v9 =	vcvt.s32.f32 v61;
	_ =	sdelay $0x1  }
0x13c: {  	v8 =	vsub.f32 v8, v9;
	v7 =	vsub.f32 v7, v5;
	_ =	sdelay $0x1  }
0x13d: {  	v7 =	vmul.f32 v8, v7;
	_ =	sdelay $0x1  }
0x13e: {  	v5 =	vadd.f32 v7, v5;
	_ =	sdelay $0x1  }
0x13f: {  	v5 =	vadd.f32 $9.999999960e-13, v5;
	_ =	sdelay $0x1  }
0x140: {  	v7 =	vand.u32 $0x7FFFFF, v5  }
0x141: {  	v7 =	vor.u32 $0x3F800000, v7  }
0x142: {  	v62 =	vmul.f32 $4.342836510e-02, v7;
	_ =	sdelay $0x1  }
0x143: {  	v8 =	vadd.f32 $-4.048623140e-01, v62;
	_ =	sdelay $0x1  }
0x144: {  	v8 =	vmul.f32 v7, v8;
	_ =	sdelay $0x1  }
0x145: {  	v8 =	vadd.f32 $1.593884590e+00, v8;
	_ =	sdelay $0x1  }
0x146: {  	v8 =	vmul.f32 v7, v8;
	_ =	sdelay $0x1  }
0x147: {  	v8 =	vadd.f32 $-3.492465970e+00, v8;
	_ =	sdelay $0x1  }
0x148: {  	v8 =	vmul.f32 v7, v8;
	_ =	sdelay $0x1  }
0x149: {  	v8 =	vadd.f32 $5.046853070e+00, v8  }
0x14a: {  	v5 =	vshrl.u32 v5, $0x17  }
0x14b: {  	v5 =	vand.u32 $0xFF, v5;
	v7 =	vmul.f32 v7, v8  }
0x14c: {  	v5 =	vadd.s32 $0xFFFFFF81, v5  }
0x14d: {  	v5 =	vcvt.s32.f32 v5;
	v7 =	vadd.f32 $-2.786805630e+00, v7  }
0x14e: {  	v63 =	vmov s20  }
0x14f: {  	v5 =	vadd.f32 v5, v7;
	v7 =	vshll.u32 v63, $0x3  }
0x150: {  	v7 =	vor.u32 v2, v7  }
0x151: {  	p1 =	sne.s32 s20, $0x5C0;
	v5 =	vmul.f32 $6.931471820e-01, v5;
	v7 =	vor.u32 $0x1, v7  }
.Ltmp3:
0x152: {  	_ = 	snop;
	(pc) =	sbr.rel @p1 .LBB2_5-.Ltmp3, $4  }
0x153: {  	v5 =	vadd.f32 v5, v4  }
0x154: {  	vm15 =	vgt.u32 v6, $0x801FFFF  }
0x155: {  	s20 =	sadd.s32 $0x30, s20;
	v5 =	vsel vm15, v3, v5  }
0x156: {  	s9 =	sadd.s32 $0x30, s9;
	s21 =	sadd.s32 $0x30, s21;
	s10 =	sadd.s32 $0x30, s10;
	[tilespmem:v7+s19+$0x0] =	vst.idx.msk $0xffff, v5  }
0x157: {  	s9 =	simm.s32 $0x2278  }
0x158: {  	[tilespmem:s26], [sflag:$0x8] =	stream.indirect.gather [hbm4b:s4+s31], $0x1, s9, s31, $0xb8;
	[tilespmem:$0x90E8] =	vst v63  }
0x159: {  	s21 =	simm.s32 $0x0;
	_ =	swait.ge [sflag:s5], $0x5D0  }
0x15a: {  	v5 =	vmov s21;
	[sflag:s5] =	ssyncset.done $0x0  }
0x15b: {  	s9 =	simm.s32 $0x2858;
	v5 =	vshll.u32 v5, $0x3;
	[sflag:s5] =	ssyncadd.s32 $0xFFFFFA30  }
0x15c: {  	v5 =	vor.u32 v2, v5;
	v6 =	vld [tilespmem:s9+$0xFFFFFFF0];
	_ =	sdelay $0x2  }
0x15d: {  	s10 =	simm.s32 $0x10  }
0x15e: {  	v7 =	vmov s10  }
0x15f: {  	[tilespmem:v5+s30+$0x0] =	vst.idx.msk $0xffff, v6;
	v5 =	vshll.u32 v7, $0x3  }
0x160: {  	v6 =	vld [tilespmem:s9+$0x0];
	v5 =	vor.u32 v2, v5;
	_ =	sdelay $0x2  }
0x161: {  	s25 =	simm.s32 $0x20  }
0x162: {  	v7 =	vmov s25  }
0x163: {  	[tilespmem:v5+s30+$0x0] =	vst.idx.msk $0xffff, v6;
	v6 =	vshll.u32 v7, $0x3  }
0x164: {  	v5 =	vld [tilespmem:s9+$0x10];
	v6 =	vor.u32 v2, v6;
	_ =	sdelay $0x2  }
0x165: {  	s20 =	simm.s32 $0x80;
	s10 =	simm.s32 $0x50;
	s21 =	simm.s32 $0x30  }
.LBB2_7:
0x166: {  	p1 =	sne.s32 s20, $0x5C0;
	v7 =	vmov s21  }
0x167: {  	s9 =	sadd.s32 $0x30, s9;
	v7 =	vshll.u32 v7, $0x3;
	[tilespmem:v6+s30+$0x0] =	vst.idx.msk $0xffff, v5  }
0x168: {  	v5 =	vld [tilespmem:s9+$0xFFFFFFF0];
	v6 =	vor.u32 v2, v7;
	_ =	sdelay $0x2  }
0x169: {  	s21 =	sadd.s32 $0xFFFFFFF0, s10  }
0x16a: {  	v7 =	vmov s21  }
0x16b: {  	[tilespmem:v6+s30+$0x0] =	vst.idx.msk $0xffff, v5;
	v5 =	vshll.u32 v7, $0x3  }
0x16c: {  	v6 =	vld [tilespmem:s9+$0x0];
	v5 =	vor.u32 v2, v5;
	_ =	sdelay $0x3  }
0x16d: {  	v7 =	vmov s10;
	s10 =	smov.u32 s20  }
.Ltmp4:
0x16e: {  	[tilespmem:v5+s30+$0x0] =	vst.idx.msk $0xffff, v6;
	v6 =	vshll.u32 v7, $0x3;
	(pc) =	sbr.rel @p1 .LBB2_7-.Ltmp4, $2  }
0x16f: {  	v5 =	vld [tilespmem:s9+$0x10];
	v6 =	vor.u32 v2, v6;
	_ =	sdelay $0x2  }
0x170: {  	s20 =	sadd.s32 $0x30, s20;
	s21 =	sadd.s32 $0xFFFFFFE0, s10  }
0x171: {  	_ =	sdelay $0x2  }
0x172: {  	v7 =	vmov s21  }
0x173: {  	s9 =	sadd.s32 $0x30, s9;
	v7 =	vshll.u32 v7, $0x3;
	[tilespmem:v6+s30+$0x0] =	vst.idx.msk $0xffff, v5  }
0x174: {  	v5 =	vld [tilespmem:s9+$0xFFFFFFF0];
	v6 =	vor.u32 v2, v7;
	_ =	sdelay $0x2  }
0x175: {  	s20 =	sadd.s32 $0xFFFFFFF0, s10  }
0x176: {  	v7 =	vmov s20  }
0x177: {  	[tilespmem:v6+s30+$0x0] =	vst.idx.msk $0xffff, v5;
	v5 =	vshll.u32 v7, $0x3  }
0x178: {  	v6 =	vld [tilespmem:s9+$0x0];
	v5 =	vor.u32 v2, v5;
	_ =	sdelay $0x3  }
0x179: {  	v7 =	vmov s10  }
0x17a: {  	[tilespmem:v5+s30+$0x0] =	vst.idx.msk $0xffff, v6;
	v5 =	vshll.u32 v7, $0x3  }
0x17b: {  	v6 =	vld [tilespmem:s9+$0x10];
	v5 =	vor.u32 v2, v5;
	_ =	sdelay $0x2  }
0x17c: {  	p1 =	seq.s32 s11, $0x9  }
0x17d: {  	s9 =	sadd.s32 @!p1 s16, s14  }
0x17e: {  	s25 =	sadd.s32 s16, s13;
	s9 =	sshrl.u32 @!p1 s9, $0x3;
	[tilespmem:v5+s30+$0x0] =	vst.idx.msk $0xffff, v6  }
0x17f: {  	[hbm4b:s25+s3] =	stream.linear.scatter [tilespmem:s30], [sflag:$0x5], $0x2E80, $0x38;
	[tilespmem:$0x90E8] =	vst v63  }
0x180: {  	s21 =	simm.s32 @!p1 $0xB38;
	s20 =	simm.s32 @!p1 $0x0;
	s10 =	sadd.s32 @!p1 s2, s9  }
0x181: {  	[tilespmem:s21], [sflag:$0x2] =	stream.linear.gather @!p1 [hbm4b:s10+s20], $0x5D0, $0x38;
	[tilespmem:$0x90E8] =	vst v63  }
0x182: {  	s9 =	sadd.s32 @!p1 s6, s9;
	s10 =	simm.s32 @!p1 $0x16D8  }
0x183: {  	[tilespmem:s10], [sflag:$0x4] =	stream.linear.gather @!p1 [hbm4b:s9+s20], $0x5D0, $0x38;
	[tilespmem:$0x90E8] =	vst v63  }
0x184: {  	_ =	swait.ge [sflag:s28], $0x5D0  }
0x185: {  	[sflag:s28] =	ssyncset.done $0x0  }
0x186: {  	[sflag:s28] =	ssyncadd.s32 $0xFFFFFA30  }
0x187: {  	_ =	swait.ge [sflag:s29], $0x5D0  }
0x188: {  	[sflag:s29] =	ssyncset.done $0x0  }
0x189: {  	[sflag:s29] =	ssyncadd.s32 $0xFFFFFA30  }
0x18a: {  	_ =	swait.ge [sflag:s7], $0x2E80  }
0x18b: {  	s21 =	simm.s32 $0x1128;
	s20 =	simm.s32 $0x20;
	[sflag:s7] =	ssyncset.done $0x0  }
0x18c: {  	s9 =	simm.s32 $0x588;
	s10 =	simm.s32 $0x1CC8;
	[sflag:s7] =	ssyncadd.s32 $0xFFFFD180  }
.LBB2_9:
0x18d: {  	v5 =	vld [tilespmem:s21+$0xFFFFFFE0]  }
0x18e: {  	v6 =	vld [tilespmem:s9+$0xFFFFFFE0];
	_ =	sdelay $0x3  }
0x18f: {  	v7 =	vshrl.u32 v5, $0x3  }
0x190: {  	v8 =	vshrl.u32 v6, $0x11;
	v7 =	vand.u32 $0x7FF, v7  }
0x191: {  	v8 =	vcvt.s32.f32 v8;
	_ =	sdelay $0x1  }
0x192: {  	v8 =	vmul.f32 $9.765625000e-04, v8;
	_ =	sdelay $0x1  }
0x193: {  	v8 =	vmin.f32 v8, $1.000000000e+00;
	v7 =	vld.idx.msk [tilespmem:v7+s3+$0x0], $0xffff  }
0x194: {  	v8 =	vmul.f32 $4.000000000e+00, v8;
	_ =	sdelay $0x1  }
0x195: {  	v9 =	vshll.u32 v5, $0x2;
	v10 =	vtrunc.f32 v8  }
0x196: {  	v9 =	vand.u32 $0x1C, v9;
	v10 =	vcvt.f32.s32 v10  }
0x197: {  	v5 =	vshrl.u32 v5, $0xB;
	v7 =	vshrl.u32 v7, v9  }
0x198: {  	v5 =	vand.u32 $0x1FFFF8, v5;
	vm0 =	vlt.s32 v10, $0x3;
	v7 =	vand.u32 $0x7, v7  }
0x199: {  	v49 =	vnsel vm0, $0x3, v10;
	v5 =	vor.u32 v5, v7;
	v7 =	vand.u32 $0x1FFF8, v6  }
0x19a: {  	v10 =	vadd.s32 $0x1, v49;
	v7 =	vmulhi.u32 $0x147AE15, v7;
	v5 =	vmul.u32 $0x1F4, v5;
	_ =	sdelay $0x1  }
0x19b: {  	v5 =	vadd.s32 v7, v5  }
0x19c: {  	[tilespmem:s10+$0xFFFFFFE0] =	vst v5  }
0x19d: {  	v5 =	vld.idx.msk [tilespmem:v49+s22+$0x0], $0xffff  }
0x19e: {  	v7 =	vld.idx.msk [tilespmem:v10+s22+$0x0], $0xffff;
	_ =	sdelay $0x2  }
0x19f: {  	v9 =	vcvt.s32.f32 v49;
	_ =	sdelay $0x1  }
0x1a0: {  	v8 =	vsub.f32 v8, v9;
	v7 =	vsub.f32 v7, v5;
	_ =	sdelay $0x1  }
0x1a1: {  	v7 =	vmul.f32 v8, v7;
	_ =	sdelay $0x1  }
0x1a2: {  	v5 =	vadd.f32 v7, v5;
	_ =	sdelay $0x1  }
0x1a3: {  	v5 =	vadd.f32 $9.999999960e-13, v5;
	_ =	sdelay $0x1  }
0x1a4: {  	v7 =	vand.u32 $0x7FFFFF, v5  }
0x1a5: {  	v7 =	vor.u32 $0x3F800000, v7  }
0x1a6: {  	v50 =	vmul.f32 $4.342836510e-02, v7;
	_ =	sdelay $0x1  }
0x1a7: {  	v8 =	vadd.f32 $-4.048623140e-01, v50;
	_ =	sdelay $0x1  }
0x1a8: {  	v8 =	vmul.f32 v7, v8;
	_ =	sdelay $0x1  }
0x1a9: {  	v8 =	vadd.f32 $1.593884590e+00, v8;
	_ =	sdelay $0x1  }
0x1aa: {  	v8 =	vmul.f32 v7, v8;
	_ =	sdelay $0x1  }
0x1ab: {  	v8 =	vadd.f32 $-3.492465970e+00, v8;
	_ =	sdelay $0x1  }
0x1ac: {  	v8 =	vmul.f32 v7, v8;
	_ =	sdelay $0x1  }
0x1ad: {  	v8 =	vadd.f32 $5.046853070e+00, v8  }
0x1ae: {  	v5 =	vshrl.u32 v5, $0x17  }
0x1af: {  	v5 =	vand.u32 $0xFF, v5;
	v7 =	vmul.f32 v7, v8  }
0x1b0: {  	v5 =	vadd.s32 $0xFFFFFF81, v5  }
0x1b1: {  	s25 =	sadd.s32 $0xFFFFFFE0, s20;
	v5 =	vcvt.s32.f32 v5;
	v7 =	vadd.f32 $-2.786805630e+00, v7  }
0x1b2: {  	v51 =	vmov s25  }
0x1b3: {  	v5 =	vadd.f32 v5, v7;
	v7 =	vshll.u32 v51, $0x3  }
0x1b4: {  	v7 =	vor.u32 v2, v7  }
0x1b5: {  	v5 =	vmul.f32 $6.931471820e-01, v5;
	v7 =	vor.u32 $0x1, v7;
	_ =	sdelay $0x1  }
0x1b6: {  	v5 =	vadd.f32 v5, v4  }
0x1b7: {  	vm11 =	vgt.u32 v6, $0x801FFFF  }
0x1b8: {  	v5 =	vsel vm11, v3, v5  }
0x1b9: {  	[tilespmem:v7+s30+$0x0] =	vst.idx.msk $0xffff, v5  }
0x1ba: {  	v5 =	vld [tilespmem:s21+$0xFFFFFFF0]  }
0x1bb: {  	v6 =	vld [tilespmem:s9+$0xFFFFFFF0];
	_ =	sdelay $0x3  }
0x1bc: {  	v7 =	vshrl.u32 v5, $0x3  }
0x1bd: {  	v52 =	vshrl.u32 v6, $0x11;
	v7 =	vand.u32 $0x7FF, v7  }
0x1be: {  	v8 =	vcvt.s32.f32 v52;
	_ =	sdelay $0x1  }
0x1bf: {  	v8 =	vmul.f32 $9.765625000e-04, v8;
	_ =	sdelay $0x1  }
0x1c0: {  	v8 =	vmin.f32 v8, $1.000000000e+00;
	v7 =	vld.idx.msk [tilespmem:v7+s3+$0x0], $0xffff  }
0x1c1: {  	v8 =	vmul.f32 $4.000000000e+00, v8;
	_ =	sdelay $0x1  }
0x1c2: {  	v53 =	vshll.u32 v5, $0x2;
	v54 =	vtrunc.f32 v8  }
0x1c3: {  	v9 =	vand.u32 $0x1C, v53;
	v10 =	vcvt.f32.s32 v54  }
0x1c4: {  	v5 =	vshrl.u32 v5, $0xB;
	v7 =	vshrl.u32 v7, v9  }
0x1c5: {  	v5 =	vand.u32 $0x1FFFF8, v5;
	vm12 =	vlt.s32 v10, $0x3;
	v7 =	vand.u32 $0x7, v7  }
0x1c6: {  	v55 =	vnsel vm12, $0x3, v10;
	v5 =	vor.u32 v5, v7;
	v7 =	vand.u32 $0x1FFF8, v6  }
0x1c7: {  	v10 =	vadd.s32 $0x1, v55;
	v7 =	vmulhi.u32 $0x147AE15, v7;
	v5 =	vmul.u32 $0x1F4, v5;
	_ =	sdelay $0x1  }
0x1c8: {  	v5 =	vadd.s32 v7, v5  }
0x1c9: {  	[tilespmem:s10+$0xFFFFFFF0] =	vst v5  }
0x1ca: {  	v5 =	vld.idx.msk [tilespmem:v55+s22+$0x0], $0xffff  }
0x1cb: {  	v7 =	vld.idx.msk [tilespmem:v10+s22+$0x0], $0xffff;
	_ =	sdelay $0x2  }
0x1cc: {  	v9 =	vcvt.s32.f32 v55;
	_ =	sdelay $0x1  }
0x1cd: {  	v8 =	vsub.f32 v8, v9;
	v7 =	vsub.f32 v7, v5;
	_ =	sdelay $0x1  }
0x1ce: {  	v7 =	vmul.f32 v8, v7;
	_ =	sdelay $0x1  }
0x1cf: {  	v5 =	vadd.f32 v7, v5;
	_ =	sdelay $0x1  }
0x1d0: {  	v5 =	vadd.f32 $9.999999960e-13, v5;
	_ =	sdelay $0x1  }
0x1d1: {  	v7 =	vand.u32 $0x7FFFFF, v5  }
0x1d2: {  	v7 =	vor.u32 $0x3F800000, v7  }
0x1d3: {  	v56 =	vmul.f32 $4.342836510e-02, v7;
	_ =	sdelay $0x1  }
0x1d4: {  	v8 =	vadd.f32 $-4.048623140e-01, v56;
	_ =	sdelay $0x1  }
0x1d5: {  	v8 =	vmul.f32 v7, v8;
	_ =	sdelay $0x1  }
0x1d6: {  	v8 =	vadd.f32 $1.593884590e+00, v8;
	_ =	sdelay $0x1  }
0x1d7: {  	v8 =	vmul.f32 v7, v8;
	_ =	sdelay $0x1  }
0x1d8: {  	v8 =	vadd.f32 $-3.492465970e+00, v8;
	_ =	sdelay $0x1  }
0x1d9: {  	v8 =	vmul.f32 v7, v8;
	_ =	sdelay $0x1  }
0x1da: {  	v8 =	vadd.f32 $5.046853070e+00, v8  }
0x1db: {  	v5 =	vshrl.u32 v5, $0x17  }
0x1dc: {  	v5 =	vand.u32 $0xFF, v5;
	v7 =	vmul.f32 v7, v8  }
0x1dd: {  	v5 =	vadd.s32 $0xFFFFFF81, v5  }
0x1de: {  	s25 =	sadd.s32 $0xFFFFFFF0, s20;
	v5 =	vcvt.s32.f32 v5;
	v7 =	vadd.f32 $-2.786805630e+00, v7  }
0x1df: {  	v57 =	vmov s25  }
0x1e0: {  	v5 =	vadd.f32 v5, v7;
	v7 =	vshll.u32 v57, $0x3  }
0x1e1: {  	v7 =	vor.u32 v2, v7  }
0x1e2: {  	v5 =	vmul.f32 $6.931471820e-01, v5;
	v7 =	vor.u32 $0x1, v7;
	_ =	sdelay $0x1  }
0x1e3: {  	v5 =	vadd.f32 v5, v4  }
0x1e4: {  	vm13 =	vgt.u32 v6, $0x801FFFF  }
0x1e5: {  	v5 =	vsel vm13, v3, v5  }
0x1e6: {  	[tilespmem:v7+s30+$0x0] =	vst.idx.msk $0xffff, v5  }
0x1e7: {  	v5 =	vld [tilespmem:s21+$0x0]  }
0x1e8: {  	v6 =	vld [tilespmem:s9+$0x0];
	_ =	sdelay $0x3  }
0x1e9: {  	v7 =	vshrl.u32 v5, $0x3  }
0x1ea: {  	v58 =	vshrl.u32 v6, $0x11;
	v7 =	vand.u32 $0x7FF, v7  }
0x1eb: {  	v8 =	vcvt.s32.f32 v58;
	_ =	sdelay $0x1  }
0x1ec: {  	v8 =	vmul.f32 $9.765625000e-04, v8;
	_ =	sdelay $0x1  }
0x1ed: {  	v8 =	vmin.f32 v8, $1.000000000e+00;
	v7 =	vld.idx.msk [tilespmem:v7+s3+$0x0], $0xffff  }
0x1ee: {  	v8 =	vmul.f32 $4.000000000e+00, v8;
	_ =	sdelay $0x1  }
0x1ef: {  	v59 =	vshll.u32 v5, $0x2;
	v60 =	vtrunc.f32 v8  }
0x1f0: {  	v9 =	vand.u32 $0x1C, v59;
	v10 =	vcvt.f32.s32 v60  }
0x1f1: {  	v5 =	vshrl.u32 v5, $0xB;
	v7 =	vshrl.u32 v7, v9  }
0x1f2: {  	v5 =	vand.u32 $0x1FFFF8, v5;
	vm14 =	vlt.s32 v10, $0x3;
	v7 =	vand.u32 $0x7, v7  }
0x1f3: {  	v61 =	vnsel vm14, $0x3, v10;
	v5 =	vor.u32 v5, v7;
	v7 =	vand.u32 $0x1FFF8, v6  }
0x1f4: {  	v10 =	vadd.s32 $0x1, v61;
	v7 =	vmulhi.u32 $0x147AE15, v7;
	v5 =	vmul.u32 $0x1F4, v5;
	_ =	sdelay $0x1  }
0x1f5: {  	v5 =	vadd.s32 v7, v5  }
0x1f6: {  	[tilespmem:s10+$0x0] =	vst v5  }
0x1f7: {  	v5 =	vld.idx.msk [tilespmem:v61+s22+$0x0], $0xffff  }
0x1f8: {  	v7 =	vld.idx.msk [tilespmem:v10+s22+$0x0], $0xffff;
	_ =	sdelay $0x2  }
0x1f9: {  	v9 =	vcvt.s32.f32 v61;
	_ =	sdelay $0x1  }
0x1fa: {  	v8 =	vsub.f32 v8, v9;
	v7 =	vsub.f32 v7, v5;
	_ =	sdelay $0x1  }
0x1fb: {  	v7 =	vmul.f32 v8, v7;
	_ =	sdelay $0x1  }
0x1fc: {  	v5 =	vadd.f32 v7, v5;
	_ =	sdelay $0x1  }
0x1fd: {  	v5 =	vadd.f32 $9.999999960e-13, v5;
	_ =	sdelay $0x1  }
0x1fe: {  	v7 =	vand.u32 $0x7FFFFF, v5  }
0x1ff: {  	v7 =	vor.u32 $0x3F800000, v7  }
0x200: {  	v62 =	vmul.f32 $4.342836510e-02, v7;
	_ =	sdelay $0x1  }
0x201: {  	v8 =	vadd.f32 $-4.048623140e-01, v62;
	_ =	sdelay $0x1  }
0x202: {  	v8 =	vmul.f32 v7, v8;
	_ =	sdelay $0x1  }
0x203: {  	v8 =	vadd.f32 $1.593884590e+00, v8;
	_ =	sdelay $0x1  }
0x204: {  	v8 =	vmul.f32 v7, v8;
	_ =	sdelay $0x1  }
0x205: {  	v8 =	vadd.f32 $-3.492465970e+00, v8;
	_ =	sdelay $0x1  }
0x206: {  	v8 =	vmul.f32 v7, v8;
	_ =	sdelay $0x1  }
0x207: {  	v8 =	vadd.f32 $5.046853070e+00, v8  }
0x208: {  	v5 =	vshrl.u32 v5, $0x17  }
0x209: {  	v5 =	vand.u32 $0xFF, v5;
	v7 =	vmul.f32 v7, v8  }
0x20a: {  	v5 =	vadd.s32 $0xFFFFFF81, v5  }
0x20b: {  	v5 =	vcvt.s32.f32 v5;
	v7 =	vadd.f32 $-2.786805630e+00, v7  }
0x20c: {  	v63 =	vmov s20  }
0x20d: {  	v5 =	vadd.f32 v5, v7;
	v7 =	vshll.u32 v63, $0x3  }
0x20e: {  	v7 =	vor.u32 v2, v7  }
0x20f: {  	p1 =	sne.s32 s20, $0x5C0;
	v5 =	vmul.f32 $6.931471820e-01, v5;
	v7 =	vor.u32 $0x1, v7  }
.Ltmp5:
0x210: {  	_ = 	snop;
	(pc) =	sbr.rel @p1 .LBB2_9-.Ltmp5, $4  }
0x211: {  	v5 =	vadd.f32 v5, v4  }
0x212: {  	vm15 =	vgt.u32 v6, $0x801FFFF  }
0x213: {  	s20 =	sadd.s32 $0x30, s20;
	v5 =	vsel vm15, v3, v5  }
0x214: {  	s9 =	sadd.s32 $0x30, s9;
	s21 =	sadd.s32 $0x30, s21;
	s10 =	sadd.s32 $0x30, s10;
	[tilespmem:v7+s30+$0x0] =	vst.idx.msk $0xffff, v5  }
0x215: {  	[tilespmem:s1], [sflag:$0x7] =	stream.indirect.gather [hbm4b:s4+s31], $0x1, s0, s31, $0xb8;
	[tilespmem:$0x90E8] =	vst v63  }
0x216: {  	s9 =	simm.s32 $0x0;
	_ =	swait.ge [sflag:s8], $0x5D0  }
0x217: {  	v5 =	vmov s9;
	[sflag:s8] =	ssyncset.done $0x0  }
0x218: {  	s9 =	simm.s32 $0x2E28;
	v5 =	vshll.u32 v5, $0x3;
	[sflag:s8] =	ssyncadd.s32 $0xFFFFFA30  }
0x219: {  	v5 =	vor.u32 v2, v5;
	v6 =	vld [tilespmem:s9+$0xFFFFFFF0];
	_ =	sdelay $0x2  }
0x21a: {  	s10 =	simm.s32 $0x10  }
0x21b: {  	v7 =	vmov s10  }
0x21c: {  	[tilespmem:v5+s19+$0x0] =	vst.idx.msk $0xffff, v6;
	v5 =	vshll.u32 v7, $0x3  }
0x21d: {  	v6 =	vld [tilespmem:s9+$0x0];
	v5 =	vor.u32 v2, v5;
	_ =	sdelay $0x2  }
0x21e: {  	s25 =	simm.s32 $0x20  }
0x21f: {  	v7 =	vmov s25  }
0x220: {  	[tilespmem:v5+s19+$0x0] =	vst.idx.msk $0xffff, v6;
	v6 =	vshll.u32 v7, $0x3  }
0x221: {  	v5 =	vld [tilespmem:s9+$0x10];
	v6 =	vor.u32 v2, v6;
	_ =	sdelay $0x2  }
0x222: {  	s21 =	simm.s32 $0x30;
	s20 =	simm.s32 $0x80;
	s10 =	simm.s32 $0x50  }
.LBB2_11:
0x223: {  	p1 =	sne.s32 s20, $0x5C0;
	v7 =	vmov s21  }
0x224: {  	s9 =	sadd.s32 $0x30, s9;
	v7 =	vshll.u32 v7, $0x3;
	[tilespmem:v6+s19+$0x0] =	vst.idx.msk $0xffff, v5  }
0x225: {  	v5 =	vld [tilespmem:s9+$0xFFFFFFF0];
	v6 =	vor.u32 v2, v7;
	_ =	sdelay $0x2  }
0x226: {  	s21 =	sadd.s32 $0xFFFFFFF0, s10  }
0x227: {  	v7 =	vmov s21  }
0x228: {  	[tilespmem:v6+s19+$0x0] =	vst.idx.msk $0xffff, v5;
	v5 =	vshll.u32 v7, $0x3  }
0x229: {  	v6 =	vld [tilespmem:s9+$0x0];
	v5 =	vor.u32 v2, v5;
	_ =	sdelay $0x3  }
0x22a: {  	v7 =	vmov s10;
	s10 =	smov.u32 s20  }
.Ltmp6:
0x22b: {  	[tilespmem:v5+s19+$0x0] =	vst.idx.msk $0xffff, v6;
	v6 =	vshll.u32 v7, $0x3;
	(pc) =	sbr.rel @p1 .LBB2_11-.Ltmp6, $2  }
0x22c: {  	v5 =	vld [tilespmem:s9+$0x10];
	v6 =	vor.u32 v2, v6;
	_ =	sdelay $0x2  }
0x22d: {  	s20 =	sadd.s32 $0x30, s20;
	s21 =	sadd.s32 $0xFFFFFFE0, s10  }
0x22e: {  	_ =	sdelay $0x2  }
0x22f: {  	v7 =	vmov s21  }
0x230: {  	s9 =	sadd.s32 $0x30, s9;
	v7 =	vshll.u32 v7, $0x3;
	[tilespmem:v6+s19+$0x0] =	vst.idx.msk $0xffff, v5  }
0x231: {  	v5 =	vld [tilespmem:s9+$0xFFFFFFF0];
	v6 =	vor.u32 v2, v7;
	_ =	sdelay $0x2  }
0x232: {  	s20 =	sadd.s32 $0xFFFFFFF0, s10  }
0x233: {  	v7 =	vmov s20  }
0x234: {  	[tilespmem:v6+s19+$0x0] =	vst.idx.msk $0xffff, v5;
	v5 =	vshll.u32 v7, $0x3  }
0x235: {  	v6 =	vld [tilespmem:s9+$0x0];
	v5 =	vor.u32 v2, v5;
	_ =	sdelay $0x3  }
0x236: {  	v7 =	vmov s10  }
0x237: {  	[tilespmem:v5+s19+$0x0] =	vst.idx.msk $0xffff, v6;
	v5 =	vshll.u32 v7, $0x3  }
0x238: {  	s11 =	sadd.s32 $0x1, s11;
	v6 =	vld [tilespmem:s9+$0x10];
	v5 =	vor.u32 v2, v5  }
0x239: {  	p1 =	sne.s32 s11, $0xA  }
.Ltmp7:
0x23a: {  	_ = 	snop;
	(pc) =	sbr.rel @p1 .LBB2_4-.Ltmp7, $3  }
0x23b: {  	_ =	sdelay $0x1  }
0x23c: {  	s25 =	sadd.s32 s16, s15;
	[tilespmem:v5+s19+$0x0] =	vst.idx.msk $0xffff, v6  }
0x23d: {  	[hbm4b:s25+s3] =	stream.linear.scatter [tilespmem:s19], [sflag:$0x6], $0x2E80, $0x38;
	[tilespmem:$0x90E8] =	vst v63  }
0x23e: {  	_ =	swait.ge [sflag:s5], $0x5D0;
	s9 =	simm.s32 $0x0  }
0x23f: {  	[sflag:s5] =	ssyncset.done $0x0;
	v5 =	vmov s9  }
0x240: {  	s9 =	simm.s32 $0x2858;
	[sflag:s5] =	ssyncadd.s32 $0xFFFFFA30;
	v5 =	vshll.u32 v5, $0x3  }
0x241: {  	v6 =	vld [tilespmem:s9+$0xFFFFFFF0];
	v5 =	vor.u32 v2, v5;
	_ =	sdelay $0x2  }
0x242: {  	s10 =	simm.s32 $0x10  }
0x243: {  	v7 =	vmov s10  }
0x244: {  	[tilespmem:v5+s30+$0x0] =	vst.idx.msk $0xffff, v6;
	v5 =	vshll.u32 v7, $0x3  }
0x245: {  	v6 =	vld [tilespmem:s9+$0x0];
	v5 =	vor.u32 v2, v5;
	_ =	sdelay $0x2  }
0x246: {  	s25 =	simm.s32 $0x20  }
0x247: {  	v7 =	vmov s25  }
0x248: {  	[tilespmem:v5+s30+$0x0] =	vst.idx.msk $0xffff, v6;
	v6 =	vshll.u32 v7, $0x3  }
0x249: {  	v5 =	vld [tilespmem:s9+$0x10];
	v6 =	vor.u32 v2, v6;
	_ =	sdelay $0x2  }
0x24a: {  	s16 =	simm.s32 $0x30;
	s11 =	simm.s32 $0x80;
	s10 =	simm.s32 $0x50  }
.LBB2_14:
0x24b: {  	p1 =	sne.s32 s11, $0x5C0;
	v7 =	vmov s16  }
0x24c: {  	s9 =	sadd.s32 $0x30, s9;
	v7 =	vshll.u32 v7, $0x3;
	[tilespmem:v6+s30+$0x0] =	vst.idx.msk $0xffff, v5  }
0x24d: {  	v5 =	vld [tilespmem:s9+$0xFFFFFFF0];
	v6 =	vor.u32 v2, v7;
	_ =	sdelay $0x2  }
0x24e: {  	s16 =	sadd.s32 $0xFFFFFFF0, s10  }
0x24f: {  	v7 =	vmov s16  }
0x250: {  	[tilespmem:v6+s30+$0x0] =	vst.idx.msk $0xffff, v5;
	v5 =	vshll.u32 v7, $0x3  }
0x251: {  	v6 =	vld [tilespmem:s9+$0x0];
	v5 =	vor.u32 v2, v5;
	_ =	sdelay $0x3  }
0x252: {  	v7 =	vmov s10;
	s10 =	smov.u32 s11  }
.Ltmp8:
0x253: {  	[tilespmem:v5+s30+$0x0] =	vst.idx.msk $0xffff, v6;
	v6 =	vshll.u32 v7, $0x3;
	(pc) =	sbr.rel @p1 .LBB2_14-.Ltmp8, $2  }
0x254: {  	v5 =	vld [tilespmem:s9+$0x10];
	v6 =	vor.u32 v2, v6;
	_ =	sdelay $0x2  }
0x255: {  	s11 =	sadd.s32 $0x30, s11;
	s16 =	sadd.s32 $0xFFFFFFE0, s10  }
0x256: {  	_ =	sdelay $0x2  }
0x257: {  	v7 =	vmov s16  }
0x258: {  	s9 =	sadd.s32 $0x30, s9;
	v7 =	vshll.u32 v7, $0x3;
	[tilespmem:v6+s30+$0x0] =	vst.idx.msk $0xffff, v5  }
0x259: {  	v5 =	vld [tilespmem:s9+$0xFFFFFFF0];
	v6 =	vor.u32 v2, v7;
	_ =	sdelay $0x2  }
0x25a: {  	s11 =	sadd.s32 $0xFFFFFFF0, s10  }
0x25b: {  	v7 =	vmov s11  }
0x25c: {  	[tilespmem:v6+s30+$0x0] =	vst.idx.msk $0xffff, v5;
	v5 =	vshll.u32 v7, $0x3  }
0x25d: {  	v6 =	vld [tilespmem:s9+$0x0];
	v5 =	vor.u32 v2, v5;
	_ =	sdelay $0x3  }
0x25e: {  	v7 =	vmov s10  }
0x25f: {  	[tilespmem:v5+s30+$0x0] =	vst.idx.msk $0xffff, v6;
	v5 =	vshll.u32 v7, $0x3  }
0x260: {  	v6 =	vld [tilespmem:s9+$0x10];
	v5 =	vor.u32 v2, v5;
	_ =	sdelay $0x4  }
0x261: {  	s21 =	rddreg [dreg:$0x9];
	s25 =	simm.s32 $0x6;
	[tilespmem:v5+s30+$0x0] =	vst.idx.msk $0xffff, v6  }
0x262: {  	[hbm4b:s21+s3] =	stream.linear.scatter [tilespmem:s30], [sflag:$0x5], $0x2E80, $0x38;
	[tilespmem:$0x90E8] =	vst v63  }
0x263: {  	_ =	swait.ge [sflag:s25], $0x2E80  }
.Ltmp9:
0x264: {  	[sflag:s25] =	ssyncset.done $0x0;
	(pc) =	sbr.rel @p0 .LBB2_17-.Ltmp9, $4  }
0x265: {  	[sflag:s25] =	ssyncadd.s32 $0xFFFFD180  }
0x266: {  	_ =	swait.ge [sflag:s7], $0x2E80  }
0x267: {  	[sflag:s7] =	ssyncset.done $0x0  }
0x268: {  	s11 =	rddreg [dreg:$0xe];
	[sflag:s7] =	ssyncadd.s32 $0xFFFFD180  }
0x269: {  	s9 =	rddreg [dreg:$0xa];
	s10 =	simm.s32 $0x9  }
0x26a: {  	[tilespmem:s23], [sflag:$0x9] =	stream.linear.gather [hbm4b:s9+s3], $0x40, $0x38;
	[tilespmem:$0x90E8] =	vst v63  }
0x26b: {  	_ =	swait.ge [sflag:s10], $0x40  }
0x26c: {  	[sflag:s10] =	ssyncset.done $0x0  }
0x26d: {  	s20 =	rddreg [dreg:$0xb];
	[sflag:s10] =	ssyncadd.s32 $0xFFFFFFC0  }
0x26e: {  	[tilespmem:s24], [sflag:$0x9] =	stream.linear.gather [hbm4b:s20+s3], $0x40, $0x38;
	[tilespmem:$0x90E8] =	vst v63  }
0x26f: {  	_ =	swait.ge [sflag:s10], $0x40  }
0x270: {  	[sflag:s10] =	ssyncset.done $0x0  }
0x271: {  	[sflag:s10] =	ssyncadd.s32 $0xFFFFFFC0  }
0x272: {  	v5 =	vld [tilespmem:$0x1108]  }
0x273: {  	v6 =	vld [tilespmem:$0x568];
	_ =	sdelay $0x3  }
0x274: {  	v7 =	vshrl.u32 v5, $0x3  }
0x275: {  	v8 =	vshrl.u32 v6, $0x11;
	v7 =	vand.u32 $0x7FF, v7  }
0x276: {  	v8 =	vcvt.s32.f32 v8;
	_ =	sdelay $0x1  }
0x277: {  	v8 =	vmul.f32 $9.765625000e-04, v8;
	_ =	sdelay $0x1  }
0x278: {  	v8 =	vmin.f32 v8, $1.000000000e+00;
	v7 =	vld.idx.msk [tilespmem:v7+s3+$0x0], $0xffff  }
0x279: {  	v8 =	vmul.f32 $4.000000000e+00, v8;
	_ =	sdelay $0x1  }
0x27a: {  	v9 =	vshll.u32 v5, $0x2;
	v10 =	vtrunc.f32 v8  }
0x27b: {  	v9 =	vand.u32 $0x1C, v9;
	v10 =	vcvt.f32.s32 v10  }
0x27c: {  	v5 =	vshrl.u32 v5, $0xB;
	v7 =	vshrl.u32 v7, v9  }
0x27d: {  	v5 =	vand.u32 $0x1FFFF8, v5;
	vm0 =	vlt.s32 v10, $0x3;
	v7 =	vand.u32 $0x7, v7  }
0x27e: {  	v21 =	vand.u32 $0x1FFF8, v6;
	v22 =	vnsel vm0, $0x3, v10;
	v5 =	vor.u32 v5, v7  }
0x27f: {  	v7 =	vmulhi.u32 $0x147AE15, v21;
	v10 =	vadd.s32 $0x1, v22;
	v5 =	vmul.u32 $0x1F4, v5;
	_ =	sdelay $0x1  }
0x280: {  	v5 =	vadd.s32 v7, v5  }
0x281: {  	[tilespmem:$0x1CA8] =	vst v5  }
0x282: {  	v5 =	vld.idx.msk [tilespmem:v22+s22+$0x0], $0xffff  }
0x283: {  	v23 =	vld.idx.msk [tilespmem:v10+s22+$0x0], $0xffff;
	_ =	sdelay $0x2  }
0x284: {  	v9 =	vcvt.s32.f32 v22;
	_ =	sdelay $0x1  }
0x285: {  	v8 =	vsub.f32 v8, v9;
	v7 =	vsub.f32 v23, v5;
	_ =	sdelay $0x1  }
0x286: {  	v7 =	vmul.f32 v8, v7;
	_ =	sdelay $0x1  }
0x287: {  	v5 =	vadd.f32 v7, v5;
	_ =	sdelay $0x1  }
0x288: {  	v5 =	vadd.f32 $9.999999960e-13, v5;
	_ =	sdelay $0x1  }
0x289: {  	v24 =	vand.u32 $0x7FFFFF, v5  }
0x28a: {  	v7 =	vor.u32 $0x3F800000, v24  }
0x28b: {  	v25 =	vmul.f32 $4.342836510e-02, v7;
	_ =	sdelay $0x1  }
0x28c: {  	v8 =	vadd.f32 $-4.048623140e-01, v25;
	_ =	sdelay $0x1  }
0x28d: {  	v8 =	vmul.f32 v7, v8;
	_ =	sdelay $0x1  }
0x28e: {  	v8 =	vadd.f32 $1.593884590e+00, v8;
	_ =	sdelay $0x1  }
0x28f: {  	v8 =	vmul.f32 v7, v8;
	_ =	sdelay $0x1  }
0x290: {  	v8 =	vadd.f32 $-3.492465970e+00, v8;
	_ =	sdelay $0x1  }
0x291: {  	v8 =	vmul.f32 v7, v8;
	_ =	sdelay $0x1  }
0x292: {  	v8 =	vadd.f32 $5.046853070e+00, v8  }
0x293: {  	v5 =	vshrl.u32 v5, $0x17  }
0x294: {  	v5 =	vand.u32 $0xFF, v5;
	v7 =	vmul.f32 v7, v8  }
0x295: {  	v5 =	vadd.s32 $0xFFFFFF81, v5  }
0x296: {  	v5 =	vcvt.s32.f32 v5;
	v7 =	vadd.f32 $-2.786805630e+00, v7;
	_ =	sdelay $0x1  }
0x297: {  	v5 =	vadd.f32 v5, v7;
	_ =	sdelay $0x1  }
0x298: {  	v26 =	vor.u32 $0x1, v2;
	v5 =	vmul.f32 $6.931471820e-01, v5;
	_ =	sdelay $0x1  }
0x299: {  	v5 =	vadd.f32 v5, v4  }
0x29a: {  	vm9 =	vgt.u32 v6, $0x801FFFF  }
0x29b: {  	v5 =	vsel vm9, v3, v5  }
0x29c: {  	[tilespmem:v26+s30+$0x0] =	vst.idx.msk $0xffff, v5  }
0x29d: {  	v5 =	vld [tilespmem:$0x1118]  }
0x29e: {  	v27 =	vld [tilespmem:$0x578];
	_ =	sdelay $0x3  }
0x29f: {  	v28 =	vshrl.u32 v5, $0x3  }
0x2a0: {  	v29 =	vshrl.u32 v27, $0x11;
	v7 =	vand.u32 $0x7FF, v28  }
0x2a1: {  	v8 =	vcvt.s32.f32 v29;
	_ =	sdelay $0x1  }
0x2a2: {  	v8 =	vmul.f32 $9.765625000e-04, v8;
	_ =	sdelay $0x1  }
0x2a3: {  	v8 =	vmin.f32 v8, $1.000000000e+00;
	v7 =	vld.idx.msk [tilespmem:v7+s3+$0x0], $0xffff  }
0x2a4: {  	v8 =	vmul.f32 $4.000000000e+00, v8;
	_ =	sdelay $0x1  }
0x2a5: {  	v30 =	vshll.u32 v5, $0x2;
	v31 =	vtrunc.f32 v8  }
0x2a6: {  	v9 =	vand.u32 $0x1C, v30;
	v10 =	vcvt.f32.s32 v31  }
0x2a7: {  	v5 =	vshrl.u32 v5, $0xB;
	v7 =	vshrl.u32 v7, v9  }
0x2a8: {  	v5 =	vand.u32 $0x1FFFF8, v5;
	vm10 =	vlt.s32 v10, $0x3;
	v7 =	vand.u32 $0x7, v7  }
0x2a9: {  	v32 =	vand.u32 $0x1FFF8, v27;
	v33 =	vnsel vm10, $0x3, v10;
	v5 =	vor.u32 v5, v7  }
0x2aa: {  	v7 =	vmulhi.u32 $0x147AE15, v32;
	v10 =	vadd.s32 $0x1, v33;
	v5 =	vmul.u32 $0x1F4, v5;
	_ =	sdelay $0x1  }
0x2ab: {  	v5 =	vadd.s32 v7, v5  }
0x2ac: {  	[tilespmem:$0x1CB8] =	vst v5  }
0x2ad: {  	v5 =	vld.idx.msk [tilespmem:v33+s22+$0x0], $0xffff  }
0x2ae: {  	v34 =	vld.idx.msk [tilespmem:v10+s22+$0x0], $0xffff;
	_ =	sdelay $0x2  }
0x2af: {  	v9 =	vcvt.s32.f32 v33;
	_ =	sdelay $0x1  }
0x2b0: {  	v8 =	vsub.f32 v8, v9;
	v7 =	vsub.f32 v34, v5;
	_ =	sdelay $0x1  }
0x2b1: {  	v7 =	vmul.f32 v8, v7;
	_ =	sdelay $0x1  }
0x2b2: {  	v5 =	vadd.f32 v7, v5;
	_ =	sdelay $0x1  }
0x2b3: {  	v5 =	vadd.f32 $9.999999960e-13, v5;
	_ =	sdelay $0x1  }
0x2b4: {  	v35 =	vand.u32 $0x7FFFFF, v5  }
0x2b5: {  	v7 =	vor.u32 $0x3F800000, v35  }
0x2b6: {  	v36 =	vmul.f32 $4.342836510e-02, v7;
	_ =	sdelay $0x1  }
0x2b7: {  	v8 =	vadd.f32 $-4.048623140e-01, v36;
	_ =	sdelay $0x1  }
0x2b8: {  	v8 =	vmul.f32 v7, v8;
	_ =	sdelay $0x1  }
0x2b9: {  	v8 =	vadd.f32 $1.593884590e+00, v8;
	_ =	sdelay $0x1  }
0x2ba: {  	v8 =	vmul.f32 v7, v8;
	_ =	sdelay $0x1  }
0x2bb: {  	v8 =	vadd.f32 $-3.492465970e+00, v8;
	_ =	sdelay $0x1  }
0x2bc: {  	v8 =	vmul.f32 v7, v8;
	_ =	sdelay $0x1  }
0x2bd: {  	v8 =	vadd.f32 $5.046853070e+00, v8  }
0x2be: {  	v5 =	vshrl.u32 v5, $0x17  }
0x2bf: {  	v5 =	vand.u32 $0xFF, v5;
	v7 =	vmul.f32 v7, v8  }
0x2c0: {  	v5 =	vadd.s32 $0xFFFFFF81, v5  }
0x2c1: {  	v5 =	vcvt.s32.f32 v5;
	v7 =	vadd.f32 $-2.786805630e+00, v7;
	_ =	sdelay $0x1  }
0x2c2: {  	v5 =	vadd.f32 v5, v7;
	_ =	sdelay $0x1  }
0x2c3: {  	v37 =	vor.u32 $0x81, v2;
	v5 =	vmul.f32 $6.931471820e-01, v5;
	_ =	sdelay $0x1  }
0x2c4: {  	v5 =	vadd.f32 v5, v4  }
0x2c5: {  	vm11 =	vgt.u32 v27, $0x801FFFF  }
0x2c6: {  	v5 =	vsel vm11, v3, v5  }
0x2c7: {  	[tilespmem:v37+s30+$0x0] =	vst.idx.msk $0xffff, v5  }
0x2c8: {  	v5 =	vld [tilespmem:$0x1128]  }
0x2c9: {  	v38 =	vld [tilespmem:$0x588];
	_ =	sdelay $0x3  }
0x2ca: {  	v39 =	vshrl.u32 v5, $0x3  }
0x2cb: {  	v40 =	vshrl.u32 v38, $0x11;
	v7 =	vand.u32 $0x7FF, v39  }
0x2cc: {  	v8 =	vcvt.s32.f32 v40;
	_ =	sdelay $0x1  }
0x2cd: {  	v8 =	vmul.f32 $9.765625000e-04, v8;
	_ =	sdelay $0x1  }
0x2ce: {  	v8 =	vmin.f32 v8, $1.000000000e+00;
	v7 =	vld.idx.msk [tilespmem:v7+s3+$0x0], $0xffff  }
0x2cf: {  	v8 =	vmul.f32 $4.000000000e+00, v8;
	_ =	sdelay $0x1  }
0x2d0: {  	v41 =	vshll.u32 v5, $0x2;
	v42 =	vtrunc.f32 v8  }
0x2d1: {  	v9 =	vand.u32 $0x1C, v41;
	v10 =	vcvt.f32.s32 v42  }
0x2d2: {  	v5 =	vshrl.u32 v5, $0xB;
	v7 =	vshrl.u32 v7, v9  }
0x2d3: {  	v5 =	vand.u32 $0x1FFFF8, v5;
	vm12 =	vlt.s32 v10, $0x3;
	v7 =	vand.u32 $0x7, v7  }
0x2d4: {  	v43 =	vand.u32 $0x1FFF8, v38;
	v44 =	vnsel vm12, $0x3, v10;
	v5 =	vor.u32 v5, v7  }
0x2d5: {  	v7 =	vmulhi.u32 $0x147AE15, v43;
	v10 =	vadd.s32 $0x1, v44;
	v5 =	vmul.u32 $0x1F4, v5;
	_ =	sdelay $0x1  }
0x2d6: {  	v5 =	vadd.s32 v7, v5  }
0x2d7: {  	[tilespmem:$0x1CC8] =	vst v5  }
0x2d8: {  	v5 =	vld.idx.msk [tilespmem:v44+s22+$0x0], $0xffff  }
0x2d9: {  	v45 =	vld.idx.msk [tilespmem:v10+s22+$0x0], $0xffff;
	_ =	sdelay $0x2  }
0x2da: {  	v9 =	vcvt.s32.f32 v44;
	_ =	sdelay $0x1  }
0x2db: {  	v8 =	vsub.f32 v8, v9;
	v7 =	vsub.f32 v45, v5;
	_ =	sdelay $0x1  }
0x2dc: {  	v7 =	vmul.f32 v8, v7;
	_ =	sdelay $0x1  }
0x2dd: {  	v5 =	vadd.f32 v7, v5;
	_ =	sdelay $0x1  }
0x2de: {  	v5 =	vadd.f32 $9.999999960e-13, v5;
	_ =	sdelay $0x1  }
0x2df: {  	v46 =	vand.u32 $0x7FFFFF, v5  }
0x2e0: {  	v7 =	vor.u32 $0x3F800000, v46  }
0x2e1: {  	v47 =	vmul.f32 $4.342836510e-02, v7;
	_ =	sdelay $0x1  }
0x2e2: {  	v8 =	vadd.f32 $-4.048623140e-01, v47;
	_ =	sdelay $0x1  }
0x2e3: {  	v8 =	vmul.f32 v7, v8;
	_ =	sdelay $0x1  }
0x2e4: {  	v8 =	vadd.f32 $1.593884590e+00, v8;
	_ =	sdelay $0x1  }
0x2e5: {  	v8 =	vmul.f32 v7, v8;
	_ =	sdelay $0x1  }
0x2e6: {  	v8 =	vadd.f32 $-3.492465970e+00, v8;
	_ =	sdelay $0x1  }
0x2e7: {  	v8 =	vmul.f32 v7, v8;
	_ =	sdelay $0x1  }
0x2e8: {  	v8 =	vadd.f32 $5.046853070e+00, v8  }
0x2e9: {  	v5 =	vshrl.u32 v5, $0x17  }
0x2ea: {  	v5 =	vand.u32 $0xFF, v5;
	v7 =	vmul.f32 v7, v8  }
0x2eb: {  	v5 =	vadd.s32 $0xFFFFFF81, v5  }
0x2ec: {  	v5 =	vcvt.s32.f32 v5;
	v7 =	vadd.f32 $-2.786805630e+00, v7;
	_ =	sdelay $0x1  }
0x2ed: {  	v5 =	vadd.f32 v5, v7;
	_ =	sdelay $0x1  }
0x2ee: {  	v48 =	vor.u32 $0x101, v2;
	v5 =	vmul.f32 $6.931471820e-01, v5;
	_ =	sdelay $0x1  }
0x2ef: {  	v5 =	vadd.f32 v5, v4  }
0x2f0: {  	vm13 =	vgt.u32 v38, $0x801FFFF  }
0x2f1: {  	v5 =	vsel vm13, v3, v5  }
0x2f2: {  	[tilespmem:v48+s30+$0x0] =	vst.idx.msk $0xffff, v5  }
0x2f3: {  	v5 =	vld [tilespmem:$0x1138]  }
0x2f4: {  	v49 =	vld [tilespmem:$0x598];
	_ =	sdelay $0x3  }
0x2f5: {  	v50 =	vshrl.u32 v5, $0x3  }
0x2f6: {  	v51 =	vshrl.u32 v49, $0x11;
	v7 =	vand.u32 $0x7FF, v50  }
0x2f7: {  	v8 =	vcvt.s32.f32 v51;
	_ =	sdelay $0x1  }
0x2f8: {  	v8 =	vmul.f32 $9.765625000e-04, v8;
	_ =	sdelay $0x1  }
0x2f9: {  	v8 =	vmin.f32 v8, $1.000000000e+00;
	v7 =	vld.idx.msk [tilespmem:v7+s3+$0x0], $0xffff  }
0x2fa: {  	v8 =	vmul.f32 $4.000000000e+00, v8;
	_ =	sdelay $0x1  }
0x2fb: {  	v52 =	vshll.u32 v5, $0x2;
	v53 =	vtrunc.f32 v8  }
0x2fc: {  	v9 =	vand.u32 $0x1C, v52;
	v10 =	vcvt.f32.s32 v53  }
0x2fd: {  	v5 =	vshrl.u32 v5, $0xB;
	v7 =	vshrl.u32 v7, v9  }
0x2fe: {  	v5 =	vand.u32 $0x1FFFF8, v5;
	vm14 =	vlt.s32 v10, $0x3;
	v7 =	vand.u32 $0x7, v7  }
0x2ff: {  	v54 =	vand.u32 $0x1FFF8, v49;
	v55 =	vnsel vm14, $0x3, v10;
	v5 =	vor.u32 v5, v7  }
0x300: {  	v7 =	vmulhi.u32 $0x147AE15, v54;
	v10 =	vadd.s32 $0x1, v55;
	v5 =	vmul.u32 $0x1F4, v5;
	_ =	sdelay $0x1  }
0x301: {  	v5 =	vadd.s32 v7, v5  }
0x302: {  	[tilespmem:$0x1CD8] =	vst v5  }
0x303: {  	v5 =	vld.idx.msk [tilespmem:v55+s22+$0x0], $0xffff  }
0x304: {  	v56 =	vld.idx.msk [tilespmem:v10+s22+$0x0], $0xffff;
	_ =	sdelay $0x2  }
0x305: {  	v9 =	vcvt.s32.f32 v55;
	_ =	sdelay $0x1  }
0x306: {  	v8 =	vsub.f32 v8, v9;
	v7 =	vsub.f32 v56, v5;
	_ =	sdelay $0x1  }
0x307: {  	v7 =	vmul.f32 v8, v7;
	_ =	sdelay $0x1  }
0x308: {  	v5 =	vadd.f32 v7, v5;
	_ =	sdelay $0x1  }
0x309: {  	v5 =	vadd.f32 $9.999999960e-13, v5;
	_ =	sdelay $0x1  }
0x30a: {  	v57 =	vand.u32 $0x7FFFFF, v5  }
0x30b: {  	v7 =	vor.u32 $0x3F800000, v57  }
0x30c: {  	v58 =	vmul.f32 $4.342836510e-02, v7;
	_ =	sdelay $0x1  }
0x30d: {  	v8 =	vadd.f32 $-4.048623140e-01, v58;
	_ =	sdelay $0x1  }
0x30e: {  	v8 =	vmul.f32 v7, v8;
	_ =	sdelay $0x1  }
0x30f: {  	v8 =	vadd.f32 $1.593884590e+00, v8;
	_ =	sdelay $0x1  }
0x310: {  	v8 =	vmul.f32 v7, v8;
	_ =	sdelay $0x1  }
0x311: {  	v8 =	vadd.f32 $-3.492465970e+00, v8;
	_ =	sdelay $0x1  }
0x312: {  	v8 =	vmul.f32 v7, v8;
	_ =	sdelay $0x1  }
0x313: {  	v8 =	vadd.f32 $5.046853070e+00, v8  }
0x314: {  	v5 =	vshrl.u32 v5, $0x17  }
0x315: {  	v5 =	vand.u32 $0xFF, v5;
	v7 =	vmul.f32 v7, v8  }
0x316: {  	v5 =	vadd.s32 $0xFFFFFF81, v5  }
0x317: {  	v5 =	vcvt.s32.f32 v5;
	v7 =	vadd.f32 $-2.786805630e+00, v7;
	_ =	sdelay $0x1  }
0x318: {  	v5 =	vadd.f32 v5, v7;
	_ =	sdelay $0x1  }
0x319: {  	v59 =	vor.u32 $0x181, v2;
	v5 =	vmul.f32 $6.931471820e-01, v5;
	_ =	sdelay $0x1  }
0x31a: {  	v60 =	vadd.f32 v5, v4  }
0x31b: {  	vm15 =	vgt.u32 v49, $0x801FFFF  }
0x31c: {  	v3 =	vsel vm15, v3, v60  }
0x31d: {  	s21 =	simm.s32 $0x40;
	[tilespmem:v59+s30+$0x0] =	vst.idx.msk $0xffff, v3  }
0x31e: {  	[tilespmem:s1], [sflag:$0x7] =	stream.indirect.gather [hbm4b:s4+s21], $0x1, s0, s21, $0xb8;
	[tilespmem:$0x90E8] =	vst v63  }
0x31f: {  	_ =	swait.ge [sflag:s5], $0x40  }
0x320: {  	[sflag:s5] =	ssyncset.done $0x0  }
0x321: {  	[sflag:s5] =	ssyncadd.s32 $0xFFFFFFC0  }
0x322: {  	v3 =	vld [tilespmem:$0x2848];
	_ =	sdelay $0x4  }
0x323: {  	[tilespmem:v2+s30+$0x0] =	vst.idx.msk $0xffff, v3  }
0x324: {  	v61 =	vor.u32 $0x80, v2;
	v3 =	vld [tilespmem:$0x2858];
	_ =	sdelay $0x4  }
0x325: {  	[tilespmem:v61+s30+$0x0] =	vst.idx.msk $0xffff, v3  }
0x326: {  	v62 =	vor.u32 $0x100, v2;
	v3 =	vld [tilespmem:$0x2868];
	_ =	sdelay $0x4  }
0x327: {  	[tilespmem:v62+s30+$0x0] =	vst.idx.msk $0xffff, v3  }
0x328: {  	v63 =	vor.u32 $0x180, v2;
	v3 =	vld [tilespmem:$0x2878];
	_ =	sdelay $0x4  }
.Ltmp10:
0x329: {  	s25 =	rddreg [dreg:$0xc];
	[tilespmem:v63+s30+$0x0] =	vst.idx.msk $0xffff, v3;
	(pc) =	sbr.rel .LBB2_17-.Ltmp10, $4  }
0x32a: {  	[hbm4b:s25+s3] =	stream.linear.scatter [tilespmem:s30], [sflag:$0x9], $0x200, $0x38;
	[tilespmem:$0x90E8] =	vst v63  }
0x32b: {  	_ =	swait.ge [sflag:s10], $0x200  }
0x32c: {  	[sflag:s10] =	ssyncset.done $0x0  }
0x32d: {  	[sflag:s10] =	ssyncadd.s32 $0xFFFFFE00  }
.LBB2_18:
0x32e: {  	_ =	sfence.sel $0x180000  }
0x32f: {  	[bflag:$0x0] =	sbarrier.arrive $0xFFFF  }
0x330: {  	_ =	strace $0x90000047  }
0x331: {  	s0 =	stileid.u32;
	[bflag:$0x2] =	sbarrier.arrive $0xFFFF  }
0x332: {  	p0 =	sne.s32 s0, $0x0;
	s0 =	rddreg [dreg:$0x2]  }
0x333: {  	s0 =	sadd.s32 @!p0 $0x100000, s0  }
0x334: {  	[sflag:s0] =	ssyncadd.tile.s32 @!p0 $0x1;
	_ =	shalt  }
.Lfunc_end2:
_tile_overlayer_lowered:
.L_overlay_start_2:
0x335: {  	(tag) =	ssettag $0x2  }
0x336: {  	s0 =	rddreg [dreg:$0x0];
	s2 =	stileid.u32  }
0x337: {  	s1 =	rddreg [dreg:$0x1];
	p0 =	sne.s32 s2, $0x0  }
0x338: {  	s3 =	rddreg [dreg:$0x2];
	[bflag:$0x3] =	sbarrier.arrive $0xFFFF;
	s2 =	simm.s32 @!p0 $0x1C09  }
0x339: {  	[timem:s3], [sflag:s2] =	dma.local @!p0 [hbm:s0], s1  }
0x33a: {  	s0 =	simm.s32 @!p0 $0x9  }
0x33b: {  	_ =	swait.ge @!p0 [sflag:s0], s1  }
0x33c: {  	s1 =	ssub.s32 @!p0 $0x0, s1;
	[sflag:s0] =	ssyncset.done @!p0 $0x0  }
0x33d: {  	[sflag:s0] =	ssyncadd.s32 @!p0 s1  }
0x33e: {  	[bflag:$0x3] =	sbarrier.arrive $0xFFFF  }
0x33f: {  	_ =	shalt  }

</sc_bundles>
